<compile_context>
chip_gen: v7x
topology: tpu7x:2x2x1
jax: 0.10.2.dev20260603
libtpu: 0.0.44.dev20260713+nightly
codegen_flags: <defaults>
</compile_context>

<pallas_src>
import functools

import jax
import jax.numpy as jnp
from jax import lax
from jax.experimental import pallas as pl
from jax.experimental.pallas import tpu as pltpu
from jax.experimental.pallas import tpu_sc as plsc

B = 1024
S = 2048
E = 16
P = 512
TB = 256
NSLOT = 6144
NBLK = 23
NBLK_PAD = 24

NC, NS = 2, 16
NW = NC * NS
TPW = B // NW


def _router_body(x_ref, wg_ref, bg_ref, slot1_ref, slot2_ref, w1_ref, w2_ref,
                 bexp_ref, nb_ref):
    g = jnp.dot(x_ref[...], wg_ref[...], preferred_element_type=jnp.float32)
    g = g + bg_ref[...]
    iota_e = lax.broadcasted_iota(jnp.int32, (B, E), 1)
    m1 = jnp.max(g, axis=1, keepdims=True)
    a1 = jnp.min(jnp.where(g == m1, iota_e, E), axis=1, keepdims=True)
    gm = jnp.where(iota_e == a1, -jnp.inf, g)
    m2 = jnp.max(gm, axis=1, keepdims=True)
    a2 = jnp.min(jnp.where(gm == m2, iota_e, E), axis=1, keepdims=True)
    w1 = 1.0 / (1.0 + jnp.exp(m2 - m1))
    w1_ref[...] = jnp.broadcast_to(w1, (B, E))
    w2_ref[...] = jnp.broadcast_to(1.0 - w1, (B, E))

    oh1 = (iota_e == a1).astype(jnp.float32)
    oh2 = (iota_e == a2).astype(jnp.float32)
    ib_r = lax.broadcasted_iota(jnp.int32, (B, B), 0)
    ib_c = lax.broadcasted_iota(jnp.int32, (B, B), 1)
    ltri = (ib_r > ib_c).astype(jnp.float32)
    ex1 = jnp.dot(ltri, oh1, preferred_element_type=jnp.float32)
    ex2 = jnp.dot(ltri, oh2, preferred_element_type=jnp.float32)
    counts1 = jnp.sum(oh1, axis=0, keepdims=True)
    counts2 = jnp.sum(oh2, axis=0, keepdims=True)
    counts = counts1 + counts2
    rank1 = jnp.sum(ex1 * oh1, axis=1, keepdims=True)
    rank2 = (jnp.sum(ex2 * oh2, axis=1, keepdims=True)
             + jnp.sum(counts1 * oh2, axis=1, keepdims=True))
    padded = jnp.ceil(counts * (1.0 / TB)) * TB
    ie_r = lax.broadcasted_iota(jnp.int32, (E, E), 0)
    ie_c = lax.broadcasted_iota(jnp.int32, (E, E), 1)
    offs = jnp.sum(jnp.where(ie_r < ie_c, jnp.broadcast_to(padded.reshape(E, 1), (E, E)), 0.0),
                   axis=0, keepdims=True)
    ends = offs + padded
    slot1_ref[...] = (jnp.sum(offs * oh1, axis=1, keepdims=True)
                      + rank1).astype(jnp.int32).reshape(B)
    slot2_ref[...] = (jnp.sum(offs * oh2, axis=1, keepdims=True)
                      + rank2).astype(jnp.int32).reshape(B)
    jblk = (lax.broadcasted_iota(jnp.int32, (NBLK_PAD, E), 0) * TB).astype(jnp.float32)
    bexp = jnp.sum((jnp.broadcast_to(ends, (NBLK_PAD, E)) <= jblk).astype(jnp.int32),
                   axis=1, keepdims=True)
    bexp_ref[...] = jnp.minimum(bexp, E - 1).reshape(NBLK_PAD)
    nb_ref[...] = (jnp.sum(padded, axis=1, keepdims=True) * (1.0 / TB)).astype(jnp.int32)


def _router_call(x, Wg, bg2):
    return pl.pallas_call(
        _router_body,
        out_shape=[
            jax.ShapeDtypeStruct((B,), jnp.int32),
            jax.ShapeDtypeStruct((B,), jnp.int32),
            jax.ShapeDtypeStruct((B, E), jnp.float32),
            jax.ShapeDtypeStruct((B, E), jnp.float32),
            jax.ShapeDtypeStruct((NBLK_PAD,), jnp.int32),
            jax.ShapeDtypeStruct((1, 1), jnp.int32),
        ],
    )(x, Wg, bg2)


def _dispatch_body(x_hbm, slot1_hbm, slot2_hbm, xs_hbm, idx1_v, idx2_v,
                   rows_v, sem1, sem2):
    wid = lax.axis_index("s") * NC + lax.axis_index("c")
    base = wid * TPW
    pltpu.sync_copy(slot1_hbm.at[pl.ds(base, TPW)], idx1_v)
    pltpu.sync_copy(slot2_hbm.at[pl.ds(base, TPW)], idx2_v)
    pltpu.sync_copy(x_hbm.at[pl.ds(base, TPW)], rows_v)
    d1 = pltpu.async_copy(rows_v, xs_hbm.at[idx1_v], sem1)
    d2 = pltpu.async_copy(rows_v, xs_hbm.at[idx2_v], sem2)
    d1.wait()
    d2.wait()


@functools.cache
def _dispatch_call():
    mesh = plsc.VectorSubcoreMesh(core_axis_name="c", subcore_axis_name="s",
                                  num_cores=NC, num_subcores=NS)
    return pl.kernel(
        _dispatch_body,
        out_type=jax.ShapeDtypeStruct((NSLOT, S), jnp.float32),
        mesh=mesh,
        scratch_types=[
            pltpu.VMEM((TPW,), jnp.int32),
            pltpu.VMEM((TPW,), jnp.int32),
            pltpu.VMEM((TPW, S), jnp.float32),
            pltpu.SemaphoreType.DMA,
            pltpu.SemaphoreType.DMA,
        ],
    )


def _mm_body(nb_ref, bexp_ref, xs_ref, we_ref, be_ref, y_ref):
    j = pl.program_id(0)

    @pl.when(j < nb_ref[0])
    def _():
        y_ref[...] = (jnp.dot(xs_ref[...], we_ref[0],
                              preferred_element_type=jnp.float32)
                      + be_ref[0])


def _mm_call(nb, bexp, xs, We, be):
    def _j(j, nb_ref):
        return jnp.minimum(j, nb_ref[0] - 1)

    grid_spec = pltpu.PrefetchScalarGridSpec(
        num_scalar_prefetch=2,
        grid=(NBLK,),
        in_specs=[
            pl.BlockSpec((TB, S), lambda j, nb, bexp: (_j(j, nb), 0)),
            pl.BlockSpec((1, S, P), lambda j, nb, bexp: (bexp[_j(j, nb)], 0, 0)),
            pl.BlockSpec((1, 1, P), lambda j, nb, bexp: (bexp[_j(j, nb)], 0, 0)),
        ],
        out_specs=pl.BlockSpec((TB, P), lambda j, nb, bexp: (_j(j, nb), 0)),
    )
    return pl.pallas_call(
        _mm_body,
        grid_spec=grid_spec,
        out_shape=jax.ShapeDtypeStruct((NSLOT, P), jnp.float32),
    )(nb, bexp, xs, We, be.reshape(E, 1, P))


def _combine_body(y_hbm, slot1_hbm, slot2_hbm, w1_hbm, w2_hbm, out_hbm,
                  idx1_v, idx2_v, w1_v, w2_v, r1_v, r2_v, o_v,
                  sem1, sem2, sem3, sem4, sem5, sem6):
    wid = lax.axis_index("s") * NC + lax.axis_index("c")
    base = wid * TPW
    pltpu.sync_copy(slot1_hbm.at[pl.ds(base, TPW)], idx1_v)
    pltpu.sync_copy(slot2_hbm.at[pl.ds(base, TPW)], idx2_v)
    pltpu.sync_copy(w1_hbm.at[pl.ds(base, TPW)], w1_v)
    pltpu.sync_copy(w2_hbm.at[pl.ds(base, TPW)], w2_v)
    half = TPW // 2
    g1a = pltpu.async_copy(y_hbm.at[idx1_v.at[pl.ds(0, half)]],
                           r1_v.at[pl.ds(0, half)], sem1)
    g2a = pltpu.async_copy(y_hbm.at[idx2_v.at[pl.ds(0, half)]],
                           r2_v.at[pl.ds(0, half)], sem2)
    g1b = pltpu.async_copy(y_hbm.at[idx1_v.at[pl.ds(half, half)]],
                           r1_v.at[pl.ds(half, half)], sem3)
    g2b = pltpu.async_copy(y_hbm.at[idx2_v.at[pl.ds(half, half)]],
                           r2_v.at[pl.ds(half, half)], sem4)

    def body(i, carry):
        w1b = w1_v[i, :]
        w2b = w2_v[i, :]
        for c in range(P // 16):
            sl = pl.ds(c * 16, 16)
            o_v[i, sl] = w1b * r1_v[i, sl] + w2b * r2_v[i, sl]
        return carry

    g1a.wait()
    g2a.wait()
    lax.fori_loop(0, half, body, 0)
    sa = pltpu.async_copy(o_v.at[pl.ds(0, half)],
                          out_hbm.at[pl.ds(base, half)], sem5)
    g1b.wait()
    g2b.wait()
    lax.fori_loop(half, TPW, body, 0)
    sb = pltpu.async_copy(o_v.at[pl.ds(half, half)],
                          out_hbm.at[pl.ds(base + half, half)], sem6)
    sa.wait()
    sb.wait()


@functools.cache
def _combine_call():
    mesh = plsc.VectorSubcoreMesh(core_axis_name="c", subcore_axis_name="s",
                                  num_cores=NC, num_subcores=NS)
    return pl.kernel(
        _combine_body,
        out_type=jax.ShapeDtypeStruct((B, P), jnp.float32),
        mesh=mesh,
        scratch_types=[
            pltpu.VMEM((TPW,), jnp.int32),
            pltpu.VMEM((TPW,), jnp.int32),
            pltpu.VMEM((TPW, E), jnp.float32),
            pltpu.VMEM((TPW, E), jnp.float32),
            pltpu.VMEM((TPW, P), jnp.float32),
            pltpu.VMEM((TPW, P), jnp.float32),
            pltpu.VMEM((TPW, P), jnp.float32),
            pltpu.SemaphoreType.DMA,
            pltpu.SemaphoreType.DMA,
            pltpu.SemaphoreType.DMA,
            pltpu.SemaphoreType.DMA,
            pltpu.SemaphoreType.DMA,
            pltpu.SemaphoreType.DMA,
        ],
    )


def kernel(x, Wg, bg, We, be):
    slot1, slot2, w1c, w2c, bexp, nbc = _router_call(x, Wg, bg.reshape(1, E))
    nb = nbc.reshape(1)
    xs = _dispatch_call()(x, slot1, slot2)
    ys = _mm_call(nb, bexp, xs, We, be)
    return _combine_call()(ys, slot1, slot2, w1c, w2c)

# --- scband reference (transcript-rebuilt; emitter-appended) ---
"""Pipeline reference for scband-sparse-mo-e-6210522710667 (READ-ONLY COPY).

The authoritative reference and input builder live on the scoring server;
editing this copy changes nothing except your own understanding.
"""

import jax, jax.numpy as jnp
import numpy as np

NUM_EXPERTS = 16
TOP_K = 2
MOE_TEMP = 1.0
SEQ_LEN = 2048
PRED_LEN = 512
BATCH = 1024


def setup_inputs(seed: int = 0) -> dict:
    key = jax.random.key(seed)
    k0, k1, k2, k3 = jax.random.split(key, 4)
    x = jax.random.normal(k0, (BATCH, SEQ_LEN), dtype=jnp.float32)
    # gating network: nn.Linear(train_seq_len, num_experts, bias=True)
    Wg = jax.random.normal(k1, (SEQ_LEN, NUM_EXPERTS), dtype=jnp.float32) * (1.0 / np.sqrt(SEQ_LEN))
    bg = jnp.zeros((NUM_EXPERTS,), dtype=jnp.float32)
    # experts: 16 x nn.Linear(SEQ_LEN, PRED_LEN), stacked
    We = jax.random.normal(k2, (NUM_EXPERTS, SEQ_LEN, PRED_LEN), dtype=jnp.float32) * (1.0 / np.sqrt(SEQ_LEN))
    be = jnp.zeros((NUM_EXPERTS, PRED_LEN), dtype=jnp.float32)
    return {"x": x, "Wg": Wg, "bg": bg, "We": We, "be": be}


def reference(x, Wg, bg, We, be):
    # Eval-mode path of SparseMoE.forward (use_fft=False, moe_norm=False, not training):
    # gate_outputs = gating_network(x) / moe_temp; topk (no noise); softmax over topk;
    # all experts computed densely, selected outputs gathered and mixed.
    gate_outputs = (x @ Wg + bg) / MOE_TEMP                      # [B, E]
    topk_values, topk_indices = jax.lax.top_k(gate_outputs, TOP_K)  # [B, k]
    topk_gates = jax.nn.softmax(topk_values, axis=1)             # [B, k]
    # expert_outputs = stack([expert_i(x) for i]) -> [B, E, P]
    expert_outputs = jnp.einsum('bs,esp->bep', x, We) + be[None, :, :]
    idx = jnp.broadcast_to(topk_indices[:, :, None], (x.shape[0], TOP_K, PRED_LEN))
    sparse_expert_outputs = jnp.take_along_axis(expert_outputs, idx, axis=1)  # [B, k, P]
    output = jnp.sum(topk_gates[:, :, None] * sparse_expert_outputs, axis=1)  # [B, P]
    return output

if __name__ == "__main__":
    import jax
    _d = setup_inputs()
    print(jax.jit(kernel)(*tuple(_d.values())))

</pallas_src>

<mosaic_0001>
#map = affine_map<(d0, d1) -> (0, 0)>
#map1 = affine_map<(d0, d1) -> (0)>
module attributes {stable_mosaic.version = 14 : i64} {
  func.func @_combine_body(%arg0: i32, %arg1: i32, %arg2: memref<6144x512xf32, #tpu.memory_space<hbm>>, %arg3: memref<1024xi32, #tpu.memory_space<hbm>>, %arg4: memref<1024xi32, #tpu.memory_space<hbm>>, %arg5: memref<1024x16xf32, #tpu.memory_space<hbm>>, %arg6: memref<1024x16xf32, #tpu.memory_space<hbm>>, %arg7: memref<1024x512xf32, #tpu.memory_space<hbm>>, %arg8: memref<32xi32, #tpu.memory_space<vmem>>, %arg9: memref<32xi32, #tpu.memory_space<vmem>>, %arg10: memref<32x16xf32, #tpu.memory_space<vmem>>, %arg11: memref<32x16xf32, #tpu.memory_space<vmem>>, %arg12: memref<32x512xf32, #tpu.memory_space<vmem>>, %arg13: memref<32x512xf32, #tpu.memory_space<vmem>>, %arg14: memref<32x512xf32, #tpu.memory_space<vmem>>, %arg15: memref<!tpu.dma_semaphore, #tpu.memory_space<semaphore_mem>>, %arg16: memref<!tpu.dma_semaphore, #tpu.memory_space<semaphore_mem>>, %arg17: memref<!tpu.dma_semaphore, #tpu.memory_space<semaphore_mem>>, %arg18: memref<!tpu.dma_semaphore, #tpu.memory_space<semaphore_mem>>, %arg19: memref<!tpu.dma_semaphore, #tpu.memory_space<semaphore_mem>>, %arg20: memref<!tpu.dma_semaphore, #tpu.memory_space<semaphore_mem>>) attributes {dimension_semantics = [#tpu.dimension_semantics<core_parallel>, #tpu.dimension_semantics<subcore_parallel>], iteration_bounds = array<i64: 2, 16>, scalar_prefetch = 0 : i64, scratch_operands = 13 : i64, tpu.core_type = #tpu.core_type<sc_vector_subcore>, window_params = [{transform_indices = #map}, {transform_indices = #map1}, {transform_indices = #map1}, {transform_indices = #map}, {transform_indices = #map}, {transform_indices = #map}]} {
    %mul3A = arith.constant 2 : i32
    %mul3A_0 = arith.muli %arg1, %mul3A : i32
    %add3A = arith.addi %mul3A_0, %arg0 : i32
    %mul3A_1 = arith.constant 32 : i32
    %mul3A_2 = arith.muli %add3A, %mul3A_1 : i32
    "tpu.region"() ({
      %run_scoped3A = tpu.sem_alloc : memref<!tpu.dma_semaphore, #tpu.memory_space<semaphore_mem>>
      %dma_start3A_118 = tpu.memref_slice %arg3[%mul3A_2] : memref<1024xi32, #tpu.memory_space<hbm>> -> memref<32xi32, #tpu.memory_space<hbm>>
      %dma_start3A_119 = tpu.memref_slice %arg3[%mul3A_2] : memref<1024xi32, #tpu.memory_space<hbm>> -> memref<32xi32, #tpu.memory_space<hbm>>
      tpu.enqueue_dma source(%dma_start3A_119 : memref<32xi32, #tpu.memory_space<hbm>>) target(%arg8 : memref<32xi32, #tpu.memory_space<vmem>>) target_semaphore(%run_scoped3A : memref<!tpu.dma_semaphore, #tpu.memory_space<semaphore_mem>>)
      %dma_wait3A_120 = tpu.memref_slice %arg3[%mul3A_2] : memref<1024xi32, #tpu.memory_space<hbm>> -> memref<32xi32, #tpu.memory_space<hbm>>
      %dma_wait3A_121 = tpu.memref_slice %arg3[%mul3A_2] : memref<1024xi32, #tpu.memory_space<hbm>> -> memref<32xi32, #tpu.memory_space<hbm>>
      tpu.wait_dma2 semaphore(%run_scoped3A : memref<!tpu.dma_semaphore, #tpu.memory_space<semaphore_mem>>) src(%dma_wait3A_121 : memref<32xi32, #tpu.memory_space<hbm>>) dst(%arg8 : memref<32xi32, #tpu.memory_space<vmem>>)
      tpu.yield
    }) : () -> ()
    "tpu.region"() ({
      %run_scoped3A = tpu.sem_alloc : memref<!tpu.dma_semaphore, #tpu.memory_space<semaphore_mem>>
      %dma_start3A_118 = tpu.memref_slice %arg4[%mul3A_2] : memref<1024xi32, #tpu.memory_space<hbm>> -> memref<32xi32, #tpu.memory_space<hbm>>
      %dma_start3A_119 = tpu.memref_slice %arg4[%mul3A_2] : memref<1024xi32, #tpu.memory_space<hbm>> -> memref<32xi32, #tpu.memory_space<hbm>>
      tpu.enqueue_dma source(%dma_start3A_119 : memref<32xi32, #tpu.memory_space<hbm>>) target(%arg9 : memref<32xi32, #tpu.memory_space<vmem>>) target_semaphore(%run_scoped3A : memref<!tpu.dma_semaphore, #tpu.memory_space<semaphore_mem>>)
      %dma_wait3A_120 = tpu.memref_slice %arg4[%mul3A_2] : memref<1024xi32, #tpu.memory_space<hbm>> -> memref<32xi32, #tpu.memory_space<hbm>>
      %dma_wait3A_121 = tpu.memref_slice %arg4[%mul3A_2] : memref<1024xi32, #tpu.memory_space<hbm>> -> memref<32xi32, #tpu.memory_space<hbm>>
      tpu.wait_dma2 semaphore(%run_scoped3A : memref<!tpu.dma_semaphore, #tpu.memory_space<semaphore_mem>>) src(%dma_wait3A_121 : memref<32xi32, #tpu.memory_space<hbm>>) dst(%arg9 : memref<32xi32, #tpu.memory_space<vmem>>)
      tpu.yield
    }) : () -> ()
    "tpu.region"() ({
      %run_scoped3A = tpu.sem_alloc : memref<!tpu.dma_semaphore, #tpu.memory_space<semaphore_mem>>
      %dma_start3A_118 = arith.constant 0 : i32
      %dma_start3A_119 = tpu.memref_slice %arg5[%mul3A_2, %dma_start3A_118] : memref<1024x16xf32, #tpu.memory_space<hbm>> -> memref<32x16xf32, #tpu.memory_space<hbm>>
      %dma_start3A_120 = arith.constant 0 : i32
      %dma_start3A_121 = tpu.memref_slice %arg5[%mul3A_2, %dma_start3A_120] : memref<1024x16xf32, #tpu.memory_space<hbm>> -> memref<32x16xf32, #tpu.memory_space<hbm>>
      tpu.enqueue_dma source(%dma_start3A_121 : memref<32x16xf32, #tpu.memory_space<hbm>>) target(%arg10 : memref<32x16xf32, #tpu.memory_space<vmem>>) target_semaphore(%run_scoped3A : memref<!tpu.dma_semaphore, #tpu.memory_space<semaphore_mem>>)
      %dma_wait3A_122 = arith.constant 0 : i32
      %dma_wait3A_123 = tpu.memref_slice %arg5[%mul3A_2, %dma_wait3A_122] : memref<1024x16xf32, #tpu.memory_space<hbm>> -> memref<32x16xf32, #tpu.memory_space<hbm>>
      %dma_wait3A_124 = arith.constant 0 : i32
      %dma_wait3A_125 = tpu.memref_slice %arg5[%mul3A_2, %dma_wait3A_124] : memref<1024x16xf32, #tpu.memory_space<hbm>> -> memref<32x16xf32, #tpu.memory_space<hbm>>
      tpu.wait_dma2 semaphore(%run_scoped3A : memref<!tpu.dma_semaphore, #tpu.memory_space<semaphore_mem>>) src(%dma_wait3A_125 : memref<32x16xf32, #tpu.memory_space<hbm>>) dst(%arg10 : memref<32x16xf32, #tpu.memory_space<vmem>>)
      tpu.yield
    }) : () -> ()
    "tpu.region"() ({
      %run_scoped3A = tpu.sem_alloc : memref<!tpu.dma_semaphore, #tpu.memory_space<semaphore_mem>>
      %dma_start3A_118 = arith.constant 0 : i32
      %dma_start3A_119 = tpu.memref_slice %arg6[%mul3A_2, %dma_start3A_118] : memref<1024x16xf32, #tpu.memory_space<hbm>> -> memref<32x16xf32, #tpu.memory_space<hbm>>
      %dma_start3A_120 = arith.constant 0 : i32
      %dma_start3A_121 = tpu.memref_slice %arg6[%mul3A_2, %dma_start3A_120] : memref<1024x16xf32, #tpu.memory_space<hbm>> -> memref<32x16xf32, #tpu.memory_space<hbm>>
      tpu.enqueue_dma source(%dma_start3A_121 : memref<32x16xf32, #tpu.memory_space<hbm>>) target(%arg11 : memref<32x16xf32, #tpu.memory_space<vmem>>) target_semaphore(%run_scoped3A : memref<!tpu.dma_semaphore, #tpu.memory_space<semaphore_mem>>)
      %dma_wait3A_122 = arith.constant 0 : i32
      %dma_wait3A_123 = tpu.memref_slice %arg6[%mul3A_2, %dma_wait3A_122] : memref<1024x16xf32, #tpu.memory_space<hbm>> -> memref<32x16xf32, #tpu.memory_space<hbm>>
      %dma_wait3A_124 = arith.constant 0 : i32
      %dma_wait3A_125 = tpu.memref_slice %arg6[%mul3A_2, %dma_wait3A_124] : memref<1024x16xf32, #tpu.memory_space<hbm>> -> memref<32x16xf32, #tpu.memory_space<hbm>>
      tpu.wait_dma2 semaphore(%run_scoped3A : memref<!tpu.dma_semaphore, #tpu.memory_space<semaphore_mem>>) src(%dma_wait3A_125 : memref<32x16xf32, #tpu.memory_space<hbm>>) dst(%arg11 : memref<32x16xf32, #tpu.memory_space<vmem>>)
      tpu.yield
    }) : () -> ()
    %dma_start3A = arith.constant 0 : i32
    %dma_start3A_3 = arith.constant 0 : i32
    %dma_start3A_4 = tpu.memref_slice %arg12[%dma_start3A, %dma_start3A_3] : memref<32x512xf32, #tpu.memory_space<vmem>> -> memref<16x512xf32, #tpu.memory_space<vmem>>
    %dma_start3A_5 = arith.constant 0 : i32
    %dma_start3A_6 = tpu.memref_slice %arg8[%dma_start3A_5] : memref<32xi32, #tpu.memory_space<vmem>> -> memref<16xi32, #tpu.memory_space<vmem>>
    %dma_start3A_7 = arith.constant 0 : i32
    %dma_start3A_8 = arith.constant 0 : i32
    %dma_start3A_9 = tpu.memref_slice %arg2[%dma_start3A_7, %dma_start3A_8] : memref<6144x512xf32, #tpu.memory_space<hbm>> -> memref<6144x512xf32, #tpu.memory_space<hbm>>
    tpu.enqueue_indirect_dma source(%dma_start3A_9 : memref<6144x512xf32, #tpu.memory_space<hbm>>) target(%dma_start3A_4 : memref<16x512xf32, #tpu.memory_space<vmem>>) offsets(%dma_start3A_6 : memref<16xi32, #tpu.memory_space<vmem>>) semaphore(%arg15 : memref<!tpu.dma_semaphore, #tpu.memory_space<semaphore_mem>>)
    %dma_start3A_10 = arith.constant 0 : i32
    %dma_start3A_11 = arith.constant 0 : i32
    %dma_start3A_12 = tpu.memref_slice %arg13[%dma_start3A_10, %dma_start3A_11] : memref<32x512xf32, #tpu.memory_space<vmem>> -> memref<16x512xf32, #tpu.memory_space<vmem>>
    %dma_start3A_13 = arith.constant 0 : i32
    %dma_start3A_14 = tpu.memref_slice %arg9[%dma_start3A_13] : memref<32xi32, #tpu.memory_space<vmem>> -> memref<16xi32, #tpu.memory_space<vmem>>
    %dma_start3A_15 = arith.constant 0 : i32
    %dma_start3A_16 = arith.constant 0 : i32
    %dma_start3A_17 = tpu.memref_slice %arg2[%dma_start3A_15, %dma_start3A_16] : memref<6144x512xf32, #tpu.memory_space<hbm>> -> memref<6144x512xf32, #tpu.memory_space<hbm>>
    tpu.enqueue_indirect_dma source(%dma_start3A_17 : memref<6144x512xf32, #tpu.memory_space<hbm>>) target(%dma_start3A_12 : memref<16x512xf32, #tpu.memory_space<vmem>>) offsets(%dma_start3A_14 : memref<16xi32, #tpu.memory_space<vmem>>) semaphore(%arg16 : memref<!tpu.dma_semaphore, #tpu.memory_space<semaphore_mem>>)
    %dma_start3A_18 = arith.constant 16 : i32
    %dma_start3A_19 = arith.constant 0 : i32
    %dma_start3A_20 = tpu.memref_slice %arg12[%dma_start3A_18, %dma_start3A_19] : memref<32x512xf32, #tpu.memory_space<vmem>> -> memref<16x512xf32, #tpu.memory_space<vmem>>
    %dma_start3A_21 = arith.constant 16 : i32
    %dma_start3A_22 = tpu.memref_slice %arg8[%dma_start3A_21] : memref<32xi32, #tpu.memory_space<vmem>> -> memref<16xi32, #tpu.memory_space<vmem>>
    %dma_start3A_23 = arith.constant 0 : i32
    %dma_start3A_24 = arith.constant 0 : i32
    %dma_start3A_25 = tpu.memref_slice %arg2[%dma_start3A_23, %dma_start3A_24] : memref<6144x512xf32, #tpu.memory_space<hbm>> -> memref<6144x512xf32, #tpu.memory_space<hbm>>
    tpu.enqueue_indirect_dma source(%dma_start3A_25 : memref<6144x512xf32, #tpu.memory_space<hbm>>) target(%dma_start3A_20 : memref<16x512xf32, #tpu.memory_space<vmem>>) offsets(%dma_start3A_22 : memref<16xi32, #tpu.memory_space<vmem>>) semaphore(%arg17 : memref<!tpu.dma_semaphore, #tpu.memory_space<semaphore_mem>>)
    %dma_start3A_26 = arith.constant 16 : i32
    %dma_start3A_27 = arith.constant 0 : i32
    %dma_start3A_28 = tpu.memref_slice %arg13[%dma_start3A_26, %dma_start3A_27] : memref<32x512xf32, #tpu.memory_space<vmem>> -> memref<16x512xf32, #tpu.memory_space<vmem>>
    %dma_start3A_29 = arith.constant 16 : i32
    %dma_start3A_30 = tpu.memref_slice %arg9[%dma_start3A_29] : memref<32xi32, #tpu.memory_space<vmem>> -> memref<16xi32, #tpu.memory_space<vmem>>
    %dma_start3A_31 = arith.constant 0 : i32
    %dma_start3A_32 = arith.constant 0 : i32
    %dma_start3A_33 = tpu.memref_slice %arg2[%dma_start3A_31, %dma_start3A_32] : memref<6144x512xf32, #tpu.memory_space<hbm>> -> memref<6144x512xf32, #tpu.memory_space<hbm>>
    tpu.enqueue_indirect_dma source(%dma_start3A_33 : memref<6144x512xf32, #tpu.memory_space<hbm>>) target(%dma_start3A_28 : memref<16x512xf32, #tpu.memory_space<vmem>>) offsets(%dma_start3A_30 : memref<16xi32, #tpu.memory_space<vmem>>) semaphore(%arg18 : memref<!tpu.dma_semaphore, #tpu.memory_space<semaphore_mem>>)
    %dma_wait3A = arith.constant 0 : i32
    %dma_wait3A_34 = arith.constant 0 : i32
    %dma_wait3A_35 = tpu.memref_slice %arg12[%dma_wait3A, %dma_wait3A_34] : memref<32x512xf32, #tpu.memory_space<vmem>> -> memref<16x512xf32, #tpu.memory_space<vmem>>
    %dma_wait3A_36 = arith.constant 0 : i32
    %dma_wait3A_37 = tpu.memref_slice %arg8[%dma_wait3A_36] : memref<32xi32, #tpu.memory_space<vmem>> -> memref<16xi32, #tpu.memory_space<vmem>>
    %dma_wait3A_38 = arith.constant 0 : i32
    %dma_wait3A_39 = arith.constant 0 : i32
    %dma_wait3A_40 = tpu.memref_slice %arg2[%dma_wait3A_38, %dma_wait3A_39] : memref<6144x512xf32, #tpu.memory_space<hbm>> -> memref<6144x512xf32, #tpu.memory_space<hbm>>
    tpu.wait_indirect_dma semaphore(%arg15 : memref<!tpu.dma_semaphore, #tpu.memory_space<semaphore_mem>>) src(%dma_wait3A_40 : memref<6144x512xf32, #tpu.memory_space<hbm>>) dst(%dma_wait3A_35 : memref<16x512xf32, #tpu.memory_space<vmem>>)
    %dma_wait3A_41 = arith.constant 0 : i32
    %dma_wait3A_42 = arith.constant 0 : i32
    %dma_wait3A_43 = tpu.memref_slice %arg13[%dma_wait3A_41, %dma_wait3A_42] : memref<32x512xf32, #tpu.memory_space<vmem>> -> memref<16x512xf32, #tpu.memory_space<vmem>>
    %dma_wait3A_44 = arith.constant 0 : i32
    %dma_wait3A_45 = tpu.memref_slice %arg9[%dma_wait3A_44] : memref<32xi32, #tpu.memory_space<vmem>> -> memref<16xi32, #tpu.memory_space<vmem>>
    %dma_wait3A_46 = arith.constant 0 : i32
    %dma_wait3A_47 = arith.constant 0 : i32
    %dma_wait3A_48 = tpu.memref_slice %arg2[%dma_wait3A_46, %dma_wait3A_47] : memref<6144x512xf32, #tpu.memory_space<hbm>> -> memref<6144x512xf32, #tpu.memory_space<hbm>>
    tpu.wait_indirect_dma semaphore(%arg16 : memref<!tpu.dma_semaphore, #tpu.memory_space<semaphore_mem>>) src(%dma_wait3A_48 : memref<6144x512xf32, #tpu.memory_space<hbm>>) dst(%dma_wait3A_43 : memref<16x512xf32, #tpu.memory_space<vmem>>)
    %scan3A = arith.constant 0 : i32
    %scan3A_49 = arith.constant 0 : i32
    %scan3A_50 = arith.constant 16 : i32
    %scan3A_51 = arith.addi %scan3A_49, %scan3A_50 : i32
    %scan3A_52 = arith.constant 1 : i32
    scf.for %scan3A_118 = %scan3A_49 to %scan3A_51 step %scan3A_52  : i32 {
      %get3A = arith.index_cast %scan3A_118 : i32 to index
      %get3A_119 = arith.constant 0 : index
      %get3A_120 = tpu.vector_load %arg10[%get3A, %get3A_119] {strides = array<i32>} : memref<32x16xf32, #tpu.memory_space<vmem>>, vector<1x16xf32>,
      %get3A_121 = vector.shape_cast %get3A_120 : vector<1x16xf32> to vector<16xf32>
      %get3A_122 = arith.index_cast %scan3A_118 : i32 to index
      %get3A_123 = arith.constant 0 : index
      %get3A_124 = tpu.vector_load %arg11[%get3A_122, %get3A_123] {strides = array<i32>} : memref<32x16xf32, #tpu.memory_space<vmem>>, vector<1x16xf32>,
      %get3A_125 = vector.shape_cast %get3A_124 : vector<1x16xf32> to vector<16xf32>
      %get3A_126 = arith.index_cast %scan3A_118 : i32 to index
      %get3A_127 = arith.constant 0 : index
      %get3A_128 = tpu.vector_load %arg12[%get3A_126, %get3A_127] {strides = array<i32>} : memref<32x512xf32, #tpu.memory_space<vmem>>, vector<1x16xf32>,
      %get3A_129 = vector.shape_cast %get3A_128 : vector<1x16xf32> to vector<16xf32>
      %mul3A_130 = arith.mulf %get3A_121, %get3A_129 : vector<16xf32>
      %get3A_131 = arith.index_cast %scan3A_118 : i32 to index
      %get3A_132 = arith.constant 0 : index
      %get3A_133 = tpu.vector_load %arg13[%get3A_131, %get3A_132] {strides = array<i32>} : memref<32x512xf32, #tpu.memory_space<vmem>>, vector<1x16xf32>,
      %get3A_134 = vector.shape_cast %get3A_133 : vector<1x16xf32> to vector<16xf32>
      %mul3A_135 = arith.mulf %get3A_125, %get3A_134 : vector<16xf32>
      %add3A_136 = arith.addf %mul3A_130, %mul3A_135 : vector<16xf32>
      %swap3A = arith.index_cast %scan3A_118 : i32 to index
      %swap3A_137 = arith.constant 0 : index
      %swap3A_138 = tpu.vector_load %arg14[%swap3A, %swap3A_137] {strides = array<i32>} : memref<32x512xf32, #tpu.memory_space<vmem>>, vector<1x16xf32>,
      %swap3A_139 = vector.shape_cast %swap3A_138 : vector<1x16xf32> to vector<16xf32>
      %swap3A_140 = vector.shape_cast %add3A_136 : vector<16xf32> to vector<1x16xf32>
      tpu.vector_store %arg14[%swap3A, %swap3A_137], %swap3A_140 {strides = array<i32>} : memref<32x512xf32, #tpu.memory_space<vmem>>, vector<1x16xf32>,
      %get3A_141 = arith.index_cast %scan3A_118 : i32 to index
      %get3A_142 = arith.constant 16 : index
      %get3A_143 = tpu.vector_load %arg12[%get3A_141, %get3A_142] {strides = array<i32>} : memref<32x512xf32, #tpu.memory_space<vmem>>, vector<1x16xf32>,
      %get3A_144 = vector.shape_cast %get3A_143 : vector<1x16xf32> to vector<16xf32>
      %mul3A_145 = arith.mulf %get3A_121, %get3A_144 : vector<16xf32>
      %get3A_146 = arith.index_cast %scan3A_118 : i32 to index
      %get3A_147 = arith.constant 16 : index
      %get3A_148 = tpu.vector_load %arg13[%get3A_146, %get3A_147] {strides = array<i32>} : memref<32x512xf32, #tpu.memory_space<vmem>>, vector<1x16xf32>,
      %get3A_149 = vector.shape_cast %get3A_148 : vector<1x16xf32> to vector<16xf32>
      %mul3A_150 = arith.mulf %get3A_125, %get3A_149 : vector<16xf32>
      %add3A_151 = arith.addf %mul3A_145, %mul3A_150 : vector<16xf32>
      %swap3A_152 = arith.index_cast %scan3A_118 : i32 to index
      %swap3A_153 = arith.constant 16 : index
      %swap3A_154 = tpu.vector_load %arg14[%swap3A_152, %swap3A_153] {strides = array<i32>} : memref<32x512xf32, #tpu.memory_space<vmem>>, vector<1x16xf32>,
      %swap3A_155 = vector.shape_cast %swap3A_154 : vector<1x16xf32> to vector<16xf32>
      %swap3A_156 = vector.shape_cast %add3A_151 : vector<16xf32> to vector<1x16xf32>
      tpu.vector_store %arg14[%swap3A_152, %swap3A_153], %swap3A_156 {strides = array<i32>} : memref<32x512xf32, #tpu.memory_space<vmem>>, vector<1x16xf32>,
      %get3A_157 = arith.index_cast %scan3A_118 : i32 to index
      %get3A_158 = arith.constant 32 : index
      %get3A_159 = tpu.vector_load %arg12[%get3A_157, %get3A_158] {strides = array<i32>} : memref<32x512xf32, #tpu.memory_space<vmem>>, vector<1x16xf32>,
      %get3A_160 = vector.shape_cast %get3A_159 : vector<1x16xf32> to vector<16xf32>
      %mul3A_161 = arith.mulf %get3A_121, %get3A_160 : vector<16xf32>
      %get3A_162 = arith.index_cast %scan3A_118 : i32 to index
      %get3A_163 = arith.constant 32 : index
      %get3A_164 = tpu.vector_load %arg13[%get3A_162, %get3A_163] {strides = array<i32>} : memref<32x512xf32, #tpu.memory_space<vmem>>, vector<1x16xf32>,
      %get3A_165 = vector.shape_cast %get3A_164 : vector<1x16xf32> to vector<16xf32>
      %mul3A_166 = arith.mulf %get3A_125, %get3A_165 : vector<16xf32>
      %add3A_167 = arith.addf %mul3A_161, %mul3A_166 : vector<16xf32>
      %swap3A_168 = arith.index_cast %scan3A_118 : i32 to index
      %swap3A_169 = arith.constant 32 : index
      %swap3A_170 = tpu.vector_load %arg14[%swap3A_168, %swap3A_169] {strides = array<i32>} : memref<32x512xf32, #tpu.memory_space<vmem>>, vector<1x16xf32>,
      %swap3A_171 = vector.shape_cast %swap3A_170 : vector<1x16xf32> to vector<16xf32>
      %swap3A_172 = vector.shape_cast %add3A_167 : vector<16xf32> to vector<1x16xf32>
      tpu.vector_store %arg14[%swap3A_168, %swap3A_169], %swap3A_172 {strides = array<i32>} : memref<32x512xf32, #tpu.memory_space<vmem>>, vector<1x16xf32>,
      %get3A_173 = arith.index_cast %scan3A_118 : i32 to index
      %get3A_174 = arith.constant 48 : index
      %get3A_175 = tpu.vector_load %arg12[%get3A_173, %get3A_174] {strides = array<i32>} : memref<32x512xf32, #tpu.memory_space<vmem>>, vector<1x16xf32>,
      %get3A_176 = vector.shape_cast %get3A_175 : vector<1x16xf32> to vector<16xf32>
      %mul3A_177 = arith.mulf %get3A_121, %get3A_176 : vector<16xf32>
      %get3A_178 = arith.index_cast %scan3A_118 : i32 to index
      %get3A_179 = arith.constant 48 : index
      %get3A_180 = tpu.vector_load %arg13[%get3A_178, %get3A_179] {strides = array<i32>} : memref<32x512xf32, #tpu.memory_space<vmem>>, vector<1x16xf32>,
      %get3A_181 = vector.shape_cast %get3A_180 : vector<1x16xf32> to vector<16xf32>
      %mul3A_182 = arith.mulf %get3A_125, %get3A_181 : vector<16xf32>
      %add3A_183 = arith.addf %mul3A_177, %mul3A_182 : vector<16xf32>
      %swap3A_184 = arith.index_cast %scan3A_118 : i32 to index
      %swap3A_185 = arith.constant 48 : index
      %swap3A_186 = tpu.vector_load %arg14[%swap3A_184, %swap3A_185] {strides = array<i32>} : memref<32x512xf32, #tpu.memory_space<vmem>>, vector<1x16xf32>,
      %swap3A_187 = vector.shape_cast %swap3A_186 : vector<1x16xf32> to vector<16xf32>
      %swap3A_188 = vector.shape_cast %add3A_183 : vector<16xf32> to vector<1x16xf32>
      tpu.vector_store %arg14[%swap3A_184, %swap3A_185], %swap3A_188 {strides = array<i32>} : memref<32x512xf32, #tpu.memory_space<vmem>>, vector<1x16xf32>,
      %get3A_189 = arith.index_cast %scan3A_118 : i32 to index
      %get3A_190 = arith.constant 64 : index
      %get3A_191 = tpu.vector_load %arg12[%get3A_189, %get3A_190] {strides = array<i32>} : memref<32x512xf32, #tpu.memory_space<vmem>>, vector<1x16xf32>,
      %get3A_192 = vector.shape_cast %get3A_191 : vector<1x16xf32> to vector<16xf32>
      %mul3A_193 = arith.mulf %get3A_121, %get3A_192 : vector<16xf32>
      %get3A_194 = arith.index_cast %scan3A_118 : i32 to index
      %get3A_195 = arith.constant 64 : index
      %get3A_196 = tpu.vector_load %arg13[%get3A_194, %get3A_195] {strides = array<i32>} : memref<32x512xf32, #tpu.memory_space<vmem>>, vector<1x16xf32>,
      %get3A_197 = vector.shape_cast %get3A_196 : vector<1x16xf32> to vector<16xf32>
      %mul3A_198 = arith.mulf %get3A_125, %get3A_197 : vector<16xf32>
      %add3A_199 = arith.addf %mul3A_193, %mul3A_198 : vector<16xf32>
      %swap3A_200 = arith.index_cast %scan3A_118 : i32 to index
      %swap3A_201 = arith.constant 64 : index
      %swap3A_202 = tpu.vector_load %arg14[%swap3A_200, %swap3A_201] {strides = array<i32>} : memref<32x512xf32, #tpu.memory_space<vmem>>, vector<1x16xf32>,
      %swap3A_203 = vector.shape_cast %swap3A_202 : vector<1x16xf32> to vector<16xf32>
      %swap3A_204 = vector.shape_cast %add3A_199 : vector<16xf32> to vector<1x16xf32>
      tpu.vector_store %arg14[%swap3A_200, %swap3A_201], %swap3A_204 {strides = array<i32>} : memref<32x512xf32, #tpu.memory_space<vmem>>, vector<1x16xf32>,
      %get3A_205 = arith.index_cast %scan3A_118 : i32 to index
      %get3A_206 = arith.constant 80 : index
      %get3A_207 = tpu.vector_load %arg12[%get3A_205, %get3A_206] {strides = array<i32>} : memref<32x512xf32, #tpu.memory_space<vmem>>, vector<1x16xf32>,
      %get3A_208 = vector.shape_cast %get3A_207 : vector<1x16xf32> to vector<16xf32>
      %mul3A_209 = arith.mulf %get3A_121, %get3A_208 : vector<16xf32>
      %get3A_210 = arith.index_cast %scan3A_118 : i32 to index
      %get3A_211 = arith.constant 80 : index
      %get3A_212 = tpu.vector_load %arg13[%get3A_210, %get3A_211] {strides = array<i32>} : memref<32x512xf32, #tpu.memory_space<vmem>>, vector<1x16xf32>,
      %get3A_213 = vector.shape_cast %get3A_212 : vector<1x16xf32> to vector<16xf32>
      %mul3A_214 = arith.mulf %get3A_125, %get3A_213 : vector<16xf32>
      %add3A_215 = arith.addf %mul3A_209, %mul3A_214 : vector<16xf32>
      %swap3A_216 = arith.index_cast %scan3A_118 : i32 to index
      %swap3A_217 = arith.constant 80 : index
      %swap3A_218 = tpu.vector_load %arg14[%swap3A_216, %swap3A_217] {strides = array<i32>} : memref<32x512xf32, #tpu.memory_space<vmem>>, vector<1x16xf32>,
      %swap3A_219 = vector.shape_cast %swap3A_218 : vector<1x16xf32> to vector<16xf32>
      %swap3A_220 = vector.shape_cast %add3A_215 : vector<16xf32> to vector<1x16xf32>
      tpu.vector_store %arg14[%swap3A_216, %swap3A_217], %swap3A_220 {strides = array<i32>} : memref<32x512xf32, #tpu.memory_space<vmem>>, vector<1x16xf32>,
      %get3A_221 = arith.index_cast %scan3A_118 : i32 to index
      %get3A_222 = arith.constant 96 : index
      %get3A_223 = tpu.vector_load %arg12[%get3A_221, %get3A_222] {strides = array<i32>} : memref<32x512xf32, #tpu.memory_space<vmem>>, vector<1x16xf32>,
      %get3A_224 = vector.shape_cast %get3A_223 : vector<1x16xf32> to vector<16xf32>
      %mul3A_225 = arith.mulf %get3A_121, %get3A_224 : vector<16xf32>
      %get3A_226 = arith.index_cast %scan3A_118 : i32 to index
      %get3A_227 = arith.constant 96 : index
      %get3A_228 = tpu.vector_load %arg13[%get3A_226, %get3A_227] {strides = array<i32>} : memref<32x512xf32, #tpu.memory_space<vmem>>, vector<1x16xf32>,
      %get3A_229 = vector.shape_cast %get3A_228 : vector<1x16xf32> to vector<16xf32>
      %mul3A_230 = arith.mulf %get3A_125, %get3A_229 : vector<16xf32>
      %add3A_231 = arith.addf %mul3A_225, %mul3A_230 : vector<16xf32>
      %swap3A_232 = arith.index_cast %scan3A_118 : i32 to index
      %swap3A_233 = arith.constant 96 : index
      %swap3A_234 = tpu.vector_load %arg14[%swap3A_232, %swap3A_233] {strides = array<i32>} : memref<32x512xf32, #tpu.memory_space<vmem>>, vector<1x16xf32>,
      %swap3A_235 = vector.shape_cast %swap3A_234 : vector<1x16xf32> to vector<16xf32>
      %swap3A_236 = vector.shape_cast %add3A_231 : vector<16xf32> to vector<1x16xf32>
      tpu.vector_store %arg14[%swap3A_232, %swap3A_233], %swap3A_236 {strides = array<i32>} : memref<32x512xf32, #tpu.memory_space<vmem>>, vector<1x16xf32>,
      %get3A_237 = arith.index_cast %scan3A_118 : i32 to index
      %get3A_238 = arith.constant 112 : index
      %get3A_239 = tpu.vector_load %arg12[%get3A_237, %get3A_238] {strides = array<i32>} : memref<32x512xf32, #tpu.memory_space<vmem>>, vector<1x16xf32>,
      %get3A_240 = vector.shape_cast %get3A_239 : vector<1x16xf32> to vector<16xf32>
      %mul3A_241 = arith.mulf %get3A_121, %get3A_240 : vector<16xf32>
      %get3A_242 = arith.index_cast %scan3A_118 : i32 to index
      %get3A_243 = arith.constant 112 : index
      %get3A_244 = tpu.vector_load %arg13[%get3A_242, %get3A_243] {strides = array<i32>} : memref<32x512xf32, #tpu.memory_space<vmem>>, vector<1x16xf32>,
      %get3A_245 = vector.shape_cast %get3A_244 : vector<1x16xf32> to vector<16xf32>
      %mul3A_246 = arith.mulf %get3A_125, %get3A_245 : vector<16xf32>
      %add3A_247 = arith.addf %mul3A_241, %mul3A_246 : vector<16xf32>
      %swap3A_248 = arith.index_cast %scan3A_118 : i32 to index
      %swap3A_249 = arith.constant 112 : index
      %swap3A_250 = tpu.vector_load %arg14[%swap3A_248, %swap3A_249] {strides = array<i32>} : memref<32x512xf32, #tpu.memory_space<vmem>>, vector<1x16xf32>,
      %swap3A_251 = vector.shape_cast %swap3A_250 : vector<1x16xf32> to vector<16xf32>
      %swap3A_252 = vector.shape_cast %add3A_247 : vector<16xf32> to vector<1x16xf32>
      tpu.vector_store %arg14[%swap3A_248, %swap3A_249], %swap3A_252 {strides = array<i32>} : memref<32x512xf32, #tpu.memory_space<vmem>>, vector<1x16xf32>,
      %get3A_253 = arith.index_cast %scan3A_118 : i32 to index
      %get3A_254 = arith.constant 128 : index
      %get3A_255 = tpu.vector_load %arg12[%get3A_253, %get3A_254] {strides = array<i32>} : memref<32x512xf32, #tpu.memory_space<vmem>>, vector<1x16xf32>,
      %get3A_256 = vector.shape_cast %get3A_255 : vector<1x16xf32> to vector<16xf32>
      %mul3A_257 = arith.mulf %get3A_121, %get3A_256 : vector<16xf32>
      %get3A_258 = arith.index_cast %scan3A_118 : i32 to index
      %get3A_259 = arith.constant 128 : index
      %get3A_260 = tpu.vector_load %arg13[%get3A_258, %get3A_259] {strides = array<i32>} : memref<32x512xf32, #tpu.memory_space<vmem>>, vector<1x16xf32>,
      %get3A_261 = vector.shape_cast %get3A_260 : vector<1x16xf32> to vector<16xf32>
      %mul3A_262 = arith.mulf %get3A_125, %get3A_261 : vector<16xf32>
      %add3A_263 = arith.addf %mul3A_257, %mul3A_262 : vector<16xf32>
      %swap3A_264 = arith.index_cast %scan3A_118 : i32 to index
      %swap3A_265 = arith.constant 128 : index
      %swap3A_266 = tpu.vector_load %arg14[%swap3A_264, %swap3A_265] {strides = array<i32>} : memref<32x512xf32, #tpu.memory_space<vmem>>, vector<1x16xf32>,
      %swap3A_267 = vector.shape_cast %swap3A_266 : vector<1x16xf32> to vector<16xf32>
      %swap3A_268 = vector.shape_cast %add3A_263 : vector<16xf32> to vector<1x16xf32>
      tpu.vector_store %arg14[%swap3A_264, %swap3A_265], %swap3A_268 {strides = array<i32>} : memref<32x512xf32, #tpu.memory_space<vmem>>, vector<1x16xf32>,
      %get3A_269 = arith.index_cast %scan3A_118 : i32 to index
      %get3A_270 = arith.constant 144 : index
      %get3A_271 = tpu.vector_load %arg12[%get3A_269, %get3A_270] {strides = array<i32>} : memref<32x512xf32, #tpu.memory_space<vmem>>, vector<1x16xf32>,
      %get3A_272 = vector.shape_cast %get3A_271 : vector<1x16xf32> to vector<16xf32>
      %mul3A_273 = arith.mulf %get3A_121, %get3A_272 : vector<16xf32>
      %get3A_274 = arith.index_cast %scan3A_118 : i32 to index
      %get3A_275 = arith.constant 144 : index
      %get3A_276 = tpu.vector_load %arg13[%get3A_274, %get3A_275] {strides = array<i32>} : memref<32x512xf32, #tpu.memory_space<vmem>>, vector<1x16xf32>,
      %get3A_277 = vector.shape_cast %get3A_276 : vector<1x16xf32> to vector<16xf32>
      %mul3A_278 = arith.mulf %get3A_125, %get3A_277 : vector<16xf32>
      %add3A_279 = arith.addf %mul3A_273, %mul3A_278 : vector<16xf32>
      %swap3A_280 = arith.index_cast %scan3A_118 : i32 to index
      %swap3A_281 = arith.constant 144 : index
      %swap3A_282 = tpu.vector_load %arg14[%swap3A_280, %swap3A_281] {strides = array<i32>} : memref<32x512xf32, #tpu.memory_space<vmem>>, vector<1x16xf32>,
      %swap3A_283 = vector.shape_cast %swap3A_282 : vector<1x16xf32> to vector<16xf32>
      %swap3A_284 = vector.shape_cast %add3A_279 : vector<16xf32> to vector<1x16xf32>
      tpu.vector_store %arg14[%swap3A_280, %swap3A_281], %swap3A_284 {strides = array<i32>} : memref<32x512xf32, #tpu.memory_space<vmem>>, vector<1x16xf32>,
      %get3A_285 = arith.index_cast %scan3A_118 : i32 to index
      %get3A_286 = arith.constant 160 : index
      %get3A_287 = tpu.vector_load %arg12[%get3A_285, %get3A_286] {strides = array<i32>} : memref<32x512xf32, #tpu.memory_space<vmem>>, vector<1x16xf32>,
      %get3A_288 = vector.shape_cast %get3A_287 : vector<1x16xf32> to vector<16xf32>
      %mul3A_289 = arith.mulf %get3A_121, %get3A_288 : vector<16xf32>
      %get3A_290 = arith.index_cast %scan3A_118 : i32 to index
      %get3A_291 = arith.constant 160 : index
      %get3A_292 = tpu.vector_load %arg13[%get3A_290, %get3A_291] {strides = array<i32>} : memref<32x512xf32, #tpu.memory_space<vmem>>, vector<1x16xf32>,
      %get3A_293 = vector.shape_cast %get3A_292 : vector<1x16xf32> to vector<16xf32>
      %mul3A_294 = arith.mulf %get3A_125, %get3A_293 : vector<16xf32>
      %add3A_295 = arith.addf %mul3A_289, %mul3A_294 : vector<16xf32>
      %swap3A_296 = arith.index_cast %scan3A_118 : i32 to index
      %swap3A_297 = arith.constant 160 : index
      %swap3A_298 = tpu.vector_load %arg14[%swap3A_296, %swap3A_297] {strides = array<i32>} : memref<32x512xf32, #tpu.memory_space<vmem>>, vector<1x16xf32>,
      %swap3A_299 = vector.shape_cast %swap3A_298 : vector<1x16xf32> to vector<16xf32>
      %swap3A_300 = vector.shape_cast %add3A_295 : vector<16xf32> to vector<1x16xf32>
      tpu.vector_store %arg14[%swap3A_296, %swap3A_297], %swap3A_300 {strides = array<i32>} : memref<32x512xf32, #tpu.memory_space<vmem>>, vector<1x16xf32>,
      %get3A_301 = arith.index_cast %scan3A_118 : i32 to index
      %get3A_302 = arith.constant 176 : index
      %get3A_303 = tpu.vector_load %arg12[%get3A_301, %get3A_302] {strides = array<i32>} : memref<32x512xf32, #tpu.memory_space<vmem>>, vector<1x16xf32>,
      %get3A_304 = vector.shape_cast %get3A_303 : vector<1x16xf32> to vector<16xf32>
      %mul3A_305 = arith.mulf %get3A_121, %get3A_304 : vector<16xf32>
      %get3A_306 = arith.index_cast %scan3A_118 : i32 to index
      %get3A_307 = arith.constant 176 : index
      %get3A_308 = tpu.vector_load %arg13[%get3A_306, %get3A_307] {strides = array<i32>} : memref<32x512xf32, #tpu.memory_space<vmem>>, vector<1x16xf32>,
      %get3A_309 = vector.shape_cast %get3A_308 : vector<1x16xf32> to vector<16xf32>
      %mul3A_310 = arith.mulf %get3A_125, %get3A_309 : vector<16xf32>
      %add3A_311 = arith.addf %mul3A_305, %mul3A_310 : vector<16xf32>
      %swap3A_312 = arith.index_cast %scan3A_118 : i32 to index
      %swap3A_313 = arith.constant 176 : index
      %swap3A_314 = tpu.vector_load %arg14[%swap3A_312, %swap3A_313] {strides = array<i32>} : memref<32x512xf32, #tpu.memory_space<vmem>>, vector<1x16xf32>,
      %swap3A_315 = vector.shape_cast %swap3A_314 : vector<1x16xf32> to vector<16xf32>
      %swap3A_316 = vector.shape_cast %add3A_311 : vector<16xf32> to vector<1x16xf32>
      tpu.vector_store %arg14[%swap3A_312, %swap3A_313], %swap3A_316 {strides = array<i32>} : memref<32x512xf32, #tpu.memory_space<vmem>>, vector<1x16xf32>,
      %get3A_317 = arith.index_cast %scan3A_118 : i32 to index
      %get3A_318 = arith.constant 192 : index
      %get3A_319 = tpu.vector_load %arg12[%get3A_317, %get3A_318] {strides = array<i32>} : memref<32x512xf32, #tpu.memory_space<vmem>>, vector<1x16xf32>,
      %get3A_320 = vector.shape_cast %get3A_319 : vector<1x16xf32> to vector<16xf32>
      %mul3A_321 = arith.mulf %get3A_121, %get3A_320 : vector<16xf32>
      %get3A_322 = arith.index_cast %scan3A_118 : i32 to index
      %get3A_323 = arith.constant 192 : index
      %get3A_324 = tpu.vector_load %arg13[%get3A_322, %get3A_323] {strides = array<i32>} : memref<32x512xf32, #tpu.memory_space<vmem>>, vector<1x16xf32>,
      %get3A_325 = vector.shape_cast %get3A_324 : vector<1x16xf32> to vector<16xf32>
      %mul3A_326 = arith.mulf %get3A_125, %get3A_325 : vector<16xf32>
      %add3A_327 = arith.addf %mul3A_321, %mul3A_326 : vector<16xf32>
      %swap3A_328 = arith.index_cast %scan3A_118 : i32 to index
      %swap3A_329 = arith.constant 192 : index
      %swap3A_330 = tpu.vector_load %arg14[%swap3A_328, %swap3A_329] {strides = array<i32>} : memref<32x512xf32, #tpu.memory_space<vmem>>, vector<1x16xf32>,
      %swap3A_331 = vector.shape_cast %swap3A_330 : vector<1x16xf32> to vector<16xf32>
      %swap3A_332 = vector.shape_cast %add3A_327 : vector<16xf32> to vector<1x16xf32>
      tpu.vector_store %arg14[%swap3A_328, %swap3A_329], %swap3A_332 {strides = array<i32>} : memref<32x512xf32, #tpu.memory_space<vmem>>, vector<1x16xf32>,
      %get3A_333 = arith.index_cast %scan3A_118 : i32 to index
      %get3A_334 = arith.constant 208 : index
      %get3A_335 = tpu.vector_load %arg12[%get3A_333, %get3A_334] {strides = array<i32>} : memref<32x512xf32, #tpu.memory_space<vmem>>, vector<1x16xf32>,
      %get3A_336 = vector.shape_cast %get3A_335 : vector<1x16xf32> to vector<16xf32>
      %mul3A_337 = arith.mulf %get3A_121, %get3A_336 : vector<16xf32>
      %get3A_338 = arith.index_cast %scan3A_118 : i32 to index
      %get3A_339 = arith.constant 208 : index
      %get3A_340 = tpu.vector_load %arg13[%get3A_338, %get3A_339] {strides = array<i32>} : memref<32x512xf32, #tpu.memory_space<vmem>>, vector<1x16xf32>,
      %get3A_341 = vector.shape_cast %get3A_340 : vector<1x16xf32> to vector<16xf32>
      %mul3A_342 = arith.mulf %get3A_125, %get3A_341 : vector<16xf32>
      %add3A_343 = arith.addf %mul3A_337, %mul3A_342 : vector<16xf32>
      %swap3A_344 = arith.index_cast %scan3A_118 : i32 to index
      %swap3A_345 = arith.constant 208 : index
      %swap3A_346 = tpu.vector_load %arg14[%swap3A_344, %swap3A_345] {strides = array<i32>} : memref<32x512xf32, #tpu.memory_space<vmem>>, vector<1x16xf32>,
      %swap3A_347 = vector.shape_cast %swap3A_346 : vector<1x16xf32> to vector<16xf32>
      %swap3A_348 = vector.shape_cast %add3A_343 : vector<16xf32> to vector<1x16xf32>
      tpu.vector_store %arg14[%swap3A_344, %swap3A_345], %swap3A_348 {strides = array<i32>} : memref<32x512xf32, #tpu.memory_space<vmem>>, vector<1x16xf32>,
      %get3A_349 = arith.index_cast %scan3A_118 : i32 to index
      %get3A_350 = arith.constant 224 : index
      %get3A_351 = tpu.vector_load %arg12[%get3A_349, %get3A_350] {strides = array<i32>} : memref<32x512xf32, #tpu.memory_space<vmem>>, vector<1x16xf32>,
      %get3A_352 = vector.shape_cast %get3A_351 : vector<1x16xf32> to vector<16xf32>
      %mul3A_353 = arith.mulf %get3A_121, %get3A_352 : vector<16xf32>
      %get3A_354 = arith.index_cast %scan3A_118 : i32 to index
      %get3A_355 = arith.constant 224 : index
      %get3A_356 = tpu.vector_load %arg13[%get3A_354, %get3A_355] {strides = array<i32>} : memref<32x512xf32, #tpu.memory_space<vmem>>, vector<1x16xf32>,
      %get3A_357 = vector.shape_cast %get3A_356 : vector<1x16xf32> to vector<16xf32>
      %mul3A_358 = arith.mulf %get3A_125, %get3A_357 : vector<16xf32>
      %add3A_359 = arith.addf %mul3A_353, %mul3A_358 : vector<16xf32>
      %swap3A_360 = arith.index_cast %scan3A_118 : i32 to index
      %swap3A_361 = arith.constant 224 : index
      %swap3A_362 = tpu.vector_load %arg14[%swap3A_360, %swap3A_361] {strides = array<i32>} : memref<32x512xf32, #tpu.memory_space<vmem>>, vector<1x16xf32>,
      %swap3A_363 = vector.shape_cast %swap3A_362 : vector<1x16xf32> to vector<16xf32>
      %swap3A_364 = vector.shape_cast %add3A_359 : vector<16xf32> to vector<1x16xf32>
      tpu.vector_store %arg14[%swap3A_360, %swap3A_361], %swap3A_364 {strides = array<i32>} : memref<32x512xf32, #tpu.memory_space<vmem>>, vector<1x16xf32>,
      %get3A_365 = arith.index_cast %scan3A_118 : i32 to index
      %get3A_366 = arith.constant 240 : index
      %get3A_367 = tpu.vector_load %arg12[%get3A_365, %get3A_366] {strides = array<i32>} : memref<32x512xf32, #tpu.memory_space<vmem>>, vector<1x16xf32>,
      %get3A_368 = vector.shape_cast %get3A_367 : vector<1x16xf32> to vector<16xf32>
      %mul3A_369 = arith.mulf %get3A_121, %get3A_368 : vector<16xf32>
      %get3A_370 = arith.index_cast %scan3A_118 : i32 to index
      %get3A_371 = arith.constant 240 : index
      %get3A_372 = tpu.vector_load %arg13[%get3A_370, %get3A_371] {strides = array<i32>} : memref<32x512xf32, #tpu.memory_space<vmem>>, vector<1x16xf32>,
      %get3A_373 = vector.shape_cast %get3A_372 : vector<1x16xf32> to vector<16xf32>
      %mul3A_374 = arith.mulf %get3A_125, %get3A_373 : vector<16xf32>
      %add3A_375 = arith.addf %mul3A_369, %mul3A_374 : vector<16xf32>
      %swap3A_376 = arith.index_cast %scan3A_118 : i32 to index
      %swap3A_377 = arith.constant 240 : index
      %swap3A_378 = tpu.vector_load %arg14[%swap3A_376, %swap3A_377] {strides = array<i32>} : memref<32x512xf32, #tpu.memory_space<vmem>>, vector<1x16xf32>,
      %swap3A_379 = vector.shape_cast %swap3A_378 : vector<1x16xf32> to vector<16xf32>
      %swap3A_380 = vector.shape_cast %add3A_375 : vector<16xf32> to vector<1x16xf32>
      tpu.vector_store %arg14[%swap3A_376, %swap3A_377], %swap3A_380 {strides = array<i32>} : memref<32x512xf32, #tpu.memory_space<vmem>>, vector<1x16xf32>,
      %get3A_381 = arith.index_cast %scan3A_118 : i32 to index
      %get3A_382 = arith.constant 256 : index
      %get3A_383 = tpu.vector_load %arg12[%get3A_381, %get3A_382] {strides = array<i32>} : memref<32x512xf32, #tpu.memory_space<vmem>>, vector<1x16xf32>,
      %get3A_384 = vector.shape_cast %get3A_383 : vector<1x16xf32> to vector<16xf32>
      %mul3A_385 = arith.mulf %get3A_121, %get3A_384 : vector<16xf32>
      %get3A_386 = arith.index_cast %scan3A_118 : i32 to index
      %get3A_387 = arith.constant 256 : index
      %get3A_388 = tpu.vector_load %arg13[%get3A_386, %get3A_387] {strides = array<i32>} : memref<32x512xf32, #tpu.memory_space<vmem>>, vector<1x16xf32>,
      %get3A_389 = vector.shape_cast %get3A_388 : vector<1x16xf32> to vector<16xf32>
      %mul3A_390 = arith.mulf %get3A_125, %get3A_389 : vector<16xf32>
      %add3A_391 = arith.addf %mul3A_385, %mul3A_390 : vector<16xf32>
      %swap3A_392 = arith.index_cast %scan3A_118 : i32 to index
      %swap3A_393 = arith.constant 256 : index
      %swap3A_394 = tpu.vector_load %arg14[%swap3A_392, %swap3A_393] {strides = array<i32>} : memref<32x512xf32, #tpu.memory_space<vmem>>, vector<1x16xf32>,
      %swap3A_395 = vector.shape_cast %swap3A_394 : vector<1x16xf32> to vector<16xf32>
      %swap3A_396 = vector.shape_cast %add3A_391 : vector<16xf32> to vector<1x16xf32>
      tpu.vector_store %arg14[%swap3A_392, %swap3A_393], %swap3A_396 {strides = array<i32>} : memref<32x512xf32, #tpu.memory_space<vmem>>, vector<1x16xf32>,
      %get3A_397 = arith.index_cast %scan3A_118 : i32 to index
      %get3A_398 = arith.constant 272 : index
      %get3A_399 = tpu.vector_load %arg12[%get3A_397, %get3A_398] {strides = array<i32>} : memref<32x512xf32, #tpu.memory_space<vmem>>, vector<1x16xf32>,
      %get3A_400 = vector.shape_cast %get3A_399 : vector<1x16xf32> to vector<16xf32>
      %mul3A_401 = arith.mulf %get3A_121, %get3A_400 : vector<16xf32>
      %get3A_402 = arith.index_cast %scan3A_118 : i32 to index
      %get3A_403 = arith.constant 272 : index
      %get3A_404 = tpu.vector_load %arg13[%get3A_402, %get3A_403] {strides = array<i32>} : memref<32x512xf32, #tpu.memory_space<vmem>>, vector<1x16xf32>,
      %get3A_405 = vector.shape_cast %get3A_404 : vector<1x16xf32> to vector<16xf32>
      %mul3A_406 = arith.mulf %get3A_125, %get3A_405 : vector<16xf32>
      %add3A_407 = arith.addf %mul3A_401, %mul3A_406 : vector<16xf32>
      %swap3A_408 = arith.index_cast %scan3A_118 : i32 to index
      %swap3A_409 = arith.constant 272 : index
      %swap3A_410 = tpu.vector_load %arg14[%swap3A_408, %swap3A_409] {strides = array<i32>} : memref<32x512xf32, #tpu.memory_space<vmem>>, vector<1x16xf32>,
      %swap3A_411 = vector.shape_cast %swap3A_410 : vector<1x16xf32> to vector<16xf32>
      %swap3A_412 = vector.shape_cast %add3A_407 : vector<16xf32> to vector<1x16xf32>
      tpu.vector_store %arg14[%swap3A_408, %swap3A_409], %swap3A_412 {strides = array<i32>} : memref<32x512xf32, #tpu.memory_space<vmem>>, vector<1x16xf32>,
      %get3A_413 = arith.index_cast %scan3A_118 : i32 to index
      %get3A_414 = arith.constant 288 : index
      %get3A_415 = tpu.vector_load %arg12[%get3A_413, %get3A_414] {strides = array<i32>} : memref<32x512xf32, #tpu.memory_space<vmem>>, vector<1x16xf32>,
      %get3A_416 = vector.shape_cast %get3A_415 : vector<1x16xf32> to vector<16xf32>
      %mul3A_417 = arith.mulf %get3A_121, %get3A_416 : vector<16xf32>
      %get3A_418 = arith.index_cast %scan3A_118 : i32 to index
      %get3A_419 = arith.constant 288 : index
      %get3A_420 = tpu.vector_load %arg13[%get3A_418, %get3A_419] {strides = array<i32>} : memref<32x512xf32, #tpu.memory_space<vmem>>, vector<1x16xf32>,
      %get3A_421 = vector.shape_cast %get3A_420 : vector<1x16xf32> to vector<16xf32>
      %mul3A_422 = arith.mulf %get3A_125, %get3A_421 : vector<16xf32>
      %add3A_423 = arith.addf %mul3A_417, %mul3A_422 : vector<16xf32>
      %swap3A_424 = arith.index_cast %scan3A_118 : i32 to index
      %swap3A_425 = arith.constant 288 : index
      %swap3A_426 = tpu.vector_load %arg14[%swap3A_424, %swap3A_425] {strides = array<i32>} : memref<32x512xf32, #tpu.memory_space<vmem>>, vector<1x16xf32>,
      %swap3A_427 = vector.shape_cast %swap3A_426 : vector<1x16xf32> to vector<16xf32>
      %swap3A_428 = vector.shape_cast %add3A_423 : vector<16xf32> to vector<1x16xf32>
      tpu.vector_store %arg14[%swap3A_424, %swap3A_425], %swap3A_428 {strides = array<i32>} : memref<32x512xf32, #tpu.memory_space<vmem>>, vector<1x16xf32>,
      %get3A_429 = arith.index_cast %scan3A_118 : i32 to index
      %get3A_430 = arith.constant 304 : index
      %get3A_431 = tpu.vector_load %arg12[%get3A_429, %get3A_430] {strides = array<i32>} : memref<32x512xf32, #tpu.memory_space<vmem>>, vector<1x16xf32>,
      %get3A_432 = vector.shape_cast %get3A_431 : vector<1x16xf32> to vector<16xf32>
      %mul3A_433 = arith.mulf %get3A_121, %get3A_432 : vector<16xf32>
      %get3A_434 = arith.index_cast %scan3A_118 : i32 to index
      %get3A_435 = arith.constant 304 : index
      %get3A_436 = tpu.vector_load %arg13[%get3A_434, %get3A_435] {strides = array<i32>} : memref<32x512xf32, #tpu.memory_space<vmem>>, vector<1x16xf32>,
      %get3A_437 = vector.shape_cast %get3A_436 : vector<1x16xf32> to vector<16xf32>
      %mul3A_438 = arith.mulf %get3A_125, %get3A_437 : vector<16xf32>
      %add3A_439 = arith.addf %mul3A_433, %mul3A_438 : vector<16xf32>
      %swap3A_440 = arith.index_cast %scan3A_118 : i32 to index
      %swap3A_441 = arith.constant 304 : index
      %swap3A_442 = tpu.vector_load %arg14[%swap3A_440, %swap3A_441] {strides = array<i32>} : memref<32x512xf32, #tpu.memory_space<vmem>>, vector<1x16xf32>,
      %swap3A_443 = vector.shape_cast %swap3A_442 : vector<1x16xf32> to vector<16xf32>
      %swap3A_444 = vector.shape_cast %add3A_439 : vector<16xf32> to vector<1x16xf32>
      tpu.vector_store %arg14[%swap3A_440, %swap3A_441], %swap3A_444 {strides = array<i32>} : memref<32x512xf32, #tpu.memory_space<vmem>>, vector<1x16xf32>,
      %get3A_445 = arith.index_cast %scan3A_118 : i32 to index
      %get3A_446 = arith.constant 320 : index
      %get3A_447 = tpu.vector_load %arg12[%get3A_445, %get3A_446] {strides = array<i32>} : memref<32x512xf32, #tpu.memory_space<vmem>>, vector<1x16xf32>,
      %get3A_448 = vector.shape_cast %get3A_447 : vector<1x16xf32> to vector<16xf32>
      %mul3A_449 = arith.mulf %get3A_121, %get3A_448 : vector<16xf32>
      %get3A_450 = arith.index_cast %scan3A_118 : i32 to index
      %get3A_451 = arith.constant 320 : index
      %get3A_452 = tpu.vector_load %arg13[%get3A_450, %get3A_451] {strides = array<i32>} : memref<32x512xf32, #tpu.memory_space<vmem>>, vector<1x16xf32>,
      %get3A_453 = vector.shape_cast %get3A_452 : vector<1x16xf32> to vector<16xf32>
      %mul3A_454 = arith.mulf %get3A_125, %get3A_453 : vector<16xf32>
      %add3A_455 = arith.addf %mul3A_449, %mul3A_454 : vector<16xf32>
      %swap3A_456 = arith.index_cast %scan3A_118 : i32 to index
      %swap3A_457 = arith.constant 320 : index
      %swap3A_458 = tpu.vector_load %arg14[%swap3A_456, %swap3A_457] {strides = array<i32>} : memref<32x512xf32, #tpu.memory_space<vmem>>, vector<1x16xf32>,
      %swap3A_459 = vector.shape_cast %swap3A_458 : vector<1x16xf32> to vector<16xf32>
      %swap3A_460 = vector.shape_cast %add3A_455 : vector<16xf32> to vector<1x16xf32>
      tpu.vector_store %arg14[%swap3A_456, %swap3A_457], %swap3A_460 {strides = array<i32>} : memref<32x512xf32, #tpu.memory_space<vmem>>, vector<1x16xf32>,
      %get3A_461 = arith.index_cast %scan3A_118 : i32 to index
      %get3A_462 = arith.constant 336 : index
      %get3A_463 = tpu.vector_load %arg12[%get3A_461, %get3A_462] {strides = array<i32>} : memref<32x512xf32, #tpu.memory_space<vmem>>, vector<1x16xf32>,
      %get3A_464 = vector.shape_cast %get3A_463 : vector<1x16xf32> to vector<16xf32>
      %mul3A_465 = arith.mulf %get3A_121, %get3A_464 : vector<16xf32>
      %get3A_466 = arith.index_cast %scan3A_118 : i32 to index
      %get3A_467 = arith.constant 336 : index
      %get3A_468 = tpu.vector_load %arg13[%get3A_466, %get3A_467] {strides = array<i32>} : memref<32x512xf32, #tpu.memory_space<vmem>>, vector<1x16xf32>,
      %get3A_469 = vector.shape_cast %get3A_468 : vector<1x16xf32> to vector<16xf32>
      %mul3A_470 = arith.mulf %get3A_125, %get3A_469 : vector<16xf32>
      %add3A_471 = arith.addf %mul3A_465, %mul3A_470 : vector<16xf32>
      %swap3A_472 = arith.index_cast %scan3A_118 : i32 to index
      %swap3A_473 = arith.constant 336 : index
      %swap3A_474 = tpu.vector_load %arg14[%swap3A_472, %swap3A_473] {strides = array<i32>} : memref<32x512xf32, #tpu.memory_space<vmem>>, vector<1x16xf32>,
      %swap3A_475 = vector.shape_cast %swap3A_474 : vector<1x16xf32> to vector<16xf32>
      %swap3A_476 = vector.shape_cast %add3A_471 : vector<16xf32> to vector<1x16xf32>
      tpu.vector_store %arg14[%swap3A_472, %swap3A_473], %swap3A_476 {strides = array<i32>} : memref<32x512xf32, #tpu.memory_space<vmem>>, vector<1x16xf32>,
      %get3A_477 = arith.index_cast %scan3A_118 : i32 to index
      %get3A_478 = arith.constant 352 : index
      %get3A_479 = tpu.vector_load %arg12[%get3A_477, %get3A_478] {strides = array<i32>} : memref<32x512xf32, #tpu.memory_space<vmem>>, vector<1x16xf32>,
      %get3A_480 = vector.shape_cast %get3A_479 : vector<1x16xf32> to vector<16xf32>
      %mul3A_481 = arith.mulf %get3A_121, %get3A_480 : vector<16xf32>
      %get3A_482 = arith.index_cast %scan3A_118 : i32 to index
      %get3A_483 = arith.constant 352 : index
      %get3A_484 = tpu.vector_load %arg13[%get3A_482, %get3A_483] {strides = array<i32>} : memref<32x512xf32, #tpu.memory_space<vmem>>, vector<1x16xf32>,
      %get3A_485 = vector.shape_cast %get3A_484 : vector<1x16xf32> to vector<16xf32>
      %mul3A_486 = arith.mulf %get3A_125, %get3A_485 : vector<16xf32>
      %add3A_487 = arith.addf %mul3A_481, %mul3A_486 : vector<16xf32>
      %swap3A_488 = arith.index_cast %scan3A_118 : i32 to index
      %swap3A_489 = arith.constant 352 : index
      %swap3A_490 = tpu.vector_load %arg14[%swap3A_488, %swap3A_489] {strides = array<i32>} : memref<32x512xf32, #tpu.memory_space<vmem>>, vector<1x16xf32>,
      %swap3A_491 = vector.shape_cast %swap3A_490 : vector<1x16xf32> to vector<16xf32>
      %swap3A_492 = vector.shape_cast %add3A_487 : vector<16xf32> to vector<1x16xf32>
      tpu.vector_store %arg14[%swap3A_488, %swap3A_489], %swap3A_492 {strides = array<i32>} : memref<32x512xf32, #tpu.memory_space<vmem>>, vector<1x16xf32>,
      %get3A_493 = arith.index_cast %scan3A_118 : i32 to index
      %get3A_494 = arith.constant 368 : index
      %get3A_495 = tpu.vector_load %arg12[%get3A_493, %get3A_494] {strides = array<i32>} : memref<32x512xf32, #tpu.memory_space<vmem>>, vector<1x16xf32>,
      %get3A_496 = vector.shape_cast %get3A_495 : vector<1x16xf32> to vector<16xf32>
      %mul3A_497 = arith.mulf %get3A_121, %get3A_496 : vector<16xf32>
      %get3A_498 = arith.index_cast %scan3A_118 : i32 to index
      %get3A_499 = arith.constant 368 : index
      %get3A_500 = tpu.vector_load %arg13[%get3A_498, %get3A_499] {strides = array<i32>} : memref<32x512xf32, #tpu.memory_space<vmem>>, vector<1x16xf32>,
      %get3A_501 = vector.shape_cast %get3A_500 : vector<1x16xf32> to vector<16xf32>
      %mul3A_502 = arith.mulf %get3A_125, %get3A_501 : vector<16xf32>
      %add3A_503 = arith.addf %mul3A_497, %mul3A_502 : vector<16xf32>
      %swap3A_504 = arith.index_cast %scan3A_118 : i32 to index
      %swap3A_505 = arith.constant 368 : index
      %swap3A_506 = tpu.vector_load %arg14[%swap3A_504, %swap3A_505] {strides = array<i32>} : memref<32x512xf32, #tpu.memory_space<vmem>>, vector<1x16xf32>,
      %swap3A_507 = vector.shape_cast %swap3A_506 : vector<1x16xf32> to vector<16xf32>
      %swap3A_508 = vector.shape_cast %add3A_503 : vector<16xf32> to vector<1x16xf32>
      tpu.vector_store %arg14[%swap3A_504, %swap3A_505], %swap3A_508 {strides = array<i32>} : memref<32x512xf32, #tpu.memory_space<vmem>>, vector<1x16xf32>,
      %get3A_509 = arith.index_cast %scan3A_118 : i32 to index
      %get3A_510 = arith.constant 384 : index
      %get3A_511 = tpu.vector_load %arg12[%get3A_509, %get3A_510] {strides = array<i32>} : memref<32x512xf32, #tpu.memory_space<vmem>>, vector<1x16xf32>,
      %get3A_512 = vector.shape_cast %get3A_511 : vector<1x16xf32> to vector<16xf32>
      %mul3A_513 = arith.mulf %get3A_121, %get3A_512 : vector<16xf32>
      %get3A_514 = arith.index_cast %scan3A_118 : i32 to index
      %get3A_515 = arith.constant 384 : index
      %get3A_516 = tpu.vector_load %arg13[%get3A_514, %get3A_515] {strides = array<i32>} : memref<32x512xf32, #tpu.memory_space<vmem>>, vector<1x16xf32>,
      %get3A_517 = vector.shape_cast %get3A_516 : vector<1x16xf32> to vector<16xf32>
      %mul3A_518 = arith.mulf %get3A_125, %get3A_517 : vector<16xf32>
      %add3A_519 = arith.addf %mul3A_513, %mul3A_518 : vector<16xf32>
      %swap3A_520 = arith.index_cast %scan3A_118 : i32 to index
      %swap3A_521 = arith.constant 384 : index
      %swap3A_522 = tpu.vector_load %arg14[%swap3A_520, %swap3A_521] {strides = array<i32>} : memref<32x512xf32, #tpu.memory_space<vmem>>, vector<1x16xf32>,
      %swap3A_523 = vector.shape_cast %swap3A_522 : vector<1x16xf32> to vector<16xf32>
      %swap3A_524 = vector.shape_cast %add3A_519 : vector<16xf32> to vector<1x16xf32>
      tpu.vector_store %arg14[%swap3A_520, %swap3A_521], %swap3A_524 {strides = array<i32>} : memref<32x512xf32, #tpu.memory_space<vmem>>, vector<1x16xf32>,
      %get3A_525 = arith.index_cast %scan3A_118 : i32 to index
      %get3A_526 = arith.constant 400 : index
      %get3A_527 = tpu.vector_load %arg12[%get3A_525, %get3A_526] {strides = array<i32>} : memref<32x512xf32, #tpu.memory_space<vmem>>, vector<1x16xf32>,
      %get3A_528 = vector.shape_cast %get3A_527 : vector<1x16xf32> to vector<16xf32>
      %mul3A_529 = arith.mulf %get3A_121, %get3A_528 : vector<16xf32>
      %get3A_530 = arith.index_cast %scan3A_118 : i32 to index
      %get3A_531 = arith.constant 400 : index
      %get3A_532 = tpu.vector_load %arg13[%get3A_530, %get3A_531] {strides = array<i32>} : memref<32x512xf32, #tpu.memory_space<vmem>>, vector<1x16xf32>,
      %get3A_533 = vector.shape_cast %get3A_532 : vector<1x16xf32> to vector<16xf32>
      %mul3A_534 = arith.mulf %get3A_125, %get3A_533 : vector<16xf32>
      %add3A_535 = arith.addf %mul3A_529, %mul3A_534 : vector<16xf32>
      %swap3A_536 = arith.index_cast %scan3A_118 : i32 to index
      %swap3A_537 = arith.constant 400 : index
      %swap3A_538 = tpu.vector_load %arg14[%swap3A_536, %swap3A_537] {strides = array<i32>} : memref<32x512xf32, #tpu.memory_space<vmem>>, vector<1x16xf32>,
      %swap3A_539 = vector.shape_cast %swap3A_538 : vector<1x16xf32> to vector<16xf32>
      %swap3A_540 = vector.shape_cast %add3A_535 : vector<16xf32> to vector<1x16xf32>
      tpu.vector_store %arg14[%swap3A_536, %swap3A_537], %swap3A_540 {strides = array<i32>} : memref<32x512xf32, #tpu.memory_space<vmem>>, vector<1x16xf32>,
      %get3A_541 = arith.index_cast %scan3A_118 : i32 to index
      %get3A_542 = arith.constant 416 : index
      %get3A_543 = tpu.vector_load %arg12[%get3A_541, %get3A_542] {strides = array<i32>} : memref<32x512xf32, #tpu.memory_space<vmem>>, vector<1x16xf32>,
      %get3A_544 = vector.shape_cast %get3A_543 : vector<1x16xf32> to vector<16xf32>
      %mul3A_545 = arith.mulf %get3A_121, %get3A_544 : vector<16xf32>
      %get3A_546 = arith.index_cast %scan3A_118 : i32 to index
      %get3A_547 = arith.constant 416 : index
      %get3A_548 = tpu.vector_load %arg13[%get3A_546, %get3A_547] {strides = array<i32>} : memref<32x512xf32, #tpu.memory_space<vmem>>, vector<1x16xf32>,
      %get3A_549 = vector.shape_cast %get3A_548 : vector<1x16xf32> to vector<16xf32>
      %mul3A_550 = arith.mulf %get3A_125, %get3A_549 : vector<16xf32>
      %add3A_551 = arith.addf %mul3A_545, %mul3A_550 : vector<16xf32>
      %swap3A_552 = arith.index_cast %scan3A_118 : i32 to index
      %swap3A_553 = arith.constant 416 : index
      %swap3A_554 = tpu.vector_load %arg14[%swap3A_552, %swap3A_553] {strides = array<i32>} : memref<32x512xf32, #tpu.memory_space<vmem>>, vector<1x16xf32>,
      %swap3A_555 = vector.shape_cast %swap3A_554 : vector<1x16xf32> to vector<16xf32>
      %swap3A_556 = vector.shape_cast %add3A_551 : vector<16xf32> to vector<1x16xf32>
      tpu.vector_store %arg14[%swap3A_552, %swap3A_553], %swap3A_556 {strides = array<i32>} : memref<32x512xf32, #tpu.memory_space<vmem>>, vector<1x16xf32>,
      %get3A_557 = arith.index_cast %scan3A_118 : i32 to index
      %get3A_558 = arith.constant 432 : index
      %get3A_559 = tpu.vector_load %arg12[%get3A_557, %get3A_558] {strides = array<i32>} : memref<32x512xf32, #tpu.memory_space<vmem>>, vector<1x16xf32>,
      %get3A_560 = vector.shape_cast %get3A_559 : vector<1x16xf32> to vector<16xf32>
      %mul3A_561 = arith.mulf %get3A_121, %get3A_560 : vector<16xf32>
      %get3A_562 = arith.index_cast %scan3A_118 : i32 to index
      %get3A_563 = arith.constant 432 : index
      %get3A_564 = tpu.vector_load %arg13[%get3A_562, %get3A_563] {strides = array<i32>} : memref<32x512xf32, #tpu.memory_space<vmem>>, vector<1x16xf32>,
      %get3A_565 = vector.shape_cast %get3A_564 : vector<1x16xf32> to vector<16xf32>
      %mul3A_566 = arith.mulf %get3A_125, %get3A_565 : vector<16xf32>
      %add3A_567 = arith.addf %mul3A_561, %mul3A_566 : vector<16xf32>
      %swap3A_568 = arith.index_cast %scan3A_118 : i32 to index
      %swap3A_569 = arith.constant 432 : index
      %swap3A_570 = tpu.vector_load %arg14[%swap3A_568, %swap3A_569] {strides = array<i32>} : memref<32x512xf32, #tpu.memory_space<vmem>>, vector<1x16xf32>,
      %swap3A_571 = vector.shape_cast %swap3A_570 : vector<1x16xf32> to vector<16xf32>
      %swap3A_572 = vector.shape_cast %add3A_567 : vector<16xf32> to vector<1x16xf32>
      tpu.vector_store %arg14[%swap3A_568, %swap3A_569], %swap3A_572 {strides = array<i32>} : memref<32x512xf32, #tpu.memory_space<vmem>>, vector<1x16xf32>,
      %get3A_573 = arith.index_cast %scan3A_118 : i32 to index
      %get3A_574 = arith.constant 448 : index
      %get3A_575 = tpu.vector_load %arg12[%get3A_573, %get3A_574] {strides = array<i32>} : memref<32x512xf32, #tpu.memory_space<vmem>>, vector<1x16xf32>,
      %get3A_576 = vector.shape_cast %get3A_575 : vector<1x16xf32> to vector<16xf32>
      %mul3A_577 = arith.mulf %get3A_121, %get3A_576 : vector<16xf32>
      %get3A_578 = arith.index_cast %scan3A_118 : i32 to index
      %get3A_579 = arith.constant 448 : index
      %get3A_580 = tpu.vector_load %arg13[%get3A_578, %get3A_579] {strides = array<i32>} : memref<32x512xf32, #tpu.memory_space<vmem>>, vector<1x16xf32>,
      %get3A_581 = vector.shape_cast %get3A_580 : vector<1x16xf32> to vector<16xf32>
      %mul3A_582 = arith.mulf %get3A_125, %get3A_581 : vector<16xf32>
      %add3A_583 = arith.addf %mul3A_577, %mul3A_582 : vector<16xf32>
      %swap3A_584 = arith.index_cast %scan3A_118 : i32 to index
      %swap3A_585 = arith.constant 448 : index
      %swap3A_586 = tpu.vector_load %arg14[%swap3A_584, %swap3A_585] {strides = array<i32>} : memref<32x512xf32, #tpu.memory_space<vmem>>, vector<1x16xf32>,
      %swap3A_587 = vector.shape_cast %swap3A_586 : vector<1x16xf32> to vector<16xf32>
      %swap3A_588 = vector.shape_cast %add3A_583 : vector<16xf32> to vector<1x16xf32>
      tpu.vector_store %arg14[%swap3A_584, %swap3A_585], %swap3A_588 {strides = array<i32>} : memref<32x512xf32, #tpu.memory_space<vmem>>, vector<1x16xf32>,
      %get3A_589 = arith.index_cast %scan3A_118 : i32 to index
      %get3A_590 = arith.constant 464 : index
      %get3A_591 = tpu.vector_load %arg12[%get3A_589, %get3A_590] {strides = array<i32>} : memref<32x512xf32, #tpu.memory_space<vmem>>, vector<1x16xf32>,
      %get3A_592 = vector.shape_cast %get3A_591 : vector<1x16xf32> to vector<16xf32>
      %mul3A_593 = arith.mulf %get3A_121, %get3A_592 : vector<16xf32>
      %get3A_594 = arith.index_cast %scan3A_118 : i32 to index
      %get3A_595 = arith.constant 464 : index
      %get3A_596 = tpu.vector_load %arg13[%get3A_594, %get3A_595] {strides = array<i32>} : memref<32x512xf32, #tpu.memory_space<vmem>>, vector<1x16xf32>,
      %get3A_597 = vector.shape_cast %get3A_596 : vector<1x16xf32> to vector<16xf32>
      %mul3A_598 = arith.mulf %get3A_125, %get3A_597 : vector<16xf32>
      %add3A_599 = arith.addf %mul3A_593, %mul3A_598 : vector<16xf32>
      %swap3A_600 = arith.index_cast %scan3A_118 : i32 to index
      %swap3A_601 = arith.constant 464 : index
      %swap3A_602 = tpu.vector_load %arg14[%swap3A_600, %swap3A_601] {strides = array<i32>} : memref<32x512xf32, #tpu.memory_space<vmem>>, vector<1x16xf32>,
      %swap3A_603 = vector.shape_cast %swap3A_602 : vector<1x16xf32> to vector<16xf32>
      %swap3A_604 = vector.shape_cast %add3A_599 : vector<16xf32> to vector<1x16xf32>
      tpu.vector_store %arg14[%swap3A_600, %swap3A_601], %swap3A_604 {strides = array<i32>} : memref<32x512xf32, #tpu.memory_space<vmem>>, vector<1x16xf32>,
      %get3A_605 = arith.index_cast %scan3A_118 : i32 to index
      %get3A_606 = arith.constant 480 : index
      %get3A_607 = tpu.vector_load %arg12[%get3A_605, %get3A_606] {strides = array<i32>} : memref<32x512xf32, #tpu.memory_space<vmem>>, vector<1x16xf32>,
      %get3A_608 = vector.shape_cast %get3A_607 : vector<1x16xf32> to vector<16xf32>
      %mul3A_609 = arith.mulf %get3A_121, %get3A_608 : vector<16xf32>
      %get3A_610 = arith.index_cast %scan3A_118 : i32 to index
      %get3A_611 = arith.constant 480 : index
      %get3A_612 = tpu.vector_load %arg13[%get3A_610, %get3A_611] {strides = array<i32>} : memref<32x512xf32, #tpu.memory_space<vmem>>, vector<1x16xf32>,
      %get3A_613 = vector.shape_cast %get3A_612 : vector<1x16xf32> to vector<16xf32>
      %mul3A_614 = arith.mulf %get3A_125, %get3A_613 : vector<16xf32>
      %add3A_615 = arith.addf %mul3A_609, %mul3A_614 : vector<16xf32>
      %swap3A_616 = arith.index_cast %scan3A_118 : i32 to index
      %swap3A_617 = arith.constant 480 : index
      %swap3A_618 = tpu.vector_load %arg14[%swap3A_616, %swap3A_617] {strides = array<i32>} : memref<32x512xf32, #tpu.memory_space<vmem>>, vector<1x16xf32>,
      %swap3A_619 = vector.shape_cast %swap3A_618 : vector<1x16xf32> to vector<16xf32>
      %swap3A_620 = vector.shape_cast %add3A_615 : vector<16xf32> to vector<1x16xf32>
      tpu.vector_store %arg14[%swap3A_616, %swap3A_617], %swap3A_620 {strides = array<i32>} : memref<32x512xf32, #tpu.memory_space<vmem>>, vector<1x16xf32>,
      %get3A_621 = arith.index_cast %scan3A_118 : i32 to index
      %get3A_622 = arith.constant 496 : index
      %get3A_623 = tpu.vector_load %arg12[%get3A_621, %get3A_622] {strides = array<i32>} : memref<32x512xf32, #tpu.memory_space<vmem>>, vector<1x16xf32>,
      %get3A_624 = vector.shape_cast %get3A_623 : vector<1x16xf32> to vector<16xf32>
      %mul3A_625 = arith.mulf %get3A_121, %get3A_624 : vector<16xf32>
      %get3A_626 = arith.index_cast %scan3A_118 : i32 to index
      %get3A_627 = arith.constant 496 : index
      %get3A_628 = tpu.vector_load %arg13[%get3A_626, %get3A_627] {strides = array<i32>} : memref<32x512xf32, #tpu.memory_space<vmem>>, vector<1x16xf32>,
      %get3A_629 = vector.shape_cast %get3A_628 : vector<1x16xf32> to vector<16xf32>
      %mul3A_630 = arith.mulf %get3A_125, %get3A_629 : vector<16xf32>
      %add3A_631 = arith.addf %mul3A_625, %mul3A_630 : vector<16xf32>
      %swap3A_632 = arith.index_cast %scan3A_118 : i32 to index
      %swap3A_633 = arith.constant 496 : index
      %swap3A_634 = tpu.vector_load %arg14[%swap3A_632, %swap3A_633] {strides = array<i32>} : memref<32x512xf32, #tpu.memory_space<vmem>>, vector<1x16xf32>,
      %swap3A_635 = vector.shape_cast %swap3A_634 : vector<1x16xf32> to vector<16xf32>
      %swap3A_636 = vector.shape_cast %add3A_631 : vector<16xf32> to vector<1x16xf32>
      tpu.vector_store %arg14[%swap3A_632, %swap3A_633], %swap3A_636 {strides = array<i32>} : memref<32x512xf32, #tpu.memory_space<vmem>>, vector<1x16xf32>,
    }
    %scan3A_53 = arith.constant 16 : i32
    %dma_start3A_54 = arith.constant 0 : i32
    %dma_start3A_55 = arith.constant 0 : i32
    %dma_start3A_56 = tpu.memref_slice %arg14[%dma_start3A_54, %dma_start3A_55] : memref<32x512xf32, #tpu.memory_space<vmem>> -> memref<16x512xf32, #tpu.memory_space<vmem>>
    %dma_start3A_57 = arith.constant 0 : i32
    %dma_start3A_58 = tpu.memref_slice %arg7[%mul3A_2, %dma_start3A_57] : memref<1024x512xf32, #tpu.memory_space<hbm>> -> memref<16x512xf32, #tpu.memory_space<hbm>>
    %dma_start3A_59 = arith.constant 0 : i32
    %dma_start3A_60 = tpu.memref_slice %arg7[%mul3A_2, %dma_start3A_59] : memref<1024x512xf32, #tpu.memory_space<hbm>> -> memref<16x512xf32, #tpu.memory_space<hbm>>
    %dma_start3A_61 = arith.constant 0 : i32
    %dma_start3A_62 = arith.constant 0 : i32
    %dma_start3A_63 = tpu.memref_slice %arg14[%dma_start3A_61, %dma_start3A_62] : memref<32x512xf32, #tpu.memory_space<vmem>> -> memref<16x512xf32, #tpu.memory_space<vmem>>
    tpu.enqueue_dma source(%dma_start3A_63 : memref<16x512xf32, #tpu.memory_space<vmem>>) target(%dma_start3A_60 : memref<16x512xf32, #tpu.memory_space<hbm>>) target_semaphore(%arg19 : memref<!tpu.dma_semaphore, #tpu.memory_space<semaphore_mem>>)
    %dma_wait3A_64 = arith.constant 16 : i32
    %dma_wait3A_65 = arith.constant 0 : i32
    %dma_wait3A_66 = tpu.memref_slice %arg12[%dma_wait3A_64, %dma_wait3A_65] : memref<32x512xf32, #tpu.memory_space<vmem>> -> memref<16x512xf32, #tpu.memory_space<vmem>>
    %dma_wait3A_67 = arith.constant 16 : i32
    %dma_wait3A_68 = tpu.memref_slice %arg8[%dma_wait3A_67] : memref<32xi32, #tpu.memory_space<vmem>> -> memref<16xi32, #tpu.memory_space<vmem>>
    %dma_wait3A_69 = arith.constant 0 : i32
    %dma_wait3A_70 = arith.constant 0 : i32
    %dma_wait3A_71 = tpu.memref_slice %arg2[%dma_wait3A_69, %dma_wait3A_70] : memref<6144x512xf32, #tpu.memory_space<hbm>> -> memref<6144x512xf32, #tpu.memory_space<hbm>>
    tpu.wait_indirect_dma semaphore(%arg17 : memref<!tpu.dma_semaphore, #tpu.memory_space<semaphore_mem>>) src(%dma_wait3A_71 : memref<6144x512xf32, #tpu.memory_space<hbm>>) dst(%dma_wait3A_66 : memref<16x512xf32, #tpu.memory_space<vmem>>)
    %dma_wait3A_72 = arith.constant 16 : i32
    %dma_wait3A_73 = arith.constant 0 : i32
    %dma_wait3A_74 = tpu.memref_slice %arg13[%dma_wait3A_72, %dma_wait3A_73] : memref<32x512xf32, #tpu.memory_space<vmem>> -> memref<16x512xf32, #tpu.memory_space<vmem>>
    %dma_wait3A_75 = arith.constant 16 : i32
    %dma_wait3A_76 = tpu.memref_slice %arg9[%dma_wait3A_75] : memref<32xi32, #tpu.memory_space<vmem>> -> memref<16xi32, #tpu.memory_space<vmem>>
    %dma_wait3A_77 = arith.constant 0 : i32
    %dma_wait3A_78 = arith.constant 0 : i32
    %dma_wait3A_79 = tpu.memref_slice %arg2[%dma_wait3A_77, %dma_wait3A_78] : memref<6144x512xf32, #tpu.memory_space<hbm>> -> memref<6144x512xf32, #tpu.memory_space<hbm>>
    tpu.wait_indirect_dma semaphore(%arg18 : memref<!tpu.dma_semaphore, #tpu.memory_space<semaphore_mem>>) src(%dma_wait3A_79 : memref<6144x512xf32, #tpu.memory_space<hbm>>) dst(%dma_wait3A_74 : memref<16x512xf32, #tpu.memory_space<vmem>>)
    %scan3A_80 = arith.constant 0 : i32
    %scan3A_81 = arith.constant 16 : i32
    %scan3A_82 = arith.constant 16 : i32
    %scan3A_83 = arith.addi %scan3A_81, %scan3A_82 : i32
    %scan3A_84 = arith.constant 1 : i32
    scf.for %scan3A_118 = %scan3A_81 to %scan3A_83 step %scan3A_84  : i32 {
      %get3A = arith.index_cast %scan3A_118 : i32 to index
      %get3A_119 = arith.constant 0 : index
      %get3A_120 = tpu.vector_load %arg10[%get3A, %get3A_119] {strides = array<i32>} : memref<32x16xf32, #tpu.memory_space<vmem>>, vector<1x16xf32>,
      %get3A_121 = vector.shape_cast %get3A_120 : vector<1x16xf32> to vector<16xf32>
      %get3A_122 = arith.index_cast %scan3A_118 : i32 to index
      %get3A_123 = arith.constant 0 : index
      %get3A_124 = tpu.vector_load %arg11[%get3A_122, %get3A_123] {strides = array<i32>} : memref<32x16xf32, #tpu.memory_space<vmem>>, vector<1x16xf32>,
      %get3A_125 = vector.shape_cast %get3A_124 : vector<1x16xf32> to vector<16xf32>
      %get3A_126 = arith.index_cast %scan3A_118 : i32 to index
      %get3A_127 = arith.constant 0 : index
      %get3A_128 = tpu.vector_load %arg12[%get3A_126, %get3A_127] {strides = array<i32>} : memref<32x512xf32, #tpu.memory_space<vmem>>, vector<1x16xf32>,
      %get3A_129 = vector.shape_cast %get3A_128 : vector<1x16xf32> to vector<16xf32>
      %mul3A_130 = arith.mulf %get3A_121, %get3A_129 : vector<16xf32>
      %get3A_131 = arith.index_cast %scan3A_118 : i32 to index
      %get3A_132 = arith.constant 0 : index
      %get3A_133 = tpu.vector_load %arg13[%get3A_131, %get3A_132] {strides = array<i32>} : memref<32x512xf32, #tpu.memory_space<vmem>>, vector<1x16xf32>,
      %get3A_134 = vector.shape_cast %get3A_133 : vector<1x16xf32> to vector<16xf32>
      %mul3A_135 = arith.mulf %get3A_125, %get3A_134 : vector<16xf32>
      %add3A_136 = arith.addf %mul3A_130, %mul3A_135 : vector<16xf32>
      %swap3A = arith.index_cast %scan3A_118 : i32 to index
      %swap3A_137 = arith.constant 0 : index
      %swap3A_138 = tpu.vector_load %arg14[%swap3A, %swap3A_137] {strides = array<i32>} : memref<32x512xf32, #tpu.memory_space<vmem>>, vector<1x16xf32>,
      %swap3A_139 = vector.shape_cast %swap3A_138 : vector<1x16xf32> to vector<16xf32>
      %swap3A_140 = vector.shape_cast %add3A_136 : vector<16xf32> to vector<1x16xf32>
      tpu.vector_store %arg14[%swap3A, %swap3A_137], %swap3A_140 {strides = array<i32>} : memref<32x512xf32, #tpu.memory_space<vmem>>, vector<1x16xf32>,
      %get3A_141 = arith.index_cast %scan3A_118 : i32 to index
      %get3A_142 = arith.constant 16 : index
      %get3A_143 = tpu.vector_load %arg12[%get3A_141, %get3A_142] {strides = array<i32>} : memref<32x512xf32, #tpu.memory_space<vmem>>, vector<1x16xf32>,
      %get3A_144 = vector.shape_cast %get3A_143 : vector<1x16xf32> to vector<16xf32>
      %mul3A_145 = arith.mulf %get3A_121, %get3A_144 : vector<16xf32>
      %get3A_146 = arith.index_cast %scan3A_118 : i32 to index
      %get3A_147 = arith.constant 16 : index
      %get3A_148 = tpu.vector_load %arg13[%get3A_146, %get3A_147] {strides = array<i32>} : memref<32x512xf32, #tpu.memory_space<vmem>>, vector<1x16xf32>,
      %get3A_149 = vector.shape_cast %get3A_148 : vector<1x16xf32> to vector<16xf32>
      %mul3A_150 = arith.mulf %get3A_125, %get3A_149 : vector<16xf32>
      %add3A_151 = arith.addf %mul3A_145, %mul3A_150 : vector<16xf32>
      %swap3A_152 = arith.index_cast %scan3A_118 : i32 to index
      %swap3A_153 = arith.constant 16 : index
      %swap3A_154 = tpu.vector_load %arg14[%swap3A_152, %swap3A_153] {strides = array<i32>} : memref<32x512xf32, #tpu.memory_space<vmem>>, vector<1x16xf32>,
      %swap3A_155 = vector.shape_cast %swap3A_154 : vector<1x16xf32> to vector<16xf32>
      %swap3A_156 = vector.shape_cast %add3A_151 : vector<16xf32> to vector<1x16xf32>
      tpu.vector_store %arg14[%swap3A_152, %swap3A_153], %swap3A_156 {strides = array<i32>} : memref<32x512xf32, #tpu.memory_space<vmem>>, vector<1x16xf32>,
      %get3A_157 = arith.index_cast %scan3A_118 : i32 to index
      %get3A_158 = arith.constant 32 : index
      %get3A_159 = tpu.vector_load %arg12[%get3A_157, %get3A_158] {strides = array<i32>} : memref<32x512xf32, #tpu.memory_space<vmem>>, vector<1x16xf32>,
      %get3A_160 = vector.shape_cast %get3A_159 : vector<1x16xf32> to vector<16xf32>
      %mul3A_161 = arith.mulf %get3A_121, %get3A_160 : vector<16xf32>
      %get3A_162 = arith.index_cast %scan3A_118 : i32 to index
      %get3A_163 = arith.constant 32 : index
      %get3A_164 = tpu.vector_load %arg13[%get3A_162, %get3A_163] {strides = array<i32>} : memref<32x512xf32, #tpu.memory_space<vmem>>, vector<1x16xf32>,
      %get3A_165 = vector.shape_cast %get3A_164 : vector<1x16xf32> to vector<16xf32>
      %mul3A_166 = arith.mulf %get3A_125, %get3A_165 : vector<16xf32>
      %add3A_167 = arith.addf %mul3A_161, %mul3A_166 : vector<16xf32>
      %swap3A_168 = arith.index_cast %scan3A_118 : i32 to index
      %swap3A_169 = arith.constant 32 : index
      %swap3A_170 = tpu.vector_load %arg14[%swap3A_168, %swap3A_169] {strides = array<i32>} : memref<32x512xf32, #tpu.memory_space<vmem>>, vector<1x16xf32>,
      %swap3A_171 = vector.shape_cast %swap3A_170 : vector<1x16xf32> to vector<16xf32>
      %swap3A_172 = vector.shape_cast %add3A_167 : vector<16xf32> to vector<1x16xf32>
      tpu.vector_store %arg14[%swap3A_168, %swap3A_169], %swap3A_172 {strides = array<i32>} : memref<32x512xf32, #tpu.memory_space<vmem>>, vector<1x16xf32>,
      %get3A_173 = arith.index_cast %scan3A_118 : i32 to index
      %get3A_174 = arith.constant 48 : index
      %get3A_175 = tpu.vector_load %arg12[%get3A_173, %get3A_174] {strides = array<i32>} : memref<32x512xf32, #tpu.memory_space<vmem>>, vector<1x16xf32>,
      %get3A_176 = vector.shape_cast %get3A_175 : vector<1x16xf32> to vector<16xf32>
      %mul3A_177 = arith.mulf %get3A_121, %get3A_176 : vector<16xf32>
      %get3A_178 = arith.index_cast %scan3A_118 : i32 to index
      %get3A_179 = arith.constant 48 : index
      %get3A_180 = tpu.vector_load %arg13[%get3A_178, %get3A_179] {strides = array<i32>} : memref<32x512xf32, #tpu.memory_space<vmem>>, vector<1x16xf32>,
      %get3A_181 = vector.shape_cast %get3A_180 : vector<1x16xf32> to vector<16xf32>
      %mul3A_182 = arith.mulf %get3A_125, %get3A_181 : vector<16xf32>
      %add3A_183 = arith.addf %mul3A_177, %mul3A_182 : vector<16xf32>
      %swap3A_184 = arith.index_cast %scan3A_118 : i32 to index
      %swap3A_185 = arith.constant 48 : index
      %swap3A_186 = tpu.vector_load %arg14[%swap3A_184, %swap3A_185] {strides = array<i32>} : memref<32x512xf32, #tpu.memory_space<vmem>>, vector<1x16xf32>,
      %swap3A_187 = vector.shape_cast %swap3A_186 : vector<1x16xf32> to vector<16xf32>
      %swap3A_188 = vector.shape_cast %add3A_183 : vector<16xf32> to vector<1x16xf32>
      tpu.vector_store %arg14[%swap3A_184, %swap3A_185], %swap3A_188 {strides = array<i32>} : memref<32x512xf32, #tpu.memory_space<vmem>>, vector<1x16xf32>,
      %get3A_189 = arith.index_cast %scan3A_118 : i32 to index
      %get3A_190 = arith.constant 64 : index
      %get3A_191 = tpu.vector_load %arg12[%get3A_189, %get3A_190] {strides = array<i32>} : memref<32x512xf32, #tpu.memory_space<vmem>>, vector<1x16xf32>,
      %get3A_192 = vector.shape_cast %get3A_191 : vector<1x16xf32> to vector<16xf32>
      %mul3A_193 = arith.mulf %get3A_121, %get3A_192 : vector<16xf32>
      %get3A_194 = arith.index_cast %scan3A_118 : i32 to index
      %get3A_195 = arith.constant 64 : index
      %get3A_196 = tpu.vector_load %arg13[%get3A_194, %get3A_195] {strides = array<i32>} : memref<32x512xf32, #tpu.memory_space<vmem>>, vector<1x16xf32>,
      %get3A_197 = vector.shape_cast %get3A_196 : vector<1x16xf32> to vector<16xf32>
      %mul3A_198 = arith.mulf %get3A_125, %get3A_197 : vector<16xf32>
      %add3A_199 = arith.addf %mul3A_193, %mul3A_198 : vector<16xf32>
      %swap3A_200 = arith.index_cast %scan3A_118 : i32 to index
      %swap3A_201 = arith.constant 64 : index
      %swap3A_202 = tpu.vector_load %arg14[%swap3A_200, %swap3A_201] {strides = array<i32>} : memref<32x512xf32, #tpu.memory_space<vmem>>, vector<1x16xf32>,
      %swap3A_203 = vector.shape_cast %swap3A_202 : vector<1x16xf32> to vector<16xf32>
      %swap3A_204 = vector.shape_cast %add3A_199 : vector<16xf32> to vector<1x16xf32>
      tpu.vector_store %arg14[%swap3A_200, %swap3A_201], %swap3A_204 {strides = array<i32>} : memref<32x512xf32, #tpu.memory_space<vmem>>, vector<1x16xf32>,
      %get3A_205 = arith.index_cast %scan3A_118 : i32 to index
      %get3A_206 = arith.constant 80 : index
      %get3A_207 = tpu.vector_load %arg12[%get3A_205, %get3A_206] {strides = array<i32>} : memref<32x512xf32, #tpu.memory_space<vmem>>, vector<1x16xf32>,
      %get3A_208 = vector.shape_cast %get3A_207 : vector<1x16xf32> to vector<16xf32>
      %mul3A_209 = arith.mulf %get3A_121, %get3A_208 : vector<16xf32>
      %get3A_210 = arith.index_cast %scan3A_118 : i32 to index
      %get3A_211 = arith.constant 80 : index
      %get3A_212 = tpu.vector_load %arg13[%get3A_210, %get3A_211] {strides = array<i32>} : memref<32x512xf32, #tpu.memory_space<vmem>>, vector<1x16xf32>,
      %get3A_213 = vector.shape_cast %get3A_212 : vector<1x16xf32> to vector<16xf32>
      %mul3A_214 = arith.mulf %get3A_125, %get3A_213 : vector<16xf32>
      %add3A_215 = arith.addf %mul3A_209, %mul3A_214 : vector<16xf32>
      %swap3A_216 = arith.index_cast %scan3A_118 : i32 to index
      %swap3A_217 = arith.constant 80 : index
      %swap3A_218 = tpu.vector_load %arg14[%swap3A_216, %swap3A_217] {strides = array<i32>} : memref<32x512xf32, #tpu.memory_space<vmem>>, vector<1x16xf32>,
      %swap3A_219 = vector.shape_cast %swap3A_218 : vector<1x16xf32> to vector<16xf32>
      %swap3A_220 = vector.shape_cast %add3A_215 : vector<16xf32> to vector<1x16xf32>
      tpu.vector_store %arg14[%swap3A_216, %swap3A_217], %swap3A_220 {strides = array<i32>} : memref<32x512xf32, #tpu.memory_space<vmem>>, vector<1x16xf32>,
      %get3A_221 = arith.index_cast %scan3A_118 : i32 to index
      %get3A_222 = arith.constant 96 : index
      %get3A_223 = tpu.vector_load %arg12[%get3A_221, %get3A_222] {strides = array<i32>} : memref<32x512xf32, #tpu.memory_space<vmem>>, vector<1x16xf32>,
      %get3A_224 = vector.shape_cast %get3A_223 : vector<1x16xf32> to vector<16xf32>
      %mul3A_225 = arith.mulf %get3A_121, %get3A_224 : vector<16xf32>
      %get3A_226 = arith.index_cast %scan3A_118 : i32 to index
      %get3A_227 = arith.constant 96 : index
      %get3A_228 = tpu.vector_load %arg13[%get3A_226, %get3A_227] {strides = array<i32>} : memref<32x512xf32, #tpu.memory_space<vmem>>, vector<1x16xf32>,
      %get3A_229 = vector.shape_cast %get3A_228 : vector<1x16xf32> to vector<16xf32>
      %mul3A_230 = arith.mulf %get3A_125, %get3A_229 : vector<16xf32>
      %add3A_231 = arith.addf %mul3A_225, %mul3A_230 : vector<16xf32>
      %swap3A_232 = arith.index_cast %scan3A_118 : i32 to index
      %swap3A_233 = arith.constant 96 : index
      %swap3A_234 = tpu.vector_load %arg14[%swap3A_232, %swap3A_233] {strides = array<i32>} : memref<32x512xf32, #tpu.memory_space<vmem>>, vector<1x16xf32>,
      %swap3A_235 = vector.shape_cast %swap3A_234 : vector<1x16xf32> to vector<16xf32>
      %swap3A_236 = vector.shape_cast %add3A_231 : vector<16xf32> to vector<1x16xf32>
      tpu.vector_store %arg14[%swap3A_232, %swap3A_233], %swap3A_236 {strides = array<i32>} : memref<32x512xf32, #tpu.memory_space<vmem>>, vector<1x16xf32>,
      %get3A_237 = arith.index_cast %scan3A_118 : i32 to index
      %get3A_238 = arith.constant 112 : index
      %get3A_239 = tpu.vector_load %arg12[%get3A_237, %get3A_238] {strides = array<i32>} : memref<32x512xf32, #tpu.memory_space<vmem>>, vector<1x16xf32>,
      %get3A_240 = vector.shape_cast %get3A_239 : vector<1x16xf32> to vector<16xf32>
      %mul3A_241 = arith.mulf %get3A_121, %get3A_240 : vector<16xf32>
      %get3A_242 = arith.index_cast %scan3A_118 : i32 to index
      %get3A_243 = arith.constant 112 : index
      %get3A_244 = tpu.vector_load %arg13[%get3A_242, %get3A_243] {strides = array<i32>} : memref<32x512xf32, #tpu.memory_space<vmem>>, vector<1x16xf32>,
      %get3A_245 = vector.shape_cast %get3A_244 : vector<1x16xf32> to vector<16xf32>
      %mul3A_246 = arith.mulf %get3A_125, %get3A_245 : vector<16xf32>
      %add3A_247 = arith.addf %mul3A_241, %mul3A_246 : vector<16xf32>
      %swap3A_248 = arith.index_cast %scan3A_118 : i32 to index
      %swap3A_249 = arith.constant 112 : index
      %swap3A_250 = tpu.vector_load %arg14[%swap3A_248, %swap3A_249] {strides = array<i32>} : memref<32x512xf32, #tpu.memory_space<vmem>>, vector<1x16xf32>,
      %swap3A_251 = vector.shape_cast %swap3A_250 : vector<1x16xf32> to vector<16xf32>
      %swap3A_252 = vector.shape_cast %add3A_247 : vector<16xf32> to vector<1x16xf32>
      tpu.vector_store %arg14[%swap3A_248, %swap3A_249], %swap3A_252 {strides = array<i32>} : memref<32x512xf32, #tpu.memory_space<vmem>>, vector<1x16xf32>,
      %get3A_253 = arith.index_cast %scan3A_118 : i32 to index
      %get3A_254 = arith.constant 128 : index
      %get3A_255 = tpu.vector_load %arg12[%get3A_253, %get3A_254] {strides = array<i32>} : memref<32x512xf32, #tpu.memory_space<vmem>>, vector<1x16xf32>,
      %get3A_256 = vector.shape_cast %get3A_255 : vector<1x16xf32> to vector<16xf32>
      %mul3A_257 = arith.mulf %get3A_121, %get3A_256 : vector<16xf32>
      %get3A_258 = arith.index_cast %scan3A_118 : i32 to index
      %get3A_259 = arith.constant 128 : index
      %get3A_260 = tpu.vector_load %arg13[%get3A_258, %get3A_259] {strides = array<i32>} : memref<32x512xf32, #tpu.memory_space<vmem>>, vector<1x16xf32>,
      %get3A_261 = vector.shape_cast %get3A_260 : vector<1x16xf32> to vector<16xf32>
      %mul3A_262 = arith.mulf %get3A_125, %get3A_261 : vector<16xf32>
      %add3A_263 = arith.addf %mul3A_257, %mul3A_262 : vector<16xf32>
      %swap3A_264 = arith.index_cast %scan3A_118 : i32 to index
      %swap3A_265 = arith.constant 128 : index
      %swap3A_266 = tpu.vector_load %arg14[%swap3A_264, %swap3A_265] {strides = array<i32>} : memref<32x512xf32, #tpu.memory_space<vmem>>, vector<1x16xf32>,
      %swap3A_267 = vector.shape_cast %swap3A_266 : vector<1x16xf32> to vector<16xf32>
      %swap3A_268 = vector.shape_cast %add3A_263 : vector<16xf32> to vector<1x16xf32>
      tpu.vector_store %arg14[%swap3A_264, %swap3A_265], %swap3A_268 {strides = array<i32>} : memref<32x512xf32, #tpu.memory_space<vmem>>, vector<1x16xf32>,
      %get3A_269 = arith.index_cast %scan3A_118 : i32 to index
      %get3A_270 = arith.constant 144 : index
      %get3A_271 = tpu.vector_load %arg12[%get3A_269, %get3A_270] {strides = array<i32>} : memref<32x512xf32, #tpu.memory_space<vmem>>, vector<1x16xf32>,
      %get3A_272 = vector.shape_cast %get3A_271 : vector<1x16xf32> to vector<16xf32>
      %mul3A_273 = arith.mulf %get3A_121, %get3A_272 : vector<16xf32>
      %get3A_274 = arith.index_cast %scan3A_118 : i32 to index
      %get3A_275 = arith.constant 144 : index
      %get3A_276 = tpu.vector_load %arg13[%get3A_274, %get3A_275] {strides = array<i32>} : memref<32x512xf32, #tpu.memory_space<vmem>>, vector<1x16xf32>,
      %get3A_277 = vector.shape_cast %get3A_276 : vector<1x16xf32> to vector<16xf32>
      %mul3A_278 = arith.mulf %get3A_125, %get3A_277 : vector<16xf32>
      %add3A_279 = arith.addf %mul3A_273, %mul3A_278 : vector<16xf32>
      %swap3A_280 = arith.index_cast %scan3A_118 : i32 to index
      %swap3A_281 = arith.constant 144 : index
      %swap3A_282 = tpu.vector_load %arg14[%swap3A_280, %swap3A_281] {strides = array<i32>} : memref<32x512xf32, #tpu.memory_space<vmem>>, vector<1x16xf32>,
      %swap3A_283 = vector.shape_cast %swap3A_282 : vector<1x16xf32> to vector<16xf32>
      %swap3A_284 = vector.shape_cast %add3A_279 : vector<16xf32> to vector<1x16xf32>
      tpu.vector_store %arg14[%swap3A_280, %swap3A_281], %swap3A_284 {strides = array<i32>} : memref<32x512xf32, #tpu.memory_space<vmem>>, vector<1x16xf32>,
      %get3A_285 = arith.index_cast %scan3A_118 : i32 to index
      %get3A_286 = arith.constant 160 : index
      %get3A_287 = tpu.vector_load %arg12[%get3A_285, %get3A_286] {strides = array<i32>} : memref<32x512xf32, #tpu.memory_space<vmem>>, vector<1x16xf32>,
      %get3A_288 = vector.shape_cast %get3A_287 : vector<1x16xf32> to vector<16xf32>
      %mul3A_289 = arith.mulf %get3A_121, %get3A_288 : vector<16xf32>
      %get3A_290 = arith.index_cast %scan3A_118 : i32 to index
      %get3A_291 = arith.constant 160 : index
      %get3A_292 = tpu.vector_load %arg13[%get3A_290, %get3A_291] {strides = array<i32>} : memref<32x512xf32, #tpu.memory_space<vmem>>, vector<1x16xf32>,
      %get3A_293 = vector.shape_cast %get3A_292 : vector<1x16xf32> to vector<16xf32>
      %mul3A_294 = arith.mulf %get3A_125, %get3A_293 : vector<16xf32>
      %add3A_295 = arith.addf %mul3A_289, %mul3A_294 : vector<16xf32>
      %swap3A_296 = arith.index_cast %scan3A_118 : i32 to index
      %swap3A_297 = arith.constant 160 : index
      %swap3A_298 = tpu.vector_load %arg14[%swap3A_296, %swap3A_297] {strides = array<i32>} : memref<32x512xf32, #tpu.memory_space<vmem>>, vector<1x16xf32>,
      %swap3A_299 = vector.shape_cast %swap3A_298 : vector<1x16xf32> to vector<16xf32>
      %swap3A_300 = vector.shape_cast %add3A_295 : vector<16xf32> to vector<1x16xf32>
      tpu.vector_store %arg14[%swap3A_296, %swap3A_297], %swap3A_300 {strides = array<i32>} : memref<32x512xf32, #tpu.memory_space<vmem>>, vector<1x16xf32>,
      %get3A_301 = arith.index_cast %scan3A_118 : i32 to index
      %get3A_302 = arith.constant 176 : index
      %get3A_303 = tpu.vector_load %arg12[%get3A_301, %get3A_302] {strides = array<i32>} : memref<32x512xf32, #tpu.memory_space<vmem>>, vector<1x16xf32>,
      %get3A_304 = vector.shape_cast %get3A_303 : vector<1x16xf32> to vector<16xf32>
      %mul3A_305 = arith.mulf %get3A_121, %get3A_304 : vector<16xf32>
      %get3A_306 = arith.index_cast %scan3A_118 : i32 to index
      %get3A_307 = arith.constant 176 : index
      %get3A_308 = tpu.vector_load %arg13[%get3A_306, %get3A_307] {strides = array<i32>} : memref<32x512xf32, #tpu.memory_space<vmem>>, vector<1x16xf32>,
      %get3A_309 = vector.shape_cast %get3A_308 : vector<1x16xf32> to vector<16xf32>
      %mul3A_310 = arith.mulf %get3A_125, %get3A_309 : vector<16xf32>
      %add3A_311 = arith.addf %mul3A_305, %mul3A_310 : vector<16xf32>
      %swap3A_312 = arith.index_cast %scan3A_118 : i32 to index
      %swap3A_313 = arith.constant 176 : index
      %swap3A_314 = tpu.vector_load %arg14[%swap3A_312, %swap3A_313] {strides = array<i32>} : memref<32x512xf32, #tpu.memory_space<vmem>>, vector<1x16xf32>,
      %swap3A_315 = vector.shape_cast %swap3A_314 : vector<1x16xf32> to vector<16xf32>
      %swap3A_316 = vector.shape_cast %add3A_311 : vector<16xf32> to vector<1x16xf32>
      tpu.vector_store %arg14[%swap3A_312, %swap3A_313], %swap3A_316 {strides = array<i32>} : memref<32x512xf32, #tpu.memory_space<vmem>>, vector<1x16xf32>,
      %get3A_317 = arith.index_cast %scan3A_118 : i32 to index
      %get3A_318 = arith.constant 192 : index
      %get3A_319 = tpu.vector_load %arg12[%get3A_317, %get3A_318] {strides = array<i32>} : memref<32x512xf32, #tpu.memory_space<vmem>>, vector<1x16xf32>,
      %get3A_320 = vector.shape_cast %get3A_319 : vector<1x16xf32> to vector<16xf32>
      %mul3A_321 = arith.mulf %get3A_121, %get3A_320 : vector<16xf32>
      %get3A_322 = arith.index_cast %scan3A_118 : i32 to index
      %get3A_323 = arith.constant 192 : index
      %get3A_324 = tpu.vector_load %arg13[%get3A_322, %get3A_323] {strides = array<i32>} : memref<32x512xf32, #tpu.memory_space<vmem>>, vector<1x16xf32>,
      %get3A_325 = vector.shape_cast %get3A_324 : vector<1x16xf32> to vector<16xf32>
      %mul3A_326 = arith.mulf %get3A_125, %get3A_325 : vector<16xf32>
      %add3A_327 = arith.addf %mul3A_321, %mul3A_326 : vector<16xf32>
      %swap3A_328 = arith.index_cast %scan3A_118 : i32 to index
      %swap3A_329 = arith.constant 192 : index
      %swap3A_330 = tpu.vector_load %arg14[%swap3A_328, %swap3A_329] {strides = array<i32>} : memref<32x512xf32, #tpu.memory_space<vmem>>, vector<1x16xf32>,
      %swap3A_331 = vector.shape_cast %swap3A_330 : vector<1x16xf32> to vector<16xf32>
      %swap3A_332 = vector.shape_cast %add3A_327 : vector<16xf32> to vector<1x16xf32>
      tpu.vector_store %arg14[%swap3A_328, %swap3A_329], %swap3A_332 {strides = array<i32>} : memref<32x512xf32, #tpu.memory_space<vmem>>, vector<1x16xf32>,
      %get3A_333 = arith.index_cast %scan3A_118 : i32 to index
      %get3A_334 = arith.constant 208 : index
      %get3A_335 = tpu.vector_load %arg12[%get3A_333, %get3A_334] {strides = array<i32>} : memref<32x512xf32, #tpu.memory_space<vmem>>, vector<1x16xf32>,
      %get3A_336 = vector.shape_cast %get3A_335 : vector<1x16xf32> to vector<16xf32>
      %mul3A_337 = arith.mulf %get3A_121, %get3A_336 : vector<16xf32>
      %get3A_338 = arith.index_cast %scan3A_118 : i32 to index
      %get3A_339 = arith.constant 208 : index
      %get3A_340 = tpu.vector_load %arg13[%get3A_338, %get3A_339] {strides = array<i32>} : memref<32x512xf32, #tpu.memory_space<vmem>>, vector<1x16xf32>,
      %get3A_341 = vector.shape_cast %get3A_340 : vector<1x16xf32> to vector<16xf32>
      %mul3A_342 = arith.mulf %get3A_125, %get3A_341 : vector<16xf32>
      %add3A_343 = arith.addf %mul3A_337, %mul3A_342 : vector<16xf32>
      %swap3A_344 = arith.index_cast %scan3A_118 : i32 to index
      %swap3A_345 = arith.constant 208 : index
      %swap3A_346 = tpu.vector_load %arg14[%swap3A_344, %swap3A_345] {strides = array<i32>} : memref<32x512xf32, #tpu.memory_space<vmem>>, vector<1x16xf32>,
      %swap3A_347 = vector.shape_cast %swap3A_346 : vector<1x16xf32> to vector<16xf32>
      %swap3A_348 = vector.shape_cast %add3A_343 : vector<16xf32> to vector<1x16xf32>
      tpu.vector_store %arg14[%swap3A_344, %swap3A_345], %swap3A_348 {strides = array<i32>} : memref<32x512xf32, #tpu.memory_space<vmem>>, vector<1x16xf32>,
      %get3A_349 = arith.index_cast %scan3A_118 : i32 to index
      %get3A_350 = arith.constant 224 : index
      %get3A_351 = tpu.vector_load %arg12[%get3A_349, %get3A_350] {strides = array<i32>} : memref<32x512xf32, #tpu.memory_space<vmem>>, vector<1x16xf32>,
      %get3A_352 = vector.shape_cast %get3A_351 : vector<1x16xf32> to vector<16xf32>
      %mul3A_353 = arith.mulf %get3A_121, %get3A_352 : vector<16xf32>
      %get3A_354 = arith.index_cast %scan3A_118 : i32 to index
      %get3A_355 = arith.constant 224 : index
      %get3A_356 = tpu.vector_load %arg13[%get3A_354, %get3A_355] {strides = array<i32>} : memref<32x512xf32, #tpu.memory_space<vmem>>, vector<1x16xf32>,
      %get3A_357 = vector.shape_cast %get3A_356 : vector<1x16xf32> to vector<16xf32>
      %mul3A_358 = arith.mulf %get3A_125, %get3A_357 : vector<16xf32>
      %add3A_359 = arith.addf %mul3A_353, %mul3A_358 : vector<16xf32>
      %swap3A_360 = arith.index_cast %scan3A_118 : i32 to index
      %swap3A_361 = arith.constant 224 : index
      %swap3A_362 = tpu.vector_load %arg14[%swap3A_360, %swap3A_361] {strides = array<i32>} : memref<32x512xf32, #tpu.memory_space<vmem>>, vector<1x16xf32>,
      %swap3A_363 = vector.shape_cast %swap3A_362 : vector<1x16xf32> to vector<16xf32>
      %swap3A_364 = vector.shape_cast %add3A_359 : vector<16xf32> to vector<1x16xf32>
      tpu.vector_store %arg14[%swap3A_360, %swap3A_361], %swap3A_364 {strides = array<i32>} : memref<32x512xf32, #tpu.memory_space<vmem>>, vector<1x16xf32>,
      %get3A_365 = arith.index_cast %scan3A_118 : i32 to index
      %get3A_366 = arith.constant 240 : index
      %get3A_367 = tpu.vector_load %arg12[%get3A_365, %get3A_366] {strides = array<i32>} : memref<32x512xf32, #tpu.memory_space<vmem>>, vector<1x16xf32>,
      %get3A_368 = vector.shape_cast %get3A_367 : vector<1x16xf32> to vector<16xf32>
      %mul3A_369 = arith.mulf %get3A_121, %get3A_368 : vector<16xf32>
      %get3A_370 = arith.index_cast %scan3A_118 : i32 to index
      %get3A_371 = arith.constant 240 : index
      %get3A_372 = tpu.vector_load %arg13[%get3A_370, %get3A_371] {strides = array<i32>} : memref<32x512xf32, #tpu.memory_space<vmem>>, vector<1x16xf32>,
      %get3A_373 = vector.shape_cast %get3A_372 : vector<1x16xf32> to vector<16xf32>
      %mul3A_374 = arith.mulf %get3A_125, %get3A_373 : vector<16xf32>
      %add3A_375 = arith.addf %mul3A_369, %mul3A_374 : vector<16xf32>
      %swap3A_376 = arith.index_cast %scan3A_118 : i32 to index
      %swap3A_377 = arith.constant 240 : index
      %swap3A_378 = tpu.vector_load %arg14[%swap3A_376, %swap3A_377] {strides = array<i32>} : memref<32x512xf32, #tpu.memory_space<vmem>>, vector<1x16xf32>,
      %swap3A_379 = vector.shape_cast %swap3A_378 : vector<1x16xf32> to vector<16xf32>
      %swap3A_380 = vector.shape_cast %add3A_375 : vector<16xf32> to vector<1x16xf32>
      tpu.vector_store %arg14[%swap3A_376, %swap3A_377], %swap3A_380 {strides = array<i32>} : memref<32x512xf32, #tpu.memory_space<vmem>>, vector<1x16xf32>,
      %get3A_381 = arith.index_cast %scan3A_118 : i32 to index
      %get3A_382 = arith.constant 256 : index
      %get3A_383 = tpu.vector_load %arg12[%get3A_381, %get3A_382] {strides = array<i32>} : memref<32x512xf32, #tpu.memory_space<vmem>>, vector<1x16xf32>,
      %get3A_384 = vector.shape_cast %get3A_383 : vector<1x16xf32> to vector<16xf32>
      %mul3A_385 = arith.mulf %get3A_121, %get3A_384 : vector<16xf32>
      %get3A_386 = arith.index_cast %scan3A_118 : i32 to index
      %get3A_387 = arith.constant 256 : index
      %get3A_388 = tpu.vector_load %arg13[%get3A_386, %get3A_387] {strides = array<i32>} : memref<32x512xf32, #tpu.memory_space<vmem>>, vector<1x16xf32>,
      %get3A_389 = vector.shape_cast %get3A_388 : vector<1x16xf32> to vector<16xf32>
      %mul3A_390 = arith.mulf %get3A_125, %get3A_389 : vector<16xf32>
      %add3A_391 = arith.addf %mul3A_385, %mul3A_390 : vector<16xf32>
      %swap3A_392 = arith.index_cast %scan3A_118 : i32 to index
      %swap3A_393 = arith.constant 256 : index
      %swap3A_394 = tpu.vector_load %arg14[%swap3A_392, %swap3A_393] {strides = array<i32>} : memref<32x512xf32, #tpu.memory_space<vmem>>, vector<1x16xf32>,
      %swap3A_395 = vector.shape_cast %swap3A_394 : vector<1x16xf32> to vector<16xf32>
      %swap3A_396 = vector.shape_cast %add3A_391 : vector<16xf32> to vector<1x16xf32>
      tpu.vector_store %arg14[%swap3A_392, %swap3A_393], %swap3A_396 {strides = array<i32>} : memref<32x512xf32, #tpu.memory_space<vmem>>, vector<1x16xf32>,
      %get3A_397 = arith.index_cast %scan3A_118 : i32 to index
      %get3A_398 = arith.constant 272 : index
      %get3A_399 = tpu.vector_load %arg12[%get3A_397, %get3A_398] {strides = array<i32>} : memref<32x512xf32, #tpu.memory_space<vmem>>, vector<1x16xf32>,
      %get3A_400 = vector.shape_cast %get3A_399 : vector<1x16xf32> to vector<16xf32>
      %mul3A_401 = arith.mulf %get3A_121, %get3A_400 : vector<16xf32>
      %get3A_402 = arith.index_cast %scan3A_118 : i32 to index
      %get3A_403 = arith.constant 272 : index
      %get3A_404 = tpu.vector_load %arg13[%get3A_402, %get3A_403] {strides = array<i32>} : memref<32x512xf32, #tpu.memory_space<vmem>>, vector<1x16xf32>,
      %get3A_405 = vector.shape_cast %get3A_404 : vector<1x16xf32> to vector<16xf32>
      %mul3A_406 = arith.mulf %get3A_125, %get3A_405 : vector<16xf32>
      %add3A_407 = arith.addf %mul3A_401, %mul3A_406 : vector<16xf32>
      %swap3A_408 = arith.index_cast %scan3A_118 : i32 to index
      %swap3A_409 = arith.constant 272 : index
      %swap3A_410 = tpu.vector_load %arg14[%swap3A_408, %swap3A_409] {strides = array<i32>} : memref<32x512xf32, #tpu.memory_space<vmem>>, vector<1x16xf32>,
      %swap3A_411 = vector.shape_cast %swap3A_410 : vector<1x16xf32> to vector<16xf32>
      %swap3A_412 = vector.shape_cast %add3A_407 : vector<16xf32> to vector<1x16xf32>
      tpu.vector_store %arg14[%swap3A_408, %swap3A_409], %swap3A_412 {strides = array<i32>} : memref<32x512xf32, #tpu.memory_space<vmem>>, vector<1x16xf32>,
      %get3A_413 = arith.index_cast %scan3A_118 : i32 to index
      %get3A_414 = arith.constant 288 : index
      %get3A_415 = tpu.vector_load %arg12[%get3A_413, %get3A_414] {strides = array<i32>} : memref<32x512xf32, #tpu.memory_space<vmem>>, vector<1x16xf32>,
      %get3A_416 = vector.shape_cast %get3A_415 : vector<1x16xf32> to vector<16xf32>
      %mul3A_417 = arith.mulf %get3A_121, %get3A_416 : vector<16xf32>
      %get3A_418 = arith.index_cast %scan3A_118 : i32 to index
      %get3A_419 = arith.constant 288 : index
      %get3A_420 = tpu.vector_load %arg13[%get3A_418, %get3A_419] {strides = array<i32>} : memref<32x512xf32, #tpu.memory_space<vmem>>, vector<1x16xf32>,
      %get3A_421 = vector.shape_cast %get3A_420 : vector<1x16xf32> to vector<16xf32>
      %mul3A_422 = arith.mulf %get3A_125, %get3A_421 : vector<16xf32>
      %add3A_423 = arith.addf %mul3A_417, %mul3A_422 : vector<16xf32>
      %swap3A_424 = arith.index_cast %scan3A_118 : i32 to index
      %swap3A_425 = arith.constant 288 : index
      %swap3A_426 = tpu.vector_load %arg14[%swap3A_424, %swap3A_425] {strides = array<i32>} : memref<32x512xf32, #tpu.memory_space<vmem>>, vector<1x16xf32>,
      %swap3A_427 = vector.shape_cast %swap3A_426 : vector<1x16xf32> to vector<16xf32>
      %swap3A_428 = vector.shape_cast %add3A_423 : vector<16xf32> to vector<1x16xf32>
      tpu.vector_store %arg14[%swap3A_424, %swap3A_425], %swap3A_428 {strides = array<i32>} : memref<32x512xf32, #tpu.memory_space<vmem>>, vector<1x16xf32>,
      %get3A_429 = arith.index_cast %scan3A_118 : i32 to index
      %get3A_430 = arith.constant 304 : index
      %get3A_431 = tpu.vector_load %arg12[%get3A_429, %get3A_430] {strides = array<i32>} : memref<32x512xf32, #tpu.memory_space<vmem>>, vector<1x16xf32>,
      %get3A_432 = vector.shape_cast %get3A_431 : vector<1x16xf32> to vector<16xf32>
      %mul3A_433 = arith.mulf %get3A_121, %get3A_432 : vector<16xf32>
      %get3A_434 = arith.index_cast %scan3A_118 : i32 to index
      %get3A_435 = arith.constant 304 : index
      %get3A_436 = tpu.vector_load %arg13[%get3A_434, %get3A_435] {strides = array<i32>} : memref<32x512xf32, #tpu.memory_space<vmem>>, vector<1x16xf32>,
      %get3A_437 = vector.shape_cast %get3A_436 : vector<1x16xf32> to vector<16xf32>
      %mul3A_438 = arith.mulf %get3A_125, %get3A_437 : vector<16xf32>
      %add3A_439 = arith.addf %mul3A_433, %mul3A_438 : vector<16xf32>
      %swap3A_440 = arith.index_cast %scan3A_118 : i32 to index
      %swap3A_441 = arith.constant 304 : index
      %swap3A_442 = tpu.vector_load %arg14[%swap3A_440, %swap3A_441] {strides = array<i32>} : memref<32x512xf32, #tpu.memory_space<vmem>>, vector<1x16xf32>,
      %swap3A_443 = vector.shape_cast %swap3A_442 : vector<1x16xf32> to vector<16xf32>
      %swap3A_444 = vector.shape_cast %add3A_439 : vector<16xf32> to vector<1x16xf32>
      tpu.vector_store %arg14[%swap3A_440, %swap3A_441], %swap3A_444 {strides = array<i32>} : memref<32x512xf32, #tpu.memory_space<vmem>>, vector<1x16xf32>,
      %get3A_445 = arith.index_cast %scan3A_118 : i32 to index
      %get3A_446 = arith.constant 320 : index
      %get3A_447 = tpu.vector_load %arg12[%get3A_445, %get3A_446] {strides = array<i32>} : memref<32x512xf32, #tpu.memory_space<vmem>>, vector<1x16xf32>,
      %get3A_448 = vector.shape_cast %get3A_447 : vector<1x16xf32> to vector<16xf32>
      %mul3A_449 = arith.mulf %get3A_121, %get3A_448 : vector<16xf32>
      %get3A_450 = arith.index_cast %scan3A_118 : i32 to index
      %get3A_451 = arith.constant 320 : index
      %get3A_452 = tpu.vector_load %arg13[%get3A_450, %get3A_451] {strides = array<i32>} : memref<32x512xf32, #tpu.memory_space<vmem>>, vector<1x16xf32>,
      %get3A_453 = vector.shape_cast %get3A_452 : vector<1x16xf32> to vector<16xf32>
      %mul3A_454 = arith.mulf %get3A_125, %get3A_453 : vector<16xf32>
      %add3A_455 = arith.addf %mul3A_449, %mul3A_454 : vector<16xf32>
      %swap3A_456 = arith.index_cast %scan3A_118 : i32 to index
      %swap3A_457 = arith.constant 320 : index
      %swap3A_458 = tpu.vector_load %arg14[%swap3A_456, %swap3A_457] {strides = array<i32>} : memref<32x512xf32, #tpu.memory_space<vmem>>, vector<1x16xf32>,
      %swap3A_459 = vector.shape_cast %swap3A_458 : vector<1x16xf32> to vector<16xf32>
      %swap3A_460 = vector.shape_cast %add3A_455 : vector<16xf32> to vector<1x16xf32>
      tpu.vector_store %arg14[%swap3A_456, %swap3A_457], %swap3A_460 {strides = array<i32>} : memref<32x512xf32, #tpu.memory_space<vmem>>, vector<1x16xf32>,
      %get3A_461 = arith.index_cast %scan3A_118 : i32 to index
      %get3A_462 = arith.constant 336 : index
      %get3A_463 = tpu.vector_load %arg12[%get3A_461, %get3A_462] {strides = array<i32>} : memref<32x512xf32, #tpu.memory_space<vmem>>, vector<1x16xf32>,
      %get3A_464 = vector.shape_cast %get3A_463 : vector<1x16xf32> to vector<16xf32>
      %mul3A_465 = arith.mulf %get3A_121, %get3A_464 : vector<16xf32>
      %get3A_466 = arith.index_cast %scan3A_118 : i32 to index
      %get3A_467 = arith.constant 336 : index
      %get3A_468 = tpu.vector_load %arg13[%get3A_466, %get3A_467] {strides = array<i32>} : memref<32x512xf32, #tpu.memory_space<vmem>>, vector<1x16xf32>,
      %get3A_469 = vector.shape_cast %get3A_468 : vector<1x16xf32> to vector<16xf32>
      %mul3A_470 = arith.mulf %get3A_125, %get3A_469 : vector<16xf32>
      %add3A_471 = arith.addf %mul3A_465, %mul3A_470 : vector<16xf32>
      %swap3A_472 = arith.index_cast %scan3A_118 : i32 to index
      %swap3A_473 = arith.constant 336 : index
      %swap3A_474 = tpu.vector_load %arg14[%swap3A_472, %swap3A_473] {strides = array<i32>} : memref<32x512xf32, #tpu.memory_space<vmem>>, vector<1x16xf32>,
      %swap3A_475 = vector.shape_cast %swap3A_474 : vector<1x16xf32> to vector<16xf32>
      %swap3A_476 = vector.shape_cast %add3A_471 : vector<16xf32> to vector<1x16xf32>
      tpu.vector_store %arg14[%swap3A_472, %swap3A_473], %swap3A_476 {strides = array<i32>} : memref<32x512xf32, #tpu.memory_space<vmem>>, vector<1x16xf32>,
      %get3A_477 = arith.index_cast %scan3A_118 : i32 to index
      %get3A_478 = arith.constant 352 : index
      %get3A_479 = tpu.vector_load %arg12[%get3A_477, %get3A_478] {strides = array<i32>} : memref<32x512xf32, #tpu.memory_space<vmem>>, vector<1x16xf32>,
      %get3A_480 = vector.shape_cast %get3A_479 : vector<1x16xf32> to vector<16xf32>
      %mul3A_481 = arith.mulf %get3A_121, %get3A_480 : vector<16xf32>
      %get3A_482 = arith.index_cast %scan3A_118 : i32 to index
      %get3A_483 = arith.constant 352 : index
      %get3A_484 = tpu.vector_load %arg13[%get3A_482, %get3A_483] {strides = array<i32>} : memref<32x512xf32, #tpu.memory_space<vmem>>, vector<1x16xf32>,
      %get3A_485 = vector.shape_cast %get3A_484 : vector<1x16xf32> to vector<16xf32>
      %mul3A_486 = arith.mulf %get3A_125, %get3A_485 : vector<16xf32>
      %add3A_487 = arith.addf %mul3A_481, %mul3A_486 : vector<16xf32>
      %swap3A_488 = arith.index_cast %scan3A_118 : i32 to index
      %swap3A_489 = arith.constant 352 : index
      %swap3A_490 = tpu.vector_load %arg14[%swap3A_488, %swap3A_489] {strides = array<i32>} : memref<32x512xf32, #tpu.memory_space<vmem>>, vector<1x16xf32>,
      %swap3A_491 = vector.shape_cast %swap3A_490 : vector<1x16xf32> to vector<16xf32>
      %swap3A_492 = vector.shape_cast %add3A_487 : vector<16xf32> to vector<1x16xf32>
      tpu.vector_store %arg14[%swap3A_488, %swap3A_489], %swap3A_492 {strides = array<i32>} : memref<32x512xf32, #tpu.memory_space<vmem>>, vector<1x16xf32>,
      %get3A_493 = arith.index_cast %scan3A_118 : i32 to index
      %get3A_494 = arith.constant 368 : index
      %get3A_495 = tpu.vector_load %arg12[%get3A_493, %get3A_494] {strides = array<i32>} : memref<32x512xf32, #tpu.memory_space<vmem>>, vector<1x16xf32>,
      %get3A_496 = vector.shape_cast %get3A_495 : vector<1x16xf32> to vector<16xf32>
      %mul3A_497 = arith.mulf %get3A_121, %get3A_496 : vector<16xf32>
      %get3A_498 = arith.index_cast %scan3A_118 : i32 to index
      %get3A_499 = arith.constant 368 : index
      %get3A_500 = tpu.vector_load %arg13[%get3A_498, %get3A_499] {strides = array<i32>} : memref<32x512xf32, #tpu.memory_space<vmem>>, vector<1x16xf32>,
      %get3A_501 = vector.shape_cast %get3A_500 : vector<1x16xf32> to vector<16xf32>
      %mul3A_502 = arith.mulf %get3A_125, %get3A_501 : vector<16xf32>
      %add3A_503 = arith.addf %mul3A_497, %mul3A_502 : vector<16xf32>
      %swap3A_504 = arith.index_cast %scan3A_118 : i32 to index
      %swap3A_505 = arith.constant 368 : index
      %swap3A_506 = tpu.vector_load %arg14[%swap3A_504, %swap3A_505] {strides = array<i32>} : memref<32x512xf32, #tpu.memory_space<vmem>>, vector<1x16xf32>,
      %swap3A_507 = vector.shape_cast %swap3A_506 : vector<1x16xf32> to vector<16xf32>
      %swap3A_508 = vector.shape_cast %add3A_503 : vector<16xf32> to vector<1x16xf32>
      tpu.vector_store %arg14[%swap3A_504, %swap3A_505], %swap3A_508 {strides = array<i32>} : memref<32x512xf32, #tpu.memory_space<vmem>>, vector<1x16xf32>,
      %get3A_509 = arith.index_cast %scan3A_118 : i32 to index
      %get3A_510 = arith.constant 384 : index
      %get3A_511 = tpu.vector_load %arg12[%get3A_509, %get3A_510] {strides = array<i32>} : memref<32x512xf32, #tpu.memory_space<vmem>>, vector<1x16xf32>,
      %get3A_512 = vector.shape_cast %get3A_511 : vector<1x16xf32> to vector<16xf32>
      %mul3A_513 = arith.mulf %get3A_121, %get3A_512 : vector<16xf32>
      %get3A_514 = arith.index_cast %scan3A_118 : i32 to index
      %get3A_515 = arith.constant 384 : index
      %get3A_516 = tpu.vector_load %arg13[%get3A_514, %get3A_515] {strides = array<i32>} : memref<32x512xf32, #tpu.memory_space<vmem>>, vector<1x16xf32>,
      %get3A_517 = vector.shape_cast %get3A_516 : vector<1x16xf32> to vector<16xf32>
      %mul3A_518 = arith.mulf %get3A_125, %get3A_517 : vector<16xf32>
      %add3A_519 = arith.addf %mul3A_513, %mul3A_518 : vector<16xf32>
      %swap3A_520 = arith.index_cast %scan3A_118 : i32 to index
      %swap3A_521 = arith.constant 384 : index
      %swap3A_522 = tpu.vector_load %arg14[%swap3A_520, %swap3A_521] {strides = array<i32>} : memref<32x512xf32, #tpu.memory_space<vmem>>, vector<1x16xf32>,
      %swap3A_523 = vector.shape_cast %swap3A_522 : vector<1x16xf32> to vector<16xf32>
      %swap3A_524 = vector.shape_cast %add3A_519 : vector<16xf32> to vector<1x16xf32>
      tpu.vector_store %arg14[%swap3A_520, %swap3A_521], %swap3A_524 {strides = array<i32>} : memref<32x512xf32, #tpu.memory_space<vmem>>, vector<1x16xf32>,
      %get3A_525 = arith.index_cast %scan3A_118 : i32 to index
      %get3A_526 = arith.constant 400 : index
      %get3A_527 = tpu.vector_load %arg12[%get3A_525, %get3A_526] {strides = array<i32>} : memref<32x512xf32, #tpu.memory_space<vmem>>, vector<1x16xf32>,
      %get3A_528 = vector.shape_cast %get3A_527 : vector<1x16xf32> to vector<16xf32>
      %mul3A_529 = arith.mulf %get3A_121, %get3A_528 : vector<16xf32>
      %get3A_530 = arith.index_cast %scan3A_118 : i32 to index
      %get3A_531 = arith.constant 400 : index
      %get3A_532 = tpu.vector_load %arg13[%get3A_530, %get3A_531] {strides = array<i32>} : memref<32x512xf32, #tpu.memory_space<vmem>>, vector<1x16xf32>,
      %get3A_533 = vector.shape_cast %get3A_532 : vector<1x16xf32> to vector<16xf32>
      %mul3A_534 = arith.mulf %get3A_125, %get3A_533 : vector<16xf32>
      %add3A_535 = arith.addf %mul3A_529, %mul3A_534 : vector<16xf32>
      %swap3A_536 = arith.index_cast %scan3A_118 : i32 to index
      %swap3A_537 = arith.constant 400 : index
      %swap3A_538 = tpu.vector_load %arg14[%swap3A_536, %swap3A_537] {strides = array<i32>} : memref<32x512xf32, #tpu.memory_space<vmem>>, vector<1x16xf32>,
      %swap3A_539 = vector.shape_cast %swap3A_538 : vector<1x16xf32> to vector<16xf32>
      %swap3A_540 = vector.shape_cast %add3A_535 : vector<16xf32> to vector<1x16xf32>
      tpu.vector_store %arg14[%swap3A_536, %swap3A_537], %swap3A_540 {strides = array<i32>} : memref<32x512xf32, #tpu.memory_space<vmem>>, vector<1x16xf32>,
      %get3A_541 = arith.index_cast %scan3A_118 : i32 to index
      %get3A_542 = arith.constant 416 : index
      %get3A_543 = tpu.vector_load %arg12[%get3A_541, %get3A_542] {strides = array<i32>} : memref<32x512xf32, #tpu.memory_space<vmem>>, vector<1x16xf32>,
      %get3A_544 = vector.shape_cast %get3A_543 : vector<1x16xf32> to vector<16xf32>
      %mul3A_545 = arith.mulf %get3A_121, %get3A_544 : vector<16xf32>
      %get3A_546 = arith.index_cast %scan3A_118 : i32 to index
      %get3A_547 = arith.constant 416 : index
      %get3A_548 = tpu.vector_load %arg13[%get3A_546, %get3A_547] {strides = array<i32>} : memref<32x512xf32, #tpu.memory_space<vmem>>, vector<1x16xf32>,
      %get3A_549 = vector.shape_cast %get3A_548 : vector<1x16xf32> to vector<16xf32>
      %mul3A_550 = arith.mulf %get3A_125, %get3A_549 : vector<16xf32>
      %add3A_551 = arith.addf %mul3A_545, %mul3A_550 : vector<16xf32>
      %swap3A_552 = arith.index_cast %scan3A_118 : i32 to index
      %swap3A_553 = arith.constant 416 : index
      %swap3A_554 = tpu.vector_load %arg14[%swap3A_552, %swap3A_553] {strides = array<i32>} : memref<32x512xf32, #tpu.memory_space<vmem>>, vector<1x16xf32>,
      %swap3A_555 = vector.shape_cast %swap3A_554 : vector<1x16xf32> to vector<16xf32>
      %swap3A_556 = vector.shape_cast %add3A_551 : vector<16xf32> to vector<1x16xf32>
      tpu.vector_store %arg14[%swap3A_552, %swap3A_553], %swap3A_556 {strides = array<i32>} : memref<32x512xf32, #tpu.memory_space<vmem>>, vector<1x16xf32>,
      %get3A_557 = arith.index_cast %scan3A_118 : i32 to index
      %get3A_558 = arith.constant 432 : index
      %get3A_559 = tpu.vector_load %arg12[%get3A_557, %get3A_558] {strides = array<i32>} : memref<32x512xf32, #tpu.memory_space<vmem>>, vector<1x16xf32>,
      %get3A_560 = vector.shape_cast %get3A_559 : vector<1x16xf32> to vector<16xf32>
      %mul3A_561 = arith.mulf %get3A_121, %get3A_560 : vector<16xf32>
      %get3A_562 = arith.index_cast %scan3A_118 : i32 to index
      %get3A_563 = arith.constant 432 : index
      %get3A_564 = tpu.vector_load %arg13[%get3A_562, %get3A_563] {strides = array<i32>} : memref<32x512xf32, #tpu.memory_space<vmem>>, vector<1x16xf32>,
      %get3A_565 = vector.shape_cast %get3A_564 : vector<1x16xf32> to vector<16xf32>
      %mul3A_566 = arith.mulf %get3A_125, %get3A_565 : vector<16xf32>
      %add3A_567 = arith.addf %mul3A_561, %mul3A_566 : vector<16xf32>
      %swap3A_568 = arith.index_cast %scan3A_118 : i32 to index
      %swap3A_569 = arith.constant 432 : index
      %swap3A_570 = tpu.vector_load %arg14[%swap3A_568, %swap3A_569] {strides = array<i32>} : memref<32x512xf32, #tpu.memory_space<vmem>>, vector<1x16xf32>,
      %swap3A_571 = vector.shape_cast %swap3A_570 : vector<1x16xf32> to vector<16xf32>
      %swap3A_572 = vector.shape_cast %add3A_567 : vector<16xf32> to vector<1x16xf32>
      tpu.vector_store %arg14[%swap3A_568, %swap3A_569], %swap3A_572 {strides = array<i32>} : memref<32x512xf32, #tpu.memory_space<vmem>>, vector<1x16xf32>,
      %get3A_573 = arith.index_cast %scan3A_118 : i32 to index
      %get3A_574 = arith.constant 448 : index
      %get3A_575 = tpu.vector_load %arg12[%get3A_573, %get3A_574] {strides = array<i32>} : memref<32x512xf32, #tpu.memory_space<vmem>>, vector<1x16xf32>,
      %get3A_576 = vector.shape_cast %get3A_575 : vector<1x16xf32> to vector<16xf32>
      %mul3A_577 = arith.mulf %get3A_121, %get3A_576 : vector<16xf32>
      %get3A_578 = arith.index_cast %scan3A_118 : i32 to index
      %get3A_579 = arith.constant 448 : index
      %get3A_580 = tpu.vector_load %arg13[%get3A_578, %get3A_579] {strides = array<i32>} : memref<32x512xf32, #tpu.memory_space<vmem>>, vector<1x16xf32>,
      %get3A_581 = vector.shape_cast %get3A_580 : vector<1x16xf32> to vector<16xf32>
      %mul3A_582 = arith.mulf %get3A_125, %get3A_581 : vector<16xf32>
      %add3A_583 = arith.addf %mul3A_577, %mul3A_582 : vector<16xf32>
      %swap3A_584 = arith.index_cast %scan3A_118 : i32 to index
      %swap3A_585 = arith.constant 448 : index
      %swap3A_586 = tpu.vector_load %arg14[%swap3A_584, %swap3A_585] {strides = array<i32>} : memref<32x512xf32, #tpu.memory_space<vmem>>, vector<1x16xf32>,
      %swap3A_587 = vector.shape_cast %swap3A_586 : vector<1x16xf32> to vector<16xf32>
      %swap3A_588 = vector.shape_cast %add3A_583 : vector<16xf32> to vector<1x16xf32>
      tpu.vector_store %arg14[%swap3A_584, %swap3A_585], %swap3A_588 {strides = array<i32>} : memref<32x512xf32, #tpu.memory_space<vmem>>, vector<1x16xf32>,
      %get3A_589 = arith.index_cast %scan3A_118 : i32 to index
      %get3A_590 = arith.constant 464 : index
      %get3A_591 = tpu.vector_load %arg12[%get3A_589, %get3A_590] {strides = array<i32>} : memref<32x512xf32, #tpu.memory_space<vmem>>, vector<1x16xf32>,
      %get3A_592 = vector.shape_cast %get3A_591 : vector<1x16xf32> to vector<16xf32>
      %mul3A_593 = arith.mulf %get3A_121, %get3A_592 : vector<16xf32>
      %get3A_594 = arith.index_cast %scan3A_118 : i32 to index
      %get3A_595 = arith.constant 464 : index
      %get3A_596 = tpu.vector_load %arg13[%get3A_594, %get3A_595] {strides = array<i32>} : memref<32x512xf32, #tpu.memory_space<vmem>>, vector<1x16xf32>,
      %get3A_597 = vector.shape_cast %get3A_596 : vector<1x16xf32> to vector<16xf32>
      %mul3A_598 = arith.mulf %get3A_125, %get3A_597 : vector<16xf32>
      %add3A_599 = arith.addf %mul3A_593, %mul3A_598 : vector<16xf32>
      %swap3A_600 = arith.index_cast %scan3A_118 : i32 to index
      %swap3A_601 = arith.constant 464 : index
      %swap3A_602 = tpu.vector_load %arg14[%swap3A_600, %swap3A_601] {strides = array<i32>} : memref<32x512xf32, #tpu.memory_space<vmem>>, vector<1x16xf32>,
      %swap3A_603 = vector.shape_cast %swap3A_602 : vector<1x16xf32> to vector<16xf32>
      %swap3A_604 = vector.shape_cast %add3A_599 : vector<16xf32> to vector<1x16xf32>
      tpu.vector_store %arg14[%swap3A_600, %swap3A_601], %swap3A_604 {strides = array<i32>} : memref<32x512xf32, #tpu.memory_space<vmem>>, vector<1x16xf32>,
      %get3A_605 = arith.index_cast %scan3A_118 : i32 to index
      %get3A_606 = arith.constant 480 : index
      %get3A_607 = tpu.vector_load %arg12[%get3A_605, %get3A_606] {strides = array<i32>} : memref<32x512xf32, #tpu.memory_space<vmem>>, vector<1x16xf32>,
      %get3A_608 = vector.shape_cast %get3A_607 : vector<1x16xf32> to vector<16xf32>
      %mul3A_609 = arith.mulf %get3A_121, %get3A_608 : vector<16xf32>
      %get3A_610 = arith.index_cast %scan3A_118 : i32 to index
      %get3A_611 = arith.constant 480 : index
      %get3A_612 = tpu.vector_load %arg13[%get3A_610, %get3A_611] {strides = array<i32>} : memref<32x512xf32, #tpu.memory_space<vmem>>, vector<1x16xf32>,
      %get3A_613 = vector.shape_cast %get3A_612 : vector<1x16xf32> to vector<16xf32>
      %mul3A_614 = arith.mulf %get3A_125, %get3A_613 : vector<16xf32>
      %add3A_615 = arith.addf %mul3A_609, %mul3A_614 : vector<16xf32>
      %swap3A_616 = arith.index_cast %scan3A_118 : i32 to index
      %swap3A_617 = arith.constant 480 : index
      %swap3A_618 = tpu.vector_load %arg14[%swap3A_616, %swap3A_617] {strides = array<i32>} : memref<32x512xf32, #tpu.memory_space<vmem>>, vector<1x16xf32>,
      %swap3A_619 = vector.shape_cast %swap3A_618 : vector<1x16xf32> to vector<16xf32>
      %swap3A_620 = vector.shape_cast %add3A_615 : vector<16xf32> to vector<1x16xf32>
      tpu.vector_store %arg14[%swap3A_616, %swap3A_617], %swap3A_620 {strides = array<i32>} : memref<32x512xf32, #tpu.memory_space<vmem>>, vector<1x16xf32>,
      %get3A_621 = arith.index_cast %scan3A_118 : i32 to index
      %get3A_622 = arith.constant 496 : index
      %get3A_623 = tpu.vector_load %arg12[%get3A_621, %get3A_622] {strides = array<i32>} : memref<32x512xf32, #tpu.memory_space<vmem>>, vector<1x16xf32>,
      %get3A_624 = vector.shape_cast %get3A_623 : vector<1x16xf32> to vector<16xf32>
      %mul3A_625 = arith.mulf %get3A_121, %get3A_624 : vector<16xf32>
      %get3A_626 = arith.index_cast %scan3A_118 : i32 to index
      %get3A_627 = arith.constant 496 : index
      %get3A_628 = tpu.vector_load %arg13[%get3A_626, %get3A_627] {strides = array<i32>} : memref<32x512xf32, #tpu.memory_space<vmem>>, vector<1x16xf32>,
      %get3A_629 = vector.shape_cast %get3A_628 : vector<1x16xf32> to vector<16xf32>
      %mul3A_630 = arith.mulf %get3A_125, %get3A_629 : vector<16xf32>
      %add3A_631 = arith.addf %mul3A_625, %mul3A_630 : vector<16xf32>
      %swap3A_632 = arith.index_cast %scan3A_118 : i32 to index
      %swap3A_633 = arith.constant 496 : index
      %swap3A_634 = tpu.vector_load %arg14[%swap3A_632, %swap3A_633] {strides = array<i32>} : memref<32x512xf32, #tpu.memory_space<vmem>>, vector<1x16xf32>,
      %swap3A_635 = vector.shape_cast %swap3A_634 : vector<1x16xf32> to vector<16xf32>
      %swap3A_636 = vector.shape_cast %add3A_631 : vector<16xf32> to vector<1x16xf32>
      tpu.vector_store %arg14[%swap3A_632, %swap3A_633], %swap3A_636 {strides = array<i32>} : memref<32x512xf32, #tpu.memory_space<vmem>>, vector<1x16xf32>,
    }
    %scan3A_85 = arith.constant 16 : i32
    %add3A_86 = arith.constant 16 : i32
    %add3A_87 = arith.addi %mul3A_2, %add3A_86 : i32
    %dma_start3A_88 = arith.constant 16 : i32
    %dma_start3A_89 = arith.constant 0 : i32
    %dma_start3A_90 = tpu.memref_slice %arg14[%dma_start3A_88, %dma_start3A_89] : memref<32x512xf32, #tpu.memory_space<vmem>> -> memref<16x512xf32, #tpu.memory_space<vmem>>
    %dma_start3A_91 = arith.constant 0 : i32
    %dma_start3A_92 = tpu.memref_slice %arg7[%add3A_87, %dma_start3A_91] : memref<1024x512xf32, #tpu.memory_space<hbm>> -> memref<16x512xf32, #tpu.memory_space<hbm>>
    %dma_start3A_93 = arith.constant 0 : i32
    %dma_start3A_94 = tpu.memref_slice %arg7[%add3A_87, %dma_start3A_93] : memref<1024x512xf32, #tpu.memory_space<hbm>> -> memref<16x512xf32, #tpu.memory_space<hbm>>
    %dma_start3A_95 = arith.constant 16 : i32
    %dma_start3A_96 = arith.constant 0 : i32
    %dma_start3A_97 = tpu.memref_slice %arg14[%dma_start3A_95, %dma_start3A_96] : memref<32x512xf32, #tpu.memory_space<vmem>> -> memref<16x512xf32, #tpu.memory_space<vmem>>
    tpu.enqueue_dma source(%dma_start3A_97 : memref<16x512xf32, #tpu.memory_space<vmem>>) target(%dma_start3A_94 : memref<16x512xf32, #tpu.memory_space<hbm>>) target_semaphore(%arg20 : memref<!tpu.dma_semaphore, #tpu.memory_space<semaphore_mem>>)
    %dma_wait3A_98 = arith.constant 0 : i32
    %dma_wait3A_99 = arith.constant 0 : i32
    %dma_wait3A_100 = tpu.memref_slice %arg14[%dma_wait3A_98, %dma_wait3A_99] : memref<32x512xf32, #tpu.memory_space<vmem>> -> memref<16x512xf32, #tpu.memory_space<vmem>>
    %dma_wait3A_101 = arith.constant 0 : i32
    %dma_wait3A_102 = tpu.memref_slice %arg7[%mul3A_2, %dma_wait3A_101] : memref<1024x512xf32, #tpu.memory_space<hbm>> -> memref<16x512xf32, #tpu.memory_space<hbm>>
    %dma_wait3A_103 = arith.constant 0 : i32
    %dma_wait3A_104 = tpu.memref_slice %arg7[%mul3A_2, %dma_wait3A_103] : memref<1024x512xf32, #tpu.memory_space<hbm>> -> memref<16x512xf32, #tpu.memory_space<hbm>>
    %dma_wait3A_105 = arith.constant 0 : i32
    %dma_wait3A_106 = arith.constant 0 : i32
    %dma_wait3A_107 = tpu.memref_slice %arg14[%dma_wait3A_105, %dma_wait3A_106] : memref<32x512xf32, #tpu.memory_space<vmem>> -> memref<16x512xf32, #tpu.memory_space<vmem>>
    tpu.wait_dma2 semaphore(%arg19 : memref<!tpu.dma_semaphore, #tpu.memory_space<semaphore_mem>>) src(%dma_wait3A_107 : memref<16x512xf32, #tpu.memory_space<vmem>>) dst(%dma_wait3A_104 : memref<16x512xf32, #tpu.memory_space<hbm>>)
    %dma_wait3A_108 = arith.constant 16 : i32
    %dma_wait3A_109 = arith.constant 0 : i32
    %dma_wait3A_110 = tpu.memref_slice %arg14[%dma_wait3A_108, %dma_wait3A_109] : memref<32x512xf32, #tpu.memory_space<vmem>> -> memref<16x512xf32, #tpu.memory_space<vmem>>
    %dma_wait3A_111 = arith.constant 0 : i32
    %dma_wait3A_112 = tpu.memref_slice %arg7[%add3A_87, %dma_wait3A_111] : memref<1024x512xf32, #tpu.memory_space<hbm>> -> memref<16x512xf32, #tpu.memory_space<hbm>>
    %dma_wait3A_113 = arith.constant 0 : i32
    %dma_wait3A_114 = tpu.memref_slice %arg7[%add3A_87, %dma_wait3A_113] : memref<1024x512xf32, #tpu.memory_space<hbm>> -> memref<16x512xf32, #tpu.memory_space<hbm>>
    %dma_wait3A_115 = arith.constant 16 : i32
    %dma_wait3A_116 = arith.constant 0 : i32
    %dma_wait3A_117 = tpu.memref_slice %arg14[%dma_wait3A_115, %dma_wait3A_116] : memref<32x512xf32, #tpu.memory_space<vmem>> -> memref<16x512xf32, #tpu.memory_space<vmem>>
    tpu.wait_dma2 semaphore(%arg20 : memref<!tpu.dma_semaphore, #tpu.memory_space<semaphore_mem>>) src(%dma_wait3A_117 : memref<16x512xf32, #tpu.memory_space<vmem>>) dst(%dma_wait3A_114 : memref<16x512xf32, #tpu.memory_space<hbm>>)
    return
  }
}

#map = affine_map<(d0, d1) -> (0, 0)>
#map1 = affine_map<(d0, d1) -> (0)>
module attributes {stable_mosaic.version = 14 : i64} {
  func.func @_dispatch_body(%arg0: i32, %arg1: i32, %arg2: memref<1024x2048xf32, #tpu.memory_space<hbm>>, %arg3: memref<1024xi32, #tpu.memory_space<hbm>>, %arg4: memref<1024xi32, #tpu.memory_space<hbm>>, %arg5: memref<6144x2048xf32, #tpu.memory_space<hbm>>, %arg6: memref<32xi32, #tpu.memory_space<vmem>>, %arg7: memref<32xi32, #tpu.memory_space<vmem>>, %arg8: memref<32x2048xf32, #tpu.memory_space<vmem>>, %arg9: memref<!tpu.dma_semaphore, #tpu.memory_space<semaphore_mem>>, %arg10: memref<!tpu.dma_semaphore, #tpu.memory_space<semaphore_mem>>) attributes {dimension_semantics = [#tpu.dimension_semantics<core_parallel>, #tpu.dimension_semantics<subcore_parallel>], iteration_bounds = array<i64: 2, 16>, scalar_prefetch = 0 : i64, scratch_operands = 5 : i64, tpu.core_type = #tpu.core_type<sc_vector_subcore>, window_params = [{transform_indices = #map}, {transform_indices = #map1}, {transform_indices = #map1}, {transform_indices = #map}]} {
    %mul3A = arith.constant 2 : i32
    %mul3A_0 = arith.muli %arg1, %mul3A : i32
    %add3A = arith.addi %mul3A_0, %arg0 : i32
    %mul3A_1 = arith.constant 32 : i32
    %mul3A_2 = arith.muli %add3A, %mul3A_1 : i32
    "tpu.region"() ({
      %run_scoped3A = tpu.sem_alloc : memref<!tpu.dma_semaphore, #tpu.memory_space<semaphore_mem>>
      %dma_start3A_13 = tpu.memref_slice %arg3[%mul3A_2] : memref<1024xi32, #tpu.memory_space<hbm>> -> memref<32xi32, #tpu.memory_space<hbm>>
      %dma_start3A_14 = tpu.memref_slice %arg3[%mul3A_2] : memref<1024xi32, #tpu.memory_space<hbm>> -> memref<32xi32, #tpu.memory_space<hbm>>
      tpu.enqueue_dma source(%dma_start3A_14 : memref<32xi32, #tpu.memory_space<hbm>>) target(%arg6 : memref<32xi32, #tpu.memory_space<vmem>>) target_semaphore(%run_scoped3A : memref<!tpu.dma_semaphore, #tpu.memory_space<semaphore_mem>>)
      %dma_wait3A_15 = tpu.memref_slice %arg3[%mul3A_2] : memref<1024xi32, #tpu.memory_space<hbm>> -> memref<32xi32, #tpu.memory_space<hbm>>
      %dma_wait3A_16 = tpu.memref_slice %arg3[%mul3A_2] : memref<1024xi32, #tpu.memory_space<hbm>> -> memref<32xi32, #tpu.memory_space<hbm>>
      tpu.wait_dma2 semaphore(%run_scoped3A : memref<!tpu.dma_semaphore, #tpu.memory_space<semaphore_mem>>) src(%dma_wait3A_16 : memref<32xi32, #tpu.memory_space<hbm>>) dst(%arg6 : memref<32xi32, #tpu.memory_space<vmem>>)
      tpu.yield
    }) : () -> ()
    "tpu.region"() ({
      %run_scoped3A = tpu.sem_alloc : memref<!tpu.dma_semaphore, #tpu.memory_space<semaphore_mem>>
      %dma_start3A_13 = tpu.memref_slice %arg4[%mul3A_2] : memref<1024xi32, #tpu.memory_space<hbm>> -> memref<32xi32, #tpu.memory_space<hbm>>
      %dma_start3A_14 = tpu.memref_slice %arg4[%mul3A_2] : memref<1024xi32, #tpu.memory_space<hbm>> -> memref<32xi32, #tpu.memory_space<hbm>>
      tpu.enqueue_dma source(%dma_start3A_14 : memref<32xi32, #tpu.memory_space<hbm>>) target(%arg7 : memref<32xi32, #tpu.memory_space<vmem>>) target_semaphore(%run_scoped3A : memref<!tpu.dma_semaphore, #tpu.memory_space<semaphore_mem>>)
      %dma_wait3A_15 = tpu.memref_slice %arg4[%mul3A_2] : memref<1024xi32, #tpu.memory_space<hbm>> -> memref<32xi32, #tpu.memory_space<hbm>>
      %dma_wait3A_16 = tpu.memref_slice %arg4[%mul3A_2] : memref<1024xi32, #tpu.memory_space<hbm>> -> memref<32xi32, #tpu.memory_space<hbm>>
      tpu.wait_dma2 semaphore(%run_scoped3A : memref<!tpu.dma_semaphore, #tpu.memory_space<semaphore_mem>>) src(%dma_wait3A_16 : memref<32xi32, #tpu.memory_space<hbm>>) dst(%arg7 : memref<32xi32, #tpu.memory_space<vmem>>)
      tpu.yield
    }) : () -> ()
    "tpu.region"() ({
      %run_scoped3A = tpu.sem_alloc : memref<!tpu.dma_semaphore, #tpu.memory_space<semaphore_mem>>
      %dma_start3A_13 = arith.constant 0 : i32
      %dma_start3A_14 = tpu.memref_slice %arg2[%mul3A_2, %dma_start3A_13] : memref<1024x2048xf32, #tpu.memory_space<hbm>> -> memref<32x2048xf32, #tpu.memory_space<hbm>>
      %dma_start3A_15 = arith.constant 0 : i32
      %dma_start3A_16 = tpu.memref_slice %arg2[%mul3A_2, %dma_start3A_15] : memref<1024x2048xf32, #tpu.memory_space<hbm>> -> memref<32x2048xf32, #tpu.memory_space<hbm>>
      tpu.enqueue_dma source(%dma_start3A_16 : memref<32x2048xf32, #tpu.memory_space<hbm>>) target(%arg8 : memref<32x2048xf32, #tpu.memory_space<vmem>>) target_semaphore(%run_scoped3A : memref<!tpu.dma_semaphore, #tpu.memory_space<semaphore_mem>>)
      %dma_wait3A_17 = arith.constant 0 : i32
      %dma_wait3A_18 = tpu.memref_slice %arg2[%mul3A_2, %dma_wait3A_17] : memref<1024x2048xf32, #tpu.memory_space<hbm>> -> memref<32x2048xf32, #tpu.memory_space<hbm>>
      %dma_wait3A_19 = arith.constant 0 : i32
      %dma_wait3A_20 = tpu.memref_slice %arg2[%mul3A_2, %dma_wait3A_19] : memref<1024x2048xf32, #tpu.memory_space<hbm>> -> memref<32x2048xf32, #tpu.memory_space<hbm>>
      tpu.wait_dma2 semaphore(%run_scoped3A : memref<!tpu.dma_semaphore, #tpu.memory_space<semaphore_mem>>) src(%dma_wait3A_20 : memref<32x2048xf32, #tpu.memory_space<hbm>>) dst(%arg8 : memref<32x2048xf32, #tpu.memory_space<vmem>>)
      tpu.yield
    }) : () -> ()
    %dma_start3A = arith.constant 0 : i32
    %dma_start3A_3 = arith.constant 0 : i32
    %dma_start3A_4 = tpu.memref_slice %arg5[%dma_start3A, %dma_start3A_3] : memref<6144x2048xf32, #tpu.memory_space<hbm>> -> memref<6144x2048xf32, #tpu.memory_space<hbm>>
    tpu.enqueue_indirect_dma source(%arg8 : memref<32x2048xf32, #tpu.memory_space<vmem>>) target(%dma_start3A_4 : memref<6144x2048xf32, #tpu.memory_space<hbm>>) offsets(%arg6 : memref<32xi32, #tpu.memory_space<vmem>>) semaphore(%arg9 : memref<!tpu.dma_semaphore, #tpu.memory_space<semaphore_mem>>)
    %dma_start3A_5 = arith.constant 0 : i32
    %dma_start3A_6 = arith.constant 0 : i32
    %dma_start3A_7 = tpu.memref_slice %arg5[%dma_start3A_5, %dma_start3A_6] : memref<6144x2048xf32, #tpu.memory_space<hbm>> -> memref<6144x2048xf32, #tpu.memory_space<hbm>>
    tpu.enqueue_indirect_dma source(%arg8 : memref<32x2048xf32, #tpu.memory_space<vmem>>) target(%dma_start3A_7 : memref<6144x2048xf32, #tpu.memory_space<hbm>>) offsets(%arg7 : memref<32xi32, #tpu.memory_space<vmem>>) semaphore(%arg10 : memref<!tpu.dma_semaphore, #tpu.memory_space<semaphore_mem>>)
    %dma_wait3A = arith.constant 0 : i32
    %dma_wait3A_8 = arith.constant 0 : i32
    %dma_wait3A_9 = tpu.memref_slice %arg5[%dma_wait3A, %dma_wait3A_8] : memref<6144x2048xf32, #tpu.memory_space<hbm>> -> memref<6144x2048xf32, #tpu.memory_space<hbm>>
    tpu.wait_indirect_dma semaphore(%arg9 : memref<!tpu.dma_semaphore, #tpu.memory_space<semaphore_mem>>) src(%arg8 : memref<32x2048xf32, #tpu.memory_space<vmem>>) dst(%dma_wait3A_9 : memref<6144x2048xf32, #tpu.memory_space<hbm>>)
    %dma_wait3A_10 = arith.constant 0 : i32
    %dma_wait3A_11 = arith.constant 0 : i32
    %dma_wait3A_12 = tpu.memref_slice %arg5[%dma_wait3A_10, %dma_wait3A_11] : memref<6144x2048xf32, #tpu.memory_space<hbm>> -> memref<6144x2048xf32, #tpu.memory_space<hbm>>
    tpu.wait_indirect_dma semaphore(%arg10 : memref<!tpu.dma_semaphore, #tpu.memory_space<semaphore_mem>>) src(%arg8 : memref<32x2048xf32, #tpu.memory_space<vmem>>) dst(%dma_wait3A_12 : memref<6144x2048xf32, #tpu.memory_space<hbm>>)
    return
  }
}

module attributes {stable_mosaic.version = 14 : i64} {
  func.func @_router_body(%arg0: memref<1024x2048xf32, #tpu.memory_space<vmem>>, %arg1: memref<2048x16xf32, #tpu.memory_space<vmem>>, %arg2: memref<1x16xf32, #tpu.memory_space<vmem>>, %arg3: memref<1024xi32, #tpu.memory_space<vmem>>, %arg4: memref<1024xi32, #tpu.memory_space<vmem>>, %arg5: memref<1024x16xf32, #tpu.memory_space<vmem>>, %arg6: memref<1024x16xf32, #tpu.memory_space<vmem>>, %arg7: memref<24xi32, #tpu.memory_space<vmem>>, %arg8: memref<1x1xi32, #tpu.memory_space<vmem>>) attributes {dimension_semantics = [], scalar_prefetch = 0 : i64, scratch_operands = 0 : i64, tpu.core_type = #tpu.core_type<tc>} {
    %get3A = arith.constant 0 : index
    %get3A_0 = arith.constant 0 : index
    %get3A_1 = vector.load %arg0[%get3A, %get3A_0] : memref<1024x2048xf32, #tpu.memory_space<vmem>>, vector<1024x2048xf32>
    %get3A_2 = arith.constant 0 : index
    %get3A_3 = arith.constant 0 : index
    %get3A_4 = vector.load %arg1[%get3A_2, %get3A_3] : memref<2048x16xf32, #tpu.memory_space<vmem>>, vector<2048x16xf32>
    %dot_general3A = arith.constant dense<0.000000e+00> : vector<1024x16xf32>
    %dot_general3A_5 = tpu.matmul %get3A_1, %get3A_4, %dot_general3A {dimension_numbers = #tpu.dot_dimension_numbers<[1], [0], [0], [1], [0, 0, 1, 1], [], []>, transpose_lhs_hint = false} : vector<1024x2048xf32>, vector<2048x16xf32>, vector<1024x16xf32> -> vector<1024x16xf32>
    %get3A_6 = arith.constant 0 : index
    %get3A_7 = arith.constant 0 : index
    %get3A_8 = vector.load %arg2[%get3A_6, %get3A_7] : memref<1x16xf32, #tpu.memory_space<vmem>>, vector<1x16xf32>
    %add3A = vector.broadcast %get3A_8 : vector<1x16xf32> to vector<1024x16xf32>
    %add3A_9 = arith.addf %dot_general3A_5, %add3A : vector<1024x16xf32>
    %iota3A = tpu.iota {dimensions = array<i32: 1>} : vector<1024x16xi32>
    %reduce_max3A = arith.constant dense<0xFF800000> : vector<1024xf32>
    %reduce_max3A_10 = vector.multi_reduction <maximumf>, %add3A_9, %reduce_max3A [1] : vector<1024x16xf32> to vector<1024xf32>
    %broadcast_in_dim3A = vector.shape_cast %reduce_max3A_10 : vector<1024xf32> to vector<1024x1xf32>
    %eq3A = vector.broadcast %broadcast_in_dim3A : vector<1024x1xf32> to vector<1024x16xf32>
    %eq3A_11 = arith.cmpf oeq, %add3A_9, %eq3A : vector<1024x16xf32>
    %jit3A = arith.constant 16 : i32
    %broadcast_in_dim3A_12 = vector.broadcast %jit3A : i32 to vector<1024x16xi32>
    %select_n3A = arith.select %eq3A_11, %iota3A, %broadcast_in_dim3A_12 : vector<1024x16xi1>, vector<1024x16xi32>
    %reduce_min3A = arith.constant dense<2147483647> : vector<1024xi32>
    %reduce_min3A_13 = vector.multi_reduction <minsi>, %select_n3A, %reduce_min3A [1] : vector<1024x16xi32> to vector<1024xi32>
    %broadcast_in_dim3A_14 = vector.shape_cast %reduce_min3A_13 : vector<1024xi32> to vector<1024x1xi32>
    %eq3A_15 = vector.broadcast %broadcast_in_dim3A_14 : vector<1024x1xi32> to vector<1024x16xi32>
    %eq3A_16 = arith.cmpi eq, %iota3A, %eq3A_15 : vector<1024x16xi32>
    %jit3A_17 = arith.constant 0xFF800000 : f32
    %broadcast_in_dim3A_18 = vector.broadcast %jit3A_17 : f32 to vector<1024x16xf32>
    %select_n3A_19 = arith.select %eq3A_16, %broadcast_in_dim3A_18, %add3A_9 : vector<1024x16xi1>, vector<1024x16xf32>
    %reduce_max3A_20 = arith.constant dense<0xFF800000> : vector<1024xf32>
    %reduce_max3A_21 = vector.multi_reduction <maximumf>, %select_n3A_19, %reduce_max3A_20 [1] : vector<1024x16xf32> to vector<1024xf32>
    %broadcast_in_dim3A_22 = vector.shape_cast %reduce_max3A_21 : vector<1024xf32> to vector<1024x1xf32>
    %eq3A_23 = vector.broadcast %broadcast_in_dim3A_22 : vector<1024x1xf32> to vector<1024x16xf32>
    %eq3A_24 = arith.cmpf oeq, %select_n3A_19, %eq3A_23 : vector<1024x16xf32>
    %jit3A_25 = arith.constant 16 : i32
    %broadcast_in_dim3A_26 = vector.broadcast %jit3A_25 : i32 to vector<1024x16xi32>
    %select_n3A_27 = arith.select %eq3A_24, %iota3A, %broadcast_in_dim3A_26 : vector<1024x16xi1>, vector<1024x16xi32>
    %reduce_min3A_28 = arith.constant dense<2147483647> : vector<1024xi32>
    %reduce_min3A_29 = vector.multi_reduction <minsi>, %select_n3A_27, %reduce_min3A_28 [1] : vector<1024x16xi32> to vector<1024xi32>
    %broadcast_in_dim3A_30 = vector.shape_cast %reduce_min3A_29 : vector<1024xi32> to vector<1024x1xi32>
    %sub3A = arith.subf %broadcast_in_dim3A_22, %broadcast_in_dim3A : vector<1024x1xf32>
    %exp3A = math.exp %sub3A : vector<1024x1xf32>
    %add3A_31 = arith.constant 1.000000e+00 : f32
    %add3A_32 = vector.broadcast %add3A_31 : f32 to vector<1024x1xf32>
    %add3A_33 = arith.addf %add3A_32, %exp3A : vector<1024x1xf32>
    %div3A = arith.constant 1.000000e+00 : f32
    %div3A_34 = vector.broadcast %div3A : f32 to vector<1024x1xf32>
    %div3A_35 = arith.divf %div3A_34, %add3A_33 : vector<1024x1xf32>
    %broadcast_in_dim3A_36 = vector.shape_cast %div3A_35 : vector<1024x1xf32> to vector<1024x1xf32>
    %broadcast_in_dim3A_37 = vector.broadcast %broadcast_in_dim3A_36 : vector<1024x1xf32> to vector<1024x16xf32>
    %swap3A = arith.constant 0 : index
    %swap3A_38 = arith.constant 0 : index
    %swap3A_39 = vector.load %arg5[%swap3A, %swap3A_38] : memref<1024x16xf32, #tpu.memory_space<vmem>>, vector<1024x16xf32>
    tpu.vector_store %arg5[%swap3A, %swap3A_38], %broadcast_in_dim3A_37 {strides = array<i32>} : memref<1024x16xf32, #tpu.memory_space<vmem>>, vector<1024x16xf32>,
    %sub3A_40 = arith.constant 1.000000e+00 : f32
    %sub3A_41 = vector.broadcast %sub3A_40 : f32 to vector<1024x1xf32>
    %sub3A_42 = arith.subf %sub3A_41, %div3A_35 : vector<1024x1xf32>
    %broadcast_in_dim3A_43 = vector.shape_cast %sub3A_42 : vector<1024x1xf32> to vector<1024x1xf32>
    %broadcast_in_dim3A_44 = vector.broadcast %broadcast_in_dim3A_43 : vector<1024x1xf32> to vector<1024x16xf32>
    %swap3A_45 = arith.constant 0 : index
    %swap3A_46 = arith.constant 0 : index
    %swap3A_47 = vector.load %arg6[%swap3A_45, %swap3A_46] : memref<1024x16xf32, #tpu.memory_space<vmem>>, vector<1024x16xf32>
    tpu.vector_store %arg6[%swap3A_45, %swap3A_46], %broadcast_in_dim3A_44 {strides = array<i32>} : memref<1024x16xf32, #tpu.memory_space<vmem>>, vector<1024x16xf32>,
    %eq3A_48 = vector.broadcast %broadcast_in_dim3A_14 : vector<1024x1xi32> to vector<1024x16xi32>
    %eq3A_49 = arith.cmpi eq, %iota3A, %eq3A_48 : vector<1024x16xi32>
    %convert_element_type3A = arith.extui %eq3A_49 : vector<1024x16xi1> to vector<1024x16xi32>
    %convert_element_type3A_50 = arith.sitofp %convert_element_type3A : vector<1024x16xi32> to vector<1024x16xf32>
    %eq3A_51 = vector.broadcast %broadcast_in_dim3A_30 : vector<1024x1xi32> to vector<1024x16xi32>
    %eq3A_52 = arith.cmpi eq, %iota3A, %eq3A_51 : vector<1024x16xi32>
    %convert_element_type3A_53 = arith.extui %eq3A_52 : vector<1024x16xi1> to vector<1024x16xi32>
    %convert_element_type3A_54 = arith.sitofp %convert_element_type3A_53 : vector<1024x16xi32> to vector<1024x16xf32>
    %iota3A_55 = tpu.iota {dimensions = array<i32: 0>} : vector<1024x1024xi32>
    %iota3A_56 = tpu.iota {dimensions = array<i32: 1>} : vector<1024x1024xi32>
    %gt3A = arith.cmpi sgt, %iota3A_55, %iota3A_56 : vector<1024x1024xi32>
    %convert_element_type3A_57 = arith.extui %gt3A : vector<1024x1024xi1> to vector<1024x1024xi32>
    %convert_element_type3A_58 = arith.sitofp %convert_element_type3A_57 : vector<1024x1024xi32> to vector<1024x1024xf32>
    %dot_general3A_59 = arith.constant dense<0.000000e+00> : vector<1024x16xf32>
    %dot_general3A_60 = tpu.matmul %convert_element_type3A_58, %convert_element_type3A_50, %dot_general3A_59 {dimension_numbers = #tpu.dot_dimension_numbers<[1], [0], [0], [1], [0, 0, 1, 1], [], []>, transpose_lhs_hint = false} : vector<1024x1024xf32>, vector<1024x16xf32>, vector<1024x16xf32> -> vector<1024x16xf32>
    %dot_general3A_61 = arith.constant dense<0.000000e+00> : vector<1024x16xf32>
    %dot_general3A_62 = tpu.matmul %convert_element_type3A_58, %convert_element_type3A_54, %dot_general3A_61 {dimension_numbers = #tpu.dot_dimension_numbers<[1], [0], [0], [1], [0, 0, 1, 1], [], []>, transpose_lhs_hint = false} : vector<1024x1024xf32>, vector<1024x16xf32>, vector<1024x16xf32> -> vector<1024x16xf32>
    %reduce_sum3A = arith.constant dense<0.000000e+00> : vector<16xf32>
    %reduce_sum3A_63 = vector.multi_reduction <add>, %convert_element_type3A_50, %reduce_sum3A [0] : vector<1024x16xf32> to vector<16xf32>
    %broadcast_in_dim3A_64 = vector.shape_cast %reduce_sum3A_63 : vector<16xf32> to vector<1x16xf32>
    %reduce_sum3A_65 = arith.constant dense<0.000000e+00> : vector<16xf32>
    %reduce_sum3A_66 = vector.multi_reduction <add>, %convert_element_type3A_54, %reduce_sum3A_65 [0] : vector<1024x16xf32> to vector<16xf32>
    %broadcast_in_dim3A_67 = vector.shape_cast %reduce_sum3A_66 : vector<16xf32> to vector<1x16xf32>
    %add3A_68 = arith.addf %broadcast_in_dim3A_64, %broadcast_in_dim3A_67 : vector<1x16xf32>
    %mul3A = arith.mulf %dot_general3A_60, %convert_element_type3A_50 : vector<1024x16xf32>
    %reduce_sum3A_69 = arith.constant dense<0.000000e+00> : vector<1024xf32>
    %reduce_sum3A_70 = vector.multi_reduction <add>, %mul3A, %reduce_sum3A_69 [1] : vector<1024x16xf32> to vector<1024xf32>
    %broadcast_in_dim3A_71 = vector.shape_cast %reduce_sum3A_70 : vector<1024xf32> to vector<1024x1xf32>
    %mul3A_72 = arith.mulf %dot_general3A_62, %convert_element_type3A_54 : vector<1024x16xf32>
    %reduce_sum3A_73 = arith.constant dense<0.000000e+00> : vector<1024xf32>
    %reduce_sum3A_74 = vector.multi_reduction <add>, %mul3A_72, %reduce_sum3A_73 [1] : vector<1024x16xf32> to vector<1024xf32>
    %broadcast_in_dim3A_75 = vector.shape_cast %reduce_sum3A_74 : vector<1024xf32> to vector<1024x1xf32>
    %mul3A_76 = vector.broadcast %broadcast_in_dim3A_64 : vector<1x16xf32> to vector<1024x16xf32>
    %mul3A_77 = arith.mulf %mul3A_76, %convert_element_type3A_54 : vector<1024x16xf32>
    %reduce_sum3A_78 = arith.constant dense<0.000000e+00> : vector<1024xf32>
    %reduce_sum3A_79 = vector.multi_reduction <add>, %mul3A_77, %reduce_sum3A_78 [1] : vector<1024x16xf32> to vector<1024xf32>
    %broadcast_in_dim3A_80 = vector.shape_cast %reduce_sum3A_79 : vector<1024xf32> to vector<1024x1xf32>
    %add3A_81 = arith.addf %broadcast_in_dim3A_75, %broadcast_in_dim3A_80 : vector<1024x1xf32>
    %mul3A_82 = arith.constant 3.906250e-03 : f32
    %mul3A_83 = vector.broadcast %mul3A_82 : f32 to vector<1x16xf32>
    %mul3A_84 = arith.mulf %add3A_68, %mul3A_83 : vector<1x16xf32>
    %ceil3A = math.ceil %mul3A_84 : vector<1x16xf32>
    %mul3A_85 = arith.constant 2.560000e+02 : f32
    %mul3A_86 = vector.broadcast %mul3A_85 : f32 to vector<1x16xf32>
    %mul3A_87 = arith.mulf %ceil3A, %mul3A_86 : vector<1x16xf32>
    %iota3A_88 = tpu.iota {dimensions = array<i32: 0>} : vector<16x16xi32>
    %iota3A_89 = tpu.iota {dimensions = array<i32: 1>} : vector<16x16xi32>
    %lt3A = arith.cmpi slt, %iota3A_88, %iota3A_89 : vector<16x16xi32>
    %reshape3A = vector.shape_cast %mul3A_87 : vector<1x16xf32> to vector<16x1xf32>
    %broadcast_in_dim3A_90 = vector.shape_cast %reshape3A : vector<16x1xf32> to vector<16x1xf32>
    %broadcast_in_dim3A_91 = vector.broadcast %broadcast_in_dim3A_90 : vector<16x1xf32> to vector<16x16xf32>
    %jit3A_92 = arith.constant 0.000000e+00 : f32
    %broadcast_in_dim3A_93 = vector.broadcast %jit3A_92 : f32 to vector<16x16xf32>
    %select_n3A_94 = arith.select %lt3A, %broadcast_in_dim3A_91, %broadcast_in_dim3A_93 : vector<16x16xi1>, vector<16x16xf32>
    %reduce_sum3A_95 = arith.constant dense<0.000000e+00> : vector<16xf32>
    %reduce_sum3A_96 = vector.multi_reduction <add>, %select_n3A_94, %reduce_sum3A_95 [0] : vector<16x16xf32> to vector<16xf32>
    %broadcast_in_dim3A_97 = vector.shape_cast %reduce_sum3A_96 : vector<16xf32> to vector<1x16xf32>
    %add3A_98 = arith.addf %broadcast_in_dim3A_97, %mul3A_87 : vector<1x16xf32>
    %mul3A_99 = vector.broadcast %broadcast_in_dim3A_97 : vector<1x16xf32> to vector<1024x16xf32>
    %mul3A_100 = arith.mulf %mul3A_99, %convert_element_type3A_50 : vector<1024x16xf32>
    %reduce_sum3A_101 = arith.constant dense<0.000000e+00> : vector<1024xf32>
    %reduce_sum3A_102 = vector.multi_reduction <add>, %mul3A_100, %reduce_sum3A_101 [1] : vector<1024x16xf32> to vector<1024xf32>
    %broadcast_in_dim3A_103 = vector.shape_cast %reduce_sum3A_102 : vector<1024xf32> to vector<1024x1xf32>
    %add3A_104 = arith.addf %broadcast_in_dim3A_103, %broadcast_in_dim3A_71 : vector<1024x1xf32>
    %convert_element_type3A_105 = arith.fptosi %add3A_104 : vector<1024x1xf32> to vector<1024x1xi32>
    %reshape3A_106 = vector.shape_cast %convert_element_type3A_105 : vector<1024x1xi32> to vector<1024xi32>
    %swap3A_107 = arith.constant 0 : index
    %swap3A_108 = vector.load %arg3[%swap3A_107] : memref<1024xi32, #tpu.memory_space<vmem>>, vector<1024xi32>
    tpu.vector_store %arg3[%swap3A_107], %reshape3A_106 {strides = array<i32>} : memref<1024xi32, #tpu.memory_space<vmem>>, vector<1024xi32>,
    %mul3A_109 = vector.broadcast %broadcast_in_dim3A_97 : vector<1x16xf32> to vector<1024x16xf32>
    %mul3A_110 = arith.mulf %mul3A_109, %convert_element_type3A_54 : vector<1024x16xf32>
    %reduce_sum3A_111 = arith.constant dense<0.000000e+00> : vector<1024xf32>
    %reduce_sum3A_112 = vector.multi_reduction <add>, %mul3A_110, %reduce_sum3A_111 [1] : vector<1024x16xf32> to vector<1024xf32>
    %broadcast_in_dim3A_113 = vector.shape_cast %reduce_sum3A_112 : vector<1024xf32> to vector<1024x1xf32>
    %add3A_114 = arith.addf %broadcast_in_dim3A_113, %add3A_81 : vector<1024x1xf32>
    %convert_element_type3A_115 = arith.fptosi %add3A_114 : vector<1024x1xf32> to vector<1024x1xi32>
    %reshape3A_116 = vector.shape_cast %convert_element_type3A_115 : vector<1024x1xi32> to vector<1024xi32>
    %swap3A_117 = arith.constant 0 : index
    %swap3A_118 = vector.load %arg4[%swap3A_117] : memref<1024xi32, #tpu.memory_space<vmem>>, vector<1024xi32>
    tpu.vector_store %arg4[%swap3A_117], %reshape3A_116 {strides = array<i32>} : memref<1024xi32, #tpu.memory_space<vmem>>, vector<1024xi32>,
    %iota3A_119 = tpu.iota {dimensions = array<i32: 0>} : vector<24x16xi32>
    %mul3A_120 = arith.constant 256 : i32
    %mul3A_121 = vector.broadcast %mul3A_120 : i32 to vector<24x16xi32>
    %mul3A_122 = arith.muli %iota3A_119, %mul3A_121 : vector<24x16xi32>
    %convert_element_type3A_123 = arith.sitofp %mul3A_122 : vector<24x16xi32> to vector<24x16xf32>
    %broadcast_in_dim3A_124 = vector.shape_cast %add3A_98 : vector<1x16xf32> to vector<1x16xf32>
    %broadcast_in_dim3A_125 = vector.broadcast %broadcast_in_dim3A_124 : vector<1x16xf32> to vector<24x16xf32>
    %le3A = arith.cmpf ole, %broadcast_in_dim3A_125, %convert_element_type3A_123 : vector<24x16xf32>
    %convert_element_type3A_126 = arith.extui %le3A : vector<24x16xi1> to vector<24x16xi32>
    %reduce_sum3A_127 = arith.constant dense<0> : vector<24xi32>
    %reduce_sum3A_128 = vector.multi_reduction <add>, %convert_element_type3A_126, %reduce_sum3A_127 [1] : vector<24x16xi32> to vector<24xi32>
    %broadcast_in_dim3A_129 = vector.shape_cast %reduce_sum3A_128 : vector<24xi32> to vector<24x1xi32>
    %min3A = arith.constant 15 : i32
    %min3A_130 = vector.broadcast %min3A : i32 to vector<24x1xi32>
    %min3A_131 = arith.minsi %broadcast_in_dim3A_129, %min3A_130 : vector<24x1xi32>
    %reshape3A_132 = vector.shape_cast %min3A_131 : vector<24x1xi32> to vector<24xi32>
    %swap3A_133 = arith.constant 0 : index
    %swap3A_134 = vector.load %arg7[%swap3A_133] : memref<24xi32, #tpu.memory_space<vmem>>, vector<24xi32>
    tpu.vector_store %arg7[%swap3A_133], %reshape3A_132 {strides = array<i32>} : memref<24xi32, #tpu.memory_space<vmem>>, vector<24xi32>,
    %reduce_sum3A_135 = arith.constant dense<0.000000e+00> : vector<1xf32>
    %reduce_sum3A_136 = vector.multi_reduction <add>, %mul3A_87, %reduce_sum3A_135 [1] : vector<1x16xf32> to vector<1xf32>
    %broadcast_in_dim3A_137 = vector.shape_cast %reduce_sum3A_136 : vector<1xf32> to vector<1x1xf32>
    %mul3A_138 = arith.constant 3.906250e-03 : f32
    %mul3A_139 = vector.broadcast %mul3A_138 : f32 to vector<1x1xf32>
    %mul3A_140 = arith.mulf %broadcast_in_dim3A_137, %mul3A_139 : vector<1x1xf32>
    %convert_element_type3A_141 = arith.fptosi %mul3A_140 : vector<1x1xf32> to vector<1x1xi32>
    %swap3A_142 = arith.constant 0 : index
    %swap3A_143 = arith.constant 0 : index
    %swap3A_144 = vector.load %arg8[%swap3A_142, %swap3A_143] : memref<1x1xi32, #tpu.memory_space<vmem>>, vector<1x1xi32>
    tpu.vector_store %arg8[%swap3A_142, %swap3A_143], %convert_element_type3A_141 {strides = array<i32>} : memref<1x1xi32, #tpu.memory_space<vmem>>, vector<1x1xi32>,
    return
  }
}

module attributes {stable_mosaic.version = 14 : i64} {
  func.func @_mm_body(%arg0: i32, %arg1: memref<1xi32, #tpu.memory_space<smem>>, %arg2: memref<24xi32, #tpu.memory_space<smem>>, %arg3: memref<256x2048xf32, #tpu.memory_space<vmem>>, %arg4: memref<1x2048x512xf32, #tpu.memory_space<vmem>>, %arg5: memref<1x1x512xf32, #tpu.memory_space<vmem>>, %arg6: memref<256x512xf32, #tpu.memory_space<vmem>>) attributes {dimension_semantics = [#tpu.dimension_semantics<arbitrary>], iteration_bounds = array<i64: 23>, scalar_prefetch = 2 : i64, scratch_operands = 0 : i64, tpu.core_type = #tpu.core_type<tc>, window_params = [{transform_indices = @transform_0, window_bounds = array<i64: 256, 2048>}, {transform_indices = @transform_1, window_bounds = array<i64: 1, 2048, 512>}, {transform_indices = @transform_2, window_bounds = array<i64: 1, 1, 512>}, {transform_indices = @transform_3, window_bounds = array<i64: 256, 512>}]} {
    %get3A = arith.constant 0 : index
    %get3A_0 = memref.load %arg1[%get3A] : memref<1xi32, #tpu.memory_space<smem>>
    %lt3A = arith.cmpi slt, %arg0, %get3A_0 : i32
    %convert_element_type3A = arith.extui %lt3A : i1 to i32
    %cond3A = arith.constant 0 : i32
    %cond3A_1 = arith.cmpi ne, %convert_element_type3A, %cond3A : i32
    scf.if %cond3A_1 {
      %get3A_2 = arith.constant 0 : index
      %get3A_3 = arith.constant 0 : index
      %get3A_4 = vector.load %arg3[%get3A_2, %get3A_3] : memref<256x2048xf32, #tpu.memory_space<vmem>>, vector<256x2048xf32>
      %get3A_5 = arith.constant 0 : index
      %get3A_6 = arith.constant 0 : index
      %get3A_7 = arith.constant 0 : index
      %get3A_8 = vector.load %arg4[%get3A_5, %get3A_6, %get3A_7] : memref<1x2048x512xf32, #tpu.memory_space<vmem>>, vector<1x2048x512xf32>
      %get3A_9 = vector.shape_cast %get3A_8 : vector<1x2048x512xf32> to vector<2048x512xf32>
      %dot_general3A = arith.constant dense<0.000000e+00> : vector<256x512xf32>
      %dot_general3A_10 = tpu.matmul %get3A_4, %get3A_9, %dot_general3A {dimension_numbers = #tpu.dot_dimension_numbers<[1], [0], [0], [1], [0, 0, 1, 1], [], []>, transpose_lhs_hint = false} : vector<256x2048xf32>, vector<2048x512xf32>, vector<256x512xf32> -> vector<256x512xf32>
      %get3A_11 = arith.constant 0 : index
      %get3A_12 = arith.constant 0 : index
      %get3A_13 = arith.constant 0 : index
      %get3A_14 = vector.load %arg5[%get3A_11, %get3A_12, %get3A_13] : memref<1x1x512xf32, #tpu.memory_space<vmem>>, vector<1x1x512xf32>
      %get3A_15 = vector.shape_cast %get3A_14 : vector<1x1x512xf32> to vector<1x512xf32>
      %add3A = vector.broadcast %get3A_15 : vector<1x512xf32> to vector<256x512xf32>
      %add3A_16 = arith.addf %dot_general3A_10, %add3A : vector<256x512xf32>
      %swap3A = arith.constant 0 : index
      %swap3A_17 = arith.constant 0 : index
      %swap3A_18 = vector.load %arg6[%swap3A, %swap3A_17] : memref<256x512xf32, #tpu.memory_space<vmem>>, vector<256x512xf32>
      tpu.vector_store %arg6[%swap3A, %swap3A_17], %add3A_16 {strides = array<i32>} : memref<256x512xf32, #tpu.memory_space<vmem>>, vector<256x512xf32>,
    } else {
    }
    return
  }
  func.func @transform_0(%arg0: i32, %arg1: memref<1xi32, #tpu.memory_space<smem>>, %arg2: memref<24xi32, #tpu.memory_space<smem>>) -> (i32, i32) {
    %get3A = arith.constant 0 : index
    %get3A_0 = memref.load %arg1[%get3A] : memref<1xi32, #tpu.memory_space<smem>>
    %sub3A = arith.constant 1 : i32
    %sub3A_1 = arith.subi %get3A_0, %sub3A : i32
    %min3A = arith.minsi %arg0, %sub3A_1 : i32
    %c0_i32 = arith.constant 0 : i32
    %c0_i32_2 = arith.constant 0 : i32
    return %min3A, %c0_i32 : i32, i32
  }
  func.func @transform_1(%arg0: i32, %arg1: memref<1xi32, #tpu.memory_space<smem>>, %arg2: memref<24xi32, #tpu.memory_space<smem>>) -> (i32, i32, i32) {
    %get3A = arith.constant 0 : index
    %get3A_0 = memref.load %arg1[%get3A] : memref<1xi32, #tpu.memory_space<smem>>
    %sub3A = arith.constant 1 : i32
    %sub3A_1 = arith.subi %get3A_0, %sub3A : i32
    %min3A = arith.minsi %arg0, %sub3A_1 : i32
    %get3A_2 = arith.index_cast %min3A : i32 to index
    %get3A_3 = memref.load %arg2[%get3A_2] : memref<24xi32, #tpu.memory_space<smem>>
    %c0_i32 = arith.constant 0 : i32
    %c0_i32_4 = arith.constant 0 : i32
    %c0_i32_5 = arith.constant 0 : i32
    return %get3A_3, %c0_i32, %c0_i32_4 : i32, i32, i32
  }
  func.func @transform_2(%arg0: i32, %arg1: memref<1xi32, #tpu.memory_space<smem>>, %arg2: memref<24xi32, #tpu.memory_space<smem>>) -> (i32, i32, i32) {
    %get3A = arith.constant 0 : index
    %get3A_0 = memref.load %arg1[%get3A] : memref<1xi32, #tpu.memory_space<smem>>
    %sub3A = arith.constant 1 : i32
    %sub3A_1 = arith.subi %get3A_0, %sub3A : i32
    %min3A = arith.minsi %arg0, %sub3A_1 : i32
    %get3A_2 = arith.index_cast %min3A : i32 to index
    %get3A_3 = memref.load %arg2[%get3A_2] : memref<24xi32, #tpu.memory_space<smem>>
    %c0_i32 = arith.constant 0 : i32
    %c0_i32_4 = arith.constant 0 : i32
    %c0_i32_5 = arith.constant 0 : i32
    return %get3A_3, %c0_i32, %c0_i32_4 : i32, i32, i32
  }
  func.func @transform_3(%arg0: i32, %arg1: memref<1xi32, #tpu.memory_space<smem>>, %arg2: memref<24xi32, #tpu.memory_space<smem>>) -> (i32, i32) {
    %get3A = arith.constant 0 : index
    %get3A_0 = memref.load %arg1[%get3A] : memref<1xi32, #tpu.memory_space<smem>>
    %sub3A = arith.constant 1 : i32
    %sub3A_1 = arith.subi %get3A_0, %sub3A : i32
    %min3A = arith.minsi %arg0, %sub3A_1 : i32
    %c0_i32 = arith.constant 0 : i32
    %c0_i32_2 = arith.constant 0 : i32
    return %min3A, %c0_i32 : i32, i32
  }
}

</mosaic_0001>

<sc_bundles>
// kernel: kernel.6.cloned.1.call-start
scs
__scs_entry_jumppad:
0x0: {  	(pc) =	sbr.rel $0x88, $3  }
0x1: {  	(tag) =	ssettag $0x0;
	lr =	simm.s32 $0x1  }
0x2: {  	[smem:$0x3F9C] =	sst lr;
	_ =	strace $0xD0000000  }
0x3: {  	_ = 	snop  }
0x4: {  	_ = 	snop  }
0x5: {  	_ = 	snop  }
0x6: {  	_ = 	snop  }
0x7: {  	_ = 	snop  }
__scs_overlays_trampoline_lowered:
0x8: {  	[smem:$0x3FAB] =	sst s0  }
0x9: {  	[smem:$0x3FAC] =	sst s1  }
0xa: {  	[smem:$0x3FAD] =	sst s2  }
0xb: {  	[smem:$0x3FAE] =	sst s3  }
0xc: {  	[smem:$0x3FAF] =	sst s4  }
0xd: {  	[smem:$0x3FB0] =	sst s5  }
0xe: {  	[smem:$0x3FB1] =	sst s6  }
0xf: {  	[smem:$0x3FB2] =	sst s7  }
0x10: {  	[smem:$0x3FB3] =	sst s8  }
0x11: {  	[smem:$0x3FB4] =	sst s9;
	s0 =	simm.s32 @!p0 $0x0  }
0x12: {  	s1 =	sld [smem:$0x3F9A];
	s0 =	simm.s32 @p0 $0x1  }
0x13: {  	[smem:$0x3FB5] =	sst s0;
	s0 =	simm.s32 @!p1 $0x0  }
0x14: {  	s2 =	sld [smem:$0x3F99];
	s0 =	simm.s32 @p1 $0x1  }
0x15: {  	[smem:$0x3FB6] =	sst s0;
	s0 =	simm.s32 @!p2 $0x0  }
0x16: {  	s3 =	sld [smem:$0x3FDB];
	s0 =	simm.s32 @p2 $0x1  }
0x17: {  	s4 =	simm.s32 $0x1BF5;
	[smem:$0x3FB8] =	sst s0  }
0x18: {  	s0 =	sld [smem:$0x3F9B];
	_ =	swait.ge [sflag:s4], $0x0  }
0x19: {  	s7 =	sld [smem:$0x3F9C]  }
0x1a: {  	s8 =	sadd.s32 $0xFFFFE003, lr  }
0x1b: {  	s9 =	sadd.s32 $0xFFFFFEF7, lr;
	s5 =	simm.s32 $0xFFFFFFFF;
	p2 =	slt.u32 s8, $0xFFFFF086  }
0x1c: {  	p1 =	slt.u32 s9, $0xF7A;
	s5 =	simm.s32 @!p2 $0x0  }
0x1d: {  	s5 =	simm.s32 @p1 $0x1;
	p0 =	seq.s32 s7, s2  }
0x1e: {  	s7 =	smul.u32 @!p0 $0xF7A, s2;
	p2 =	seq.s32 @!p0 s5, $0x0  }
0x1f: {  	s9 =	smul.u32 $0xF7A, s1;
	s8 =	simm.s32 @!p0 $0x1BF5;
	p2 =	por !p2, p0  }
0x20: {  	[sflag:s8] =	ssyncset.s32 @!p0 $0xFFFFF086;
	s6 =	sadd.s32 @!p0 s3, s7;
	s7 =	simm.s32 @!p0 $0x108  }
0x21: {  	s3 =	sadd.s32 s3, s9;
	s6 =	sadd.s32 @!p0 $0x88, s6;
	s7 =	simm.s32 @p2 $0x1082  }
0x22: {  	[simem:s7], [sflag:s8] =	dma.local @!p0 [hbm:s6], $0xF7A  }
0x23: {  	s9 =	sor.u32 $0xD0000000, s2;
	s6 =	simm.s32 $0x108;
	_ =	swait.ge @!p0 [sflag:s8], $0x0  }
0x24: {  	s3 =	sadd.s32 $0x88, s3;
	s6 =	simm.s32 @!p1 $0x1082;
	[sflag:s4] =	ssyncset.s32 $0xFFFFF086  }
0x25: {  	[simem:s6], [sflag:s4] =	dma.local [hbm:s3], $0xF7A  }
0x26: {  	[smem:$0x3F9C] =	sst s1;
	(tag) =	ssettag s2;
	_ =	strace s9  }
0x27: {  	s1 =	sld [smem:$0x3FAC]  }
0x28: {  	s2 =	sld [smem:$0x3FAD]  }
0x29: {  	s4 =	sld [smem:$0x3FAF]  }
0x2a: {  	p0 =	seq.s32 s5, $0x0;
	s5 =	sld [smem:$0x3FB0]  }
0x2b: {  	s6 =	sld [smem:$0x3FB1]  }
0x2c: {  	s7 =	sld [smem:$0x3FB2]  }
0x2d: {  	s3 =	simm.s32 $0x108;
	s8 =	sld [smem:$0x3FB3]  }
0x2e: {  	s3 =	simm.s32 @!p0 $0x1082;
	s9 =	sld [smem:$0x3FB4]  }
0x2f: {  	lr =	sadd.s32 s0, s3;
	s0 =	sld [smem:$0x3FAB]  }
0x30: {  	s3 =	sld [smem:$0x3FAE]  }
0x31: {  	[smem:$0x3FB7] =	sst s10  }
0x32: {  	s10 =	sld [smem:$0x3FB5];
	_ =	sdelay $0x3  }
0x33: {  	p0 =	seq.s32 s10, $0x1;
	s10 =	sld [smem:$0x3FB7];
	_ =	sdelay $0x3  }
0x34: {  	[smem:$0x3FB7] =	sst s10  }
0x35: {  	s10 =	sld [smem:$0x3FB6];
	_ =	sdelay $0x3  }
0x36: {  	p1 =	seq.s32 s10, $0x1;
	s10 =	sld [smem:$0x3FB7];
	_ =	sdelay $0x3  }
0x37: {  	[smem:$0x3FB7] =	sst s10  }
0x38: {  	s10 =	sld [smem:$0x3FB8]  }
0x39: {  	_ = 	snop;
	(pc) =	sbr.ind lr, $3  }
0x3a: {  	_ = 	snop  }
0x3b: {  	_ = 	snop  }
0x3c: {  	p2 =	seq.s32 s10, $0x1;
	s10 =	sld [smem:$0x3FB7]  }
0x3d: {  	_ =	shalt  }
0x3e: {  	_ =	shalt  }
0x3f: {  	_ =	shalt  }
0x40: {  	_ =	shalt  }
0x41: {  	_ =	shalt  }
0x42: {  	_ =	shalt  }
0x43: {  	_ =	shalt  }
0x44: {  	_ =	shalt  }
0x45: {  	_ =	shalt  }
0x46: {  	_ =	shalt  }
0x47: {  	_ =	shalt  }
0x48: {  	_ =	shalt  }
0x49: {  	_ =	shalt  }
0x4a: {  	_ =	shalt  }
0x4b: {  	_ =	shalt  }
0x4c: {  	_ =	shalt  }
0x4d: {  	_ =	shalt  }
0x4e: {  	_ =	shalt  }
0x4f: {  	_ =	shalt  }
0x50: {  	_ =	shalt  }
0x51: {  	_ =	shalt  }
0x52: {  	_ =	shalt  }
0x53: {  	_ =	shalt  }
0x54: {  	_ =	shalt  }
0x55: {  	_ =	shalt  }
0x56: {  	_ =	shalt  }
0x57: {  	_ =	shalt  }
0x58: {  	_ =	shalt  }
0x59: {  	_ =	shalt  }
0x5a: {  	_ =	shalt  }
0x5b: {  	_ =	shalt  }
0x5c: {  	_ =	shalt  }
0x5d: {  	_ =	shalt  }
0x5e: {  	_ =	shalt  }
0x5f: {  	_ =	shalt  }
0x60: {  	_ =	shalt  }
0x61: {  	_ =	shalt  }
0x62: {  	_ =	shalt  }
0x63: {  	_ =	shalt  }
0x64: {  	_ =	shalt  }
0x65: {  	_ =	shalt  }
0x66: {  	_ =	shalt  }
0x67: {  	_ =	shalt  }
0x68: {  	_ =	shalt  }
0x69: {  	_ =	shalt  }
0x6a: {  	_ =	shalt  }
0x6b: {  	_ =	shalt  }
0x6c: {  	_ =	shalt  }
0x6d: {  	_ =	shalt  }
0x6e: {  	_ =	shalt  }
0x6f: {  	_ =	shalt  }
0x70: {  	_ =	shalt  }
0x71: {  	_ =	shalt  }
0x72: {  	_ =	shalt  }
0x73: {  	_ =	shalt  }
0x74: {  	_ =	shalt  }
0x75: {  	_ =	shalt  }
0x76: {  	_ =	shalt  }
0x77: {  	_ =	shalt  }
0x78: {  	_ =	shalt  }
0x79: {  	_ =	shalt  }
0x7a: {  	_ =	shalt  }
0x7b: {  	_ =	shalt  }
0x7c: {  	_ =	shalt  }
0x7d: {  	_ =	shalt  }
0x7e: {  	_ =	shalt  }
0x7f: {  	_ =	shalt  }
0x80: {  	_ =	shalt  }
0x81: {  	_ =	shalt  }
0x82: {  	_ =	shalt  }
0x83: {  	_ =	shalt  }
0x84: {  	_ =	shalt  }
0x85: {  	_ =	shalt  }
0x86: {  	_ =	shalt  }
0x87: {  	_ =	shalt  }
.Lfunc_end0:
.L_simem_size_0:
called_computation_lowered:
.L_overlay_start_0:
0x88: {  	s2 =	sld [smem:$0x3FD9]  }
0x89: {  	s3 =	sld [smem:$0x3FFE];
	_ =	sdelay $0x1  }
0x8a: {  	s1 =	srdreg.scid  }
0x8b: {  	s0 =	sand.u32 $0x1, s1  }
0x8c: {  	s17 =	sshll.u32 s0, $0xA;
	s2 =	sadd.s32 s3, s2  }
0x8d: {  	s2 =	sadd.s32 s2, s17  }
0x8e: {  	[smem:$0x3FC3] =	sst s2  }
0x8f: {  	_ = 	snop  }
0x90: {  	s2 =	sld [smem:$0x3FC9];
	(tm) =	ssettm $0x1  }
0x91: {  	s18 =	sld [smem:$0x3FFB];
	_ =	sdelay $0x3  }
0x92: {  	_ =	strace s18  }
0x93: {  	s3 =	sld [smem:$0x3FFC];
	_ =	sdelay $0x3  }
0x94: {  	_ =	strace s3  }
0x95: {  	s3 =	sld [smem:$0x3FFD];
	_ =	sdelay $0x3  }
0x96: {  	_ =	strace s3  }
0x97: {  	_ =	strace $0x8FFFFFFF  }
0x98: {  	s19 =	sld [smem:$0x3FDB];
	_ =	sdelay $0x1  }
0x99: {  	s4 =	simm.s32 $_scs_section_size  }
0x9a: {  	s5 =	simm.s32 $_size__tile_overlayer_lowered;
	s6 =	simm.s32 $_tile_overlayer_lowered  }
0x9b: {  	s22 =	simm.s32 $0x1BFF;
	s21 =	sshll.u32 s6, $0x1;
	s3 =	sadd.s32 s4, s19  }
0x9c: {  	s7 =	simm.s32 $0x0;
	s20 =	sshll.u32 s5, $0x1;
	s5 =	sadd.s32 s21, s3  }
0x9d: {  	[timem:s7], [sflag:s22] =	dma.local [hbm:s5], s20  }
0x9e: {  	_ =	swait.ge [sflag:s22], s20  }
0x9f: {  	s4 =	ssub.s32 $0x0, s20;
	[sflag:s22] =	ssyncset.done $0x0  }
0xa0: {  	[sflag:s22] =	ssyncadd.s32 s4;
	_ =	sdelay $0x1  }
0xa1: {  	s23 =	simm.s32 $0x1B8B  }
0xa2: {  	_ =	swait.ge [sflag:s23], $0x1  }
0xa3: {  	[sflag:s23] =	ssyncset.done $0x0  }
0xa4: {  	s25 =	simm.s32 $0x1B8E;
	s24 =	sld [smem:$0x3FFE];
	[sflag:s23] =	ssyncadd.s32 $0xFFFFFFFF  }
0xa5: {  	s26 =	simm.s32 $execute0_lowered;
	[smem:$0x3FD2] =	sst s25  }
0xa6: {  	s5 =	sshll.u32 s26, $0x1;
	_ =	strace $0x80000046;
	[dreg:$0x1] =	wrdreg $0xFFFFFFFF  }
0xa7: {  	s28 =	simm.s32 $_size_execute0_lowered;
	s3 =	sadd.s32 s3, s5;
	[dreg:$0x0] =	wrdreg $0x0  }
0xa8: {  	s5 =	sshll.u32 s28, $0x1;
	[dreg:$0x2] =	wrdreg s3  }
0xa9: {  	[dreg:$0x3] =	wrdreg s5  }
0xaa: {  	[dreg:$0x4] =	wrdreg $0xC0  }
0xab: {  	_ =	task [dreg:s7], $0x5FFFF  }
0xac: {  	[dreg:$0x1] =	wrdreg $0xFFFFFFFF  }
0xad: {  	[dreg:$0x0] =	wrdreg $0x60  }
0xae: {  	[dreg:$0x2] =	wrdreg s2  }
0xaf: {  	[dreg:$0x3] =	wrdreg s24  }
0xb0: {  	[dreg:$0x4] =	wrdreg $0x9  }
0xb1: {  	_ =	task.clear_ibuf [dreg:s7], $0x5FFFF;
	_ =	strace $0x90000046  }
0xb2: {  	s29 =	simm.s32 $0x9;
	_ =	strace $0x80000048  }
0xb3: {  	_ =	swait.ge [sflag:s29], $0x1  }
0xb4: {  	[sflag:s29] =	ssyncadd.s32 $0xFFFFFFFF  }
0xb5: {  	_ =	strace $0x90000048  }
0xb6: {  	_ =	sfence  }
0xb7: {  	s30 =	sld [smem:$0x0];
	_ =	sdelay $0x2  }
0xb8: {  	s31 =	sshll.u32 s1, $0xD;
	s1 =	sshrl.u32 s1, $0x2  }
0xb9: {  	s3 =	sand.u32 $0x4000, s31;
	s1 =	sadd.s32 s1, s30  }
0xba: {  	s0 =	sor.u32 s3, s0;
	s1 =	sshll.u32 s1, $0x11  }
0xbb: {  	s0 =	sor.u32 s1, s0  }
0xbc: {  	s0 =	sadd.s32 $0x8F2B, s0  }
0xbd: {  	[sflag:s0] =	ssyncadd.remote.s32 $0x1  }
0xbe: {  	_ =	sfence.sel $0xFFFF  }
0xbf: {  	[dreg:$0x0] =	wrdreg $0xFFFFFFFF;
	(pc) =	sbr.abs _section_cstart, $3  }
0xc0: {  	[dreg:$0x1] =	wrdreg $0xFFFFFFFF  }
0xc1: {  	_ =	task.clear_ibuf [dreg:s7], $0x2FFFF;
	_ =	strace $0x9FFFFFFF  }
0xc2: {  	(tm) =	ssettm $0x7FFFFFFF  }
0xc3: {  	_ =	shalt  }
tec
execute0_lowered:
.L_overlay_start_1:
0x0: {  	(tag) =	ssettag $0x1  }
0x1: {  	s0 =	srdreg.scid  }
0x2: {  	s2 =	stileid.u32;
	s1 =	rddreg [dreg:$0x0]  }
0x3: {  	s10 =	rddreg [dreg:$0x1];
	s30 =	simm.s32 $0x80;
	s12 =	simm.s32 $0x3  }
0x4: {  	s26 =	simm.s32 $0x100;
	s31 =	simm.s32 $0x1900;
	s14 =	simm.s32 $0x3100  }
0x5: {  	s15 =	simm.s32 $0x3900;
	s16 =	simm.s32 $0x4100;
	s17 =	simm.s32 $0x4900  }
0x6: {  	s18 =	simm.s32 $0x5100;
	s19 =	simm.s32 $0x5900;
	s20 =	simm.s32 $0x6100  }
0x7: {  	s21 =	simm.s32 $0x6900;
	s22 =	simm.s32 $0x7100;
	s23 =	simm.s32 $0x7900  }
0x8: {  	s24 =	simm.s32 $0x8100;
	s25 =	simm.s32 $0x8900;
	s13 =	simm.s32 $0x9100  }
0x9: {  	s28 =	simm.s32 $0x9900;
	s0 =	sand.u32 $0x1, s0;
	s2 =	sshll.u32 s2, $0x6  }
0xa: {  	s6 =	sadd.s32 $0xA100, s10;
	s7 =	sadd.s32 $0xA200, s10;
	s3 =	sshll.u32 s0, $0x5  }
0xb: {  	s8 =	sadd.s32 $0xA300, s10;
	s9 =	sadd.s32 $0xA400, s10;
	s3 =	sor.u32 s3, s2  }
0xc: {  	s0 =	ssub.s32 $0x2, s0;
	s2 =	simm.s32 $0x0;
	s4 =	sshrl.u32 s3, $0x3  }
0xd: {  	[smem:$0x7FF] =	sst s2;
	s3 =	sshll.u32 s3, $0x8;
	s4 =	sadd.s32 s4, s10  }
0xe: {  	_ =	strace $0x80000047;
	s1 =	sadd.s32 s1, s3;
	[dreg:$0x6] =	wrdreg s30  }
0xf: {  	s29 =	sshrl.u32 s0, $0x1;
	s5 =	sadd.s32 $0x1A00, s4;
	[dreg:$0x5] =	wrdreg s1  }
0x10: {  	v2 =	vlaneseq.u32;
	s0 =	ssub.s32 s0, s29;
	s4 =	sadd.s32 $0x1C00, s4;
	[dreg:$0x3] =	wrdreg s5  }
0x11: {  	vm0 =	vmmov $0xffff;
	v1 =	vshrl.u32 v2, $0x3;
	s3 =	sadd.s32 $0x9E00, s10;
	s11 =	smax.u32 s0, $0x1;
	[dreg:$0x4] =	wrdreg s4  }
0x12: {  	v0 =	vand.u32 $0x7, v2;
	v2 =	vor.u32 $0x8, v2;
	v1 =	vmul.u32 $0x8, v1;
	s4 =	sadd.s32 $0x9F00, s10;
	s5 =	sadd.s32 $0xA000, s10;
	s10 =	sadd.s32 $0xA500, s10  }
.LBB2_1:
0x13: {  	s29 =	rddreg [dreg:$0x3]  }
0x14: {  	[tilespmem:s2], [sflag:$0x3] =	stream.linear.gather [hbm4b:s29+s2], $0x20, $0x38;
	[tilespmem:$0x10100] =	vst v63  }
0x15: {  	_ =	swait.ge [sflag:s12], $0x20  }
0x16: {  	s0 =	rddreg [dreg:$0x4];
	[sflag:s12] =	ssyncset.done $0x0  }
0x17: {  	s30 =	rddreg [dreg:$0x6];
	[sflag:s12] =	ssyncadd.s32 $0xFFFFFFE0  }
0x18: {  	[tilespmem:s30], [sflag:$0x3] =	stream.linear.gather [hbm4b:s0+s2], $0x20, $0x38;
	[tilespmem:$0x10100] =	vst v63  }
0x19: {  	_ =	swait.ge [sflag:s12], $0x20  }
0x1a: {  	[sflag:s12] =	ssyncset.done $0x0  }
0x1b: {  	s1 =	rddreg [dreg:$0x5];
	[sflag:s12] =	ssyncadd.s32 $0xFFFFFFE0  }
0x1c: {  	[tilespmem:s26], [sflag:$0x3] =	stream.linear.gather [hbm4b:s1+s2], $0x10000, $0x38;
	[tilespmem:$0x10100] =	vst v63  }
0x1d: {  	_ =	swait.ge [sflag:s12], $0x10000  }
0x1e: {  	[sflag:s12] =	ssyncset.done $0x0  }
0x1f: {  	[sflag:s12] =	ssyncadd.s32 $0xFFFF0000  }
0x20: {  	v3 =	vld [tilespmem:$0x0];
	_ =	sdelay $0x4  }
0x21: {  	v4 =	vshll.u32 v3, $0x4  }
0x22: {  	v3 =	vand.u32 $0x7, v3;
	v4 =	vand.u32 $0xFFFFFF80, v4  }
0x23: {  	v3 =	vor.u32 v3, v4  }
0x24: {  	v4 =	vperm.xlane v3, v0;
	_ =	sdelay $0x1  }
0x25: {  	v4 =	vadd.s32 v1, v4;
	_ =	sdelay $0x4  }
0x26: {  	[hbm4b:s3+s2] =	stream.indirect_vreg.scatter [tilespmem:s26], [sflag:$0x1], $0x80, v4, vm0, $0xb8;
	[tilespmem:$0x10100] =	vst v63  }
0x27: {  	s29 =	simm.s32 $0x900  }
0x28: {  	[hbm4b:s4+s2] =	stream.indirect_vreg.scatter [tilespmem:s29], [sflag:$0x1], $0x80, v4, vm0, $0xb8;
	[tilespmem:$0x10100] =	vst v63  }
0x29: {  	s30 =	simm.s32 $0x1100  }
0x2a: {  	[hbm4b:s5+s2] =	stream.indirect_vreg.scatter [tilespmem:s30], [sflag:$0x1], $0x80, v4, vm0, $0xb8;
	[tilespmem:$0x10100] =	vst v63  }
0x2b: {  	_ = 	snop  }
0x2c: {  	[hbm4b:s6+s2] =	stream.indirect_vreg.scatter [tilespmem:s31], [sflag:$0x1], $0x80, v4, vm0, $0xb8;
	[tilespmem:$0x10100] =	vst v63  }
0x2d: {  	s1 =	simm.s32 $0x2100  }
0x2e: {  	[hbm4b:s7+s2] =	stream.indirect_vreg.scatter [tilespmem:s1], [sflag:$0x1], $0x80, v4, vm0, $0xb8;
	[tilespmem:$0x10100] =	vst v63  }
0x2f: {  	s0 =	simm.s32 $0x2900;
	v3 =	vperm.xlane v3, v2  }
0x30: {  	[hbm4b:s8+s2] =	stream.indirect_vreg.scatter [tilespmem:s0], [sflag:$0x1], $0x80, v4, vm0, $0xb8;
	[tilespmem:$0x10100] =	vst v63  }
0x31: {  	v3 =	vadd.s32 v1, v3  }
0x32: {  	[hbm4b:s9+s2] =	stream.indirect_vreg.scatter [tilespmem:s14], [sflag:$0x1], $0x80, v4, vm0, $0xb8;
	[tilespmem:$0x10100] =	vst v63  }
0x33: {  	_ = 	snop  }
0x34: {  	[hbm4b:s10+s2] =	stream.indirect_vreg.scatter [tilespmem:s15], [sflag:$0x1], $0x80, v4, vm0, $0xb8;
	[tilespmem:$0x10100] =	vst v63  }
0x35: {  	_ = 	snop  }
0x36: {  	[hbm4b:s3+s2] =	stream.indirect_vreg.scatter [tilespmem:s16], [sflag:$0x1], $0x80, v3, vm0, $0xb8;
	[tilespmem:$0x10100] =	vst v63  }
0x37: {  	_ = 	snop  }
0x38: {  	[hbm4b:s4+s2] =	stream.indirect_vreg.scatter [tilespmem:s17], [sflag:$0x1], $0x80, v3, vm0, $0xb8;
	[tilespmem:$0x10100] =	vst v63  }
0x39: {  	_ = 	snop  }
0x3a: {  	[hbm4b:s5+s2] =	stream.indirect_vreg.scatter [tilespmem:s18], [sflag:$0x1], $0x80, v3, vm0, $0xb8;
	[tilespmem:$0x10100] =	vst v63  }
0x3b: {  	_ = 	snop  }
0x3c: {  	[hbm4b:s6+s2] =	stream.indirect_vreg.scatter [tilespmem:s19], [sflag:$0x1], $0x80, v3, vm0, $0xb8;
	[tilespmem:$0x10100] =	vst v63  }
0x3d: {  	_ = 	snop  }
0x3e: {  	[hbm4b:s7+s2] =	stream.indirect_vreg.scatter [tilespmem:s20], [sflag:$0x1], $0x80, v3, vm0, $0xb8;
	[tilespmem:$0x10100] =	vst v63  }
0x3f: {  	_ = 	snop  }
0x40: {  	[hbm4b:s8+s2] =	stream.indirect_vreg.scatter [tilespmem:s21], [sflag:$0x1], $0x80, v3, vm0, $0xb8;
	[tilespmem:$0x10100] =	vst v63  }
0x41: {  	_ = 	snop  }
0x42: {  	[hbm4b:s9+s2] =	stream.indirect_vreg.scatter [tilespmem:s22], [sflag:$0x1], $0x80, v3, vm0, $0xb8;
	[tilespmem:$0x10100] =	vst v63  }
0x43: {  	_ = 	snop  }
0x44: {  	[hbm4b:s10+s2] =	stream.indirect_vreg.scatter [tilespmem:s23], [sflag:$0x1], $0x80, v3, vm0, $0xb8;
	[tilespmem:$0x10100] =	vst v63  }
0x45: {  	v3 =	vld [tilespmem:$0x10];
	_ =	sdelay $0x4  }
0x46: {  	v61 =	vshll.u32 v3, $0x4  }
0x47: {  	v3 =	vand.u32 $0x7, v3;
	v4 =	vand.u32 $0xFFFFFF80, v61  }
0x48: {  	v3 =	vor.u32 v3, v4  }
0x49: {  	v4 =	vperm.xlane v3, v0;
	_ =	sdelay $0x1  }
0x4a: {  	v4 =	vadd.s32 v1, v4;
	_ =	sdelay $0x4  }
0x4b: {  	[hbm4b:s3+s2] =	stream.indirect_vreg.scatter [tilespmem:s24], [sflag:$0x1], $0x80, v4, vm0, $0xb8;
	[tilespmem:$0x10100] =	vst v63  }
0x4c: {  	_ = 	snop  }
0x4d: {  	[hbm4b:s4+s2] =	stream.indirect_vreg.scatter [tilespmem:s25], [sflag:$0x1], $0x80, v4, vm0, $0xb8;
	[tilespmem:$0x10100] =	vst v63  }
0x4e: {  	_ = 	snop  }
0x4f: {  	[hbm4b:s5+s2] =	stream.indirect_vreg.scatter [tilespmem:s13], [sflag:$0x1], $0x80, v4, vm0, $0xb8;
	[tilespmem:$0x10100] =	vst v63  }
0x50: {  	_ = 	snop  }
0x51: {  	[hbm4b:s6+s2] =	stream.indirect_vreg.scatter [tilespmem:s28], [sflag:$0x1], $0x80, v4, vm0, $0xb8;
	[tilespmem:$0x10100] =	vst v63  }
0x52: {  	s0 =	simm.s32 $0xA100  }
0x53: {  	[hbm4b:s7+s2] =	stream.indirect_vreg.scatter [tilespmem:s0], [sflag:$0x1], $0x80, v4, vm0, $0xb8;
	[tilespmem:$0x10100] =	vst v63  }
0x54: {  	v3 =	vperm.xlane v3, v2;
	s0 =	simm.s32 $0xA900  }
0x55: {  	[hbm4b:s8+s2] =	stream.indirect_vreg.scatter [tilespmem:s0], [sflag:$0x1], $0x80, v4, vm0, $0xb8;
	[tilespmem:$0x10100] =	vst v63  }
0x56: {  	v3 =	vadd.s32 v1, v3;
	s0 =	simm.s32 $0xB100  }
0x57: {  	[hbm4b:s9+s2] =	stream.indirect_vreg.scatter [tilespmem:s0], [sflag:$0x1], $0x80, v4, vm0, $0xb8;
	[tilespmem:$0x10100] =	vst v63  }
0x58: {  	s0 =	simm.s32 $0xB900  }
0x59: {  	[hbm4b:s10+s2] =	stream.indirect_vreg.scatter [tilespmem:s0], [sflag:$0x1], $0x80, v4, vm0, $0xb8;
	[tilespmem:$0x10100] =	vst v63  }
0x5a: {  	s0 =	simm.s32 $0xC100  }
0x5b: {  	[hbm4b:s3+s2] =	stream.indirect_vreg.scatter [tilespmem:s0], [sflag:$0x1], $0x80, v3, vm0, $0xb8;
	[tilespmem:$0x10100] =	vst v63  }
0x5c: {  	s0 =	simm.s32 $0xC900  }
0x5d: {  	[hbm4b:s4+s2] =	stream.indirect_vreg.scatter [tilespmem:s0], [sflag:$0x1], $0x80, v3, vm0, $0xb8;
	[tilespmem:$0x10100] =	vst v63  }
0x5e: {  	s0 =	simm.s32 $0xD100  }
0x5f: {  	[hbm4b:s5+s2] =	stream.indirect_vreg.scatter [tilespmem:s0], [sflag:$0x1], $0x80, v3, vm0, $0xb8;
	[tilespmem:$0x10100] =	vst v63  }
0x60: {  	s0 =	simm.s32 $0xD900  }
0x61: {  	[hbm4b:s6+s2] =	stream.indirect_vreg.scatter [tilespmem:s0], [sflag:$0x1], $0x80, v3, vm0, $0xb8;
	[tilespmem:$0x10100] =	vst v63  }
0x62: {  	s0 =	simm.s32 $0xE100  }
0x63: {  	[hbm4b:s7+s2] =	stream.indirect_vreg.scatter [tilespmem:s0], [sflag:$0x1], $0x80, v3, vm0, $0xb8;
	[tilespmem:$0x10100] =	vst v63  }
0x64: {  	s0 =	simm.s32 $0xE900  }
0x65: {  	[hbm4b:s8+s2] =	stream.indirect_vreg.scatter [tilespmem:s0], [sflag:$0x1], $0x80, v3, vm0, $0xb8;
	[tilespmem:$0x10100] =	vst v63  }
0x66: {  	s0 =	simm.s32 $0xF100  }
0x67: {  	[hbm4b:s9+s2] =	stream.indirect_vreg.scatter [tilespmem:s0], [sflag:$0x1], $0x80, v3, vm0, $0xb8;
	[tilespmem:$0x10100] =	vst v63  }
0x68: {  	s0 =	simm.s32 $0xF900  }
0x69: {  	[hbm4b:s10+s2] =	stream.indirect_vreg.scatter [tilespmem:s0], [sflag:$0x1], $0x80, v3, vm0, $0xb8;
	[tilespmem:$0x10100] =	vst v63  }
0x6a: {  	v3 =	vld [tilespmem:$0x80];
	_ =	sdelay $0x4  }
0x6b: {  	v62 =	vshll.u32 v3, $0x4  }
0x6c: {  	v3 =	vand.u32 $0x7, v3;
	v4 =	vand.u32 $0xFFFFFF80, v62  }
0x6d: {  	v3 =	vor.u32 v3, v4  }
0x6e: {  	v4 =	vperm.xlane v3, v0;
	_ =	sdelay $0x1  }
0x6f: {  	v4 =	vadd.s32 v1, v4;
	_ =	sdelay $0x4  }
0x70: {  	[hbm4b:s3+s2] =	stream.indirect_vreg.scatter [tilespmem:s26], [sflag:$0x2], $0x80, v4, vm0, $0xb8;
	[tilespmem:$0x10100] =	vst v63  }
0x71: {  	_ = 	snop  }
0x72: {  	[hbm4b:s4+s2] =	stream.indirect_vreg.scatter [tilespmem:s29], [sflag:$0x2], $0x80, v4, vm0, $0xb8;
	[tilespmem:$0x10100] =	vst v63  }
0x73: {  	_ = 	snop  }
0x74: {  	[hbm4b:s5+s2] =	stream.indirect_vreg.scatter [tilespmem:s30], [sflag:$0x2], $0x80, v4, vm0, $0xb8;
	[tilespmem:$0x10100] =	vst v63  }
0x75: {  	_ = 	snop  }
0x76: {  	[hbm4b:s6+s2] =	stream.indirect_vreg.scatter [tilespmem:s31], [sflag:$0x2], $0x80, v4, vm0, $0xb8;
	[tilespmem:$0x10100] =	vst v63  }
0x77: {  	_ = 	snop  }
0x78: {  	[hbm4b:s7+s2] =	stream.indirect_vreg.scatter [tilespmem:s1], [sflag:$0x2], $0x80, v4, vm0, $0xb8;
	[tilespmem:$0x10100] =	vst v63  }
0x79: {  	v3 =	vperm.xlane v3, v2;
	s29 =	simm.s32 $0x2900  }
0x7a: {  	[hbm4b:s8+s2] =	stream.indirect_vreg.scatter [tilespmem:s29], [sflag:$0x2], $0x80, v4, vm0, $0xb8;
	[tilespmem:$0x10100] =	vst v63  }
0x7b: {  	v3 =	vadd.s32 v1, v3  }
0x7c: {  	[hbm4b:s9+s2] =	stream.indirect_vreg.scatter [tilespmem:s14], [sflag:$0x2], $0x80, v4, vm0, $0xb8;
	[tilespmem:$0x10100] =	vst v63  }
0x7d: {  	_ = 	snop  }
0x7e: {  	[hbm4b:s10+s2] =	stream.indirect_vreg.scatter [tilespmem:s15], [sflag:$0x2], $0x80, v4, vm0, $0xb8;
	[tilespmem:$0x10100] =	vst v63  }
0x7f: {  	_ = 	snop  }
0x80: {  	[hbm4b:s3+s2] =	stream.indirect_vreg.scatter [tilespmem:s16], [sflag:$0x2], $0x80, v3, vm0, $0xb8;
	[tilespmem:$0x10100] =	vst v63  }
0x81: {  	_ = 	snop  }
0x82: {  	[hbm4b:s4+s2] =	stream.indirect_vreg.scatter [tilespmem:s17], [sflag:$0x2], $0x80, v3, vm0, $0xb8;
	[tilespmem:$0x10100] =	vst v63  }
0x83: {  	_ = 	snop  }
0x84: {  	[hbm4b:s5+s2] =	stream.indirect_vreg.scatter [tilespmem:s18], [sflag:$0x2], $0x80, v3, vm0, $0xb8;
	[tilespmem:$0x10100] =	vst v63  }
0x85: {  	_ = 	snop  }
0x86: {  	[hbm4b:s6+s2] =	stream.indirect_vreg.scatter [tilespmem:s19], [sflag:$0x2], $0x80, v3, vm0, $0xb8;
	[tilespmem:$0x10100] =	vst v63  }
0x87: {  	_ = 	snop  }
0x88: {  	[hbm4b:s7+s2] =	stream.indirect_vreg.scatter [tilespmem:s20], [sflag:$0x2], $0x80, v3, vm0, $0xb8;
	[tilespmem:$0x10100] =	vst v63  }
0x89: {  	_ = 	snop  }
0x8a: {  	[hbm4b:s8+s2] =	stream.indirect_vreg.scatter [tilespmem:s21], [sflag:$0x2], $0x80, v3, vm0, $0xb8;
	[tilespmem:$0x10100] =	vst v63  }
0x8b: {  	_ = 	snop  }
0x8c: {  	[hbm4b:s9+s2] =	stream.indirect_vreg.scatter [tilespmem:s22], [sflag:$0x2], $0x80, v3, vm0, $0xb8;
	[tilespmem:$0x10100] =	vst v63  }
0x8d: {  	_ = 	snop  }
0x8e: {  	[hbm4b:s10+s2] =	stream.indirect_vreg.scatter [tilespmem:s23], [sflag:$0x2], $0x80, v3, vm0, $0xb8;
	[tilespmem:$0x10100] =	vst v63  }
0x8f: {  	v3 =	vld [tilespmem:$0x90];
	_ =	sdelay $0x4  }
0x90: {  	v63 =	vshll.u32 v3, $0x4  }
0x91: {  	v3 =	vand.u32 $0x7, v3;
	v4 =	vand.u32 $0xFFFFFF80, v63  }
0x92: {  	v3 =	vor.u32 v3, v4  }
0x93: {  	v4 =	vperm.xlane v3, v0;
	_ =	sdelay $0x1  }
0x94: {  	v4 =	vadd.s32 v1, v4;
	_ =	sdelay $0x4  }
0x95: {  	[hbm4b:s3+s2] =	stream.indirect_vreg.scatter [tilespmem:s24], [sflag:$0x2], $0x80, v4, vm0, $0xb8;
	[tilespmem:$0x10100] =	vst v63  }
0x96: {  	_ = 	snop  }
0x97: {  	[hbm4b:s4+s2] =	stream.indirect_vreg.scatter [tilespmem:s25], [sflag:$0x2], $0x80, v4, vm0, $0xb8;
	[tilespmem:$0x10100] =	vst v63  }
0x98: {  	_ = 	snop  }
0x99: {  	[hbm4b:s5+s2] =	stream.indirect_vreg.scatter [tilespmem:s13], [sflag:$0x2], $0x80, v4, vm0, $0xb8;
	[tilespmem:$0x10100] =	vst v63  }
0x9a: {  	_ = 	snop  }
0x9b: {  	[hbm4b:s6+s2] =	stream.indirect_vreg.scatter [tilespmem:s28], [sflag:$0x2], $0x80, v4, vm0, $0xb8;
	[tilespmem:$0x10100] =	vst v63  }
0x9c: {  	s30 =	simm.s32 $0xA100  }
0x9d: {  	[hbm4b:s7+s2] =	stream.indirect_vreg.scatter [tilespmem:s30], [sflag:$0x2], $0x80, v4, vm0, $0xb8;
	[tilespmem:$0x10100] =	vst v63  }
0x9e: {  	s29 =	simm.s32 $0xA900;
	v3 =	vperm.xlane v3, v2  }
0x9f: {  	[hbm4b:s8+s2] =	stream.indirect_vreg.scatter [tilespmem:s29], [sflag:$0x2], $0x80, v4, vm0, $0xb8;
	[tilespmem:$0x10100] =	vst v63  }
0xa0: {  	v3 =	vadd.s32 v1, v3;
	s30 =	simm.s32 $0xB100  }
0xa1: {  	[hbm4b:s9+s2] =	stream.indirect_vreg.scatter [tilespmem:s30], [sflag:$0x2], $0x80, v4, vm0, $0xb8;
	[tilespmem:$0x10100] =	vst v63  }
0xa2: {  	s29 =	simm.s32 $0xB900  }
0xa3: {  	[hbm4b:s10+s2] =	stream.indirect_vreg.scatter [tilespmem:s29], [sflag:$0x2], $0x80, v4, vm0, $0xb8;
	[tilespmem:$0x10100] =	vst v63  }
0xa4: {  	s30 =	simm.s32 $0xC100  }
0xa5: {  	[hbm4b:s3+s2] =	stream.indirect_vreg.scatter [tilespmem:s30], [sflag:$0x2], $0x80, v3, vm0, $0xb8;
	[tilespmem:$0x10100] =	vst v63  }
0xa6: {  	s29 =	simm.s32 $0xC900  }
0xa7: {  	[hbm4b:s4+s2] =	stream.indirect_vreg.scatter [tilespmem:s29], [sflag:$0x2], $0x80, v3, vm0, $0xb8;
	[tilespmem:$0x10100] =	vst v63  }
0xa8: {  	s30 =	simm.s32 $0xD100  }
0xa9: {  	[hbm4b:s5+s2] =	stream.indirect_vreg.scatter [tilespmem:s30], [sflag:$0x2], $0x80, v3, vm0, $0xb8;
	[tilespmem:$0x10100] =	vst v63  }
0xaa: {  	s29 =	simm.s32 $0xD900  }
0xab: {  	[hbm4b:s6+s2] =	stream.indirect_vreg.scatter [tilespmem:s29], [sflag:$0x2], $0x80, v3, vm0, $0xb8;
	[tilespmem:$0x10100] =	vst v63  }
0xac: {  	s30 =	simm.s32 $0xE100  }
0xad: {  	[hbm4b:s7+s2] =	stream.indirect_vreg.scatter [tilespmem:s30], [sflag:$0x2], $0x80, v3, vm0, $0xb8;
	[tilespmem:$0x10100] =	vst v63  }
0xae: {  	s29 =	simm.s32 $0xE900  }
0xaf: {  	[hbm4b:s8+s2] =	stream.indirect_vreg.scatter [tilespmem:s29], [sflag:$0x2], $0x80, v3, vm0, $0xb8;
	[tilespmem:$0x10100] =	vst v63  }
0xb0: {  	s30 =	simm.s32 $0xF100  }
0xb1: {  	[hbm4b:s9+s2] =	stream.indirect_vreg.scatter [tilespmem:s30], [sflag:$0x2], $0x80, v3, vm0, $0xb8;
	[tilespmem:$0x10100] =	vst v63  }
0xb2: {  	s0 =	simm.s32 $0xF900;
	s29 =	simm.s32 $0x1  }
0xb3: {  	[hbm4b:s10+s2] =	stream.indirect_vreg.scatter [tilespmem:s0], [sflag:$0x2], $0x80, v3, vm0, $0xb8;
	[tilespmem:$0x10100] =	vst v63  }
0xb4: {  	p0 =	sne.s32 s11, $0x1;
	_ =	swait.ge [sflag:s29], $0x10000  }
.Ltmp0:
0xb5: {  	[sflag:s29] =	ssyncset.done $0x0;
	(pc) =	sbr.rel @p0 .LBB2_1-.Ltmp0, $4  }
0xb6: {  	s30 =	simm.s32 $0x2;
	[sflag:s29] =	ssyncadd.s32 $0xFFFF0000  }
0xb7: {  	_ =	swait.ge [sflag:s30], $0x10000  }
0xb8: {  	[sflag:s30] =	ssyncset.done $0x0  }
0xb9: {  	s11 =	sadd.s32 $0xFFFFFFFF, s11;
	[sflag:s30] =	ssyncadd.s32 $0xFFFF0000  }
0xba: {  	_ =	sfence.sel $0x180000  }
0xbb: {  	[bflag:$0x0] =	sbarrier.arrive $0xFFFF  }
0xbc: {  	_ =	strace $0x90000047  }
0xbd: {  	s0 =	stileid.u32;
	[bflag:$0x2] =	sbarrier.arrive $0xFFFF  }
0xbe: {  	p0 =	sne.s32 s0, $0x0;
	s0 =	rddreg [dreg:$0x2]  }
0xbf: {  	s0 =	sadd.s32 @!p0 $0x100000, s0  }
0xc0: {  	[sflag:s0] =	ssyncadd.tile.s32 @!p0 $0x1;
	_ =	shalt  }
.Lfunc_end2:
_tile_overlayer_lowered:
.L_overlay_start_2:
0xc1: {  	(tag) =	ssettag $0x2  }
0xc2: {  	s0 =	rddreg [dreg:$0x0];
	s2 =	stileid.u32  }
0xc3: {  	s1 =	rddreg [dreg:$0x1];
	p0 =	sne.s32 s2, $0x0  }
0xc4: {  	s3 =	rddreg [dreg:$0x2];
	[bflag:$0x3] =	sbarrier.arrive $0xFFFF;
	s2 =	simm.s32 @!p0 $0x1C03  }
0xc5: {  	[timem:s3], [sflag:s2] =	dma.local @!p0 [hbm:s0], s1  }
0xc6: {  	s0 =	simm.s32 @!p0 $0x3  }
0xc7: {  	_ =	swait.ge @!p0 [sflag:s0], s1  }
0xc8: {  	s1 =	ssub.s32 @!p0 $0x0, s1;
	[sflag:s0] =	ssyncset.done @!p0 $0x0  }
0xc9: {  	[sflag:s0] =	ssyncadd.s32 @!p0 s1  }
0xca: {  	[bflag:$0x3] =	sbarrier.arrive $0xFFFF  }
0xcb: {  	_ =	shalt  }

// kernel: kernel.9.cloned.1.call-start
scs
__scs_entry_jumppad:
0x0: {  	(pc) =	sbr.rel $0x88, $3  }
0x1: {  	(tag) =	ssettag $0x0;
	lr =	simm.s32 $0x1  }
0x2: {  	[smem:$0x3F9C] =	sst lr;
	_ =	strace $0xD0000000  }
0x3: {  	_ = 	snop  }
0x4: {  	_ = 	snop  }
0x5: {  	_ = 	snop  }
0x6: {  	_ = 	snop  }
0x7: {  	_ = 	snop  }
__scs_overlays_trampoline_lowered:
0x8: {  	[smem:$0x3FAB] =	sst s0  }
0x9: {  	[smem:$0x3FAC] =	sst s1  }
0xa: {  	[smem:$0x3FAD] =	sst s2  }
0xb: {  	[smem:$0x3FAE] =	sst s3  }
0xc: {  	[smem:$0x3FAF] =	sst s4  }
0xd: {  	[smem:$0x3FB0] =	sst s5  }
0xe: {  	[smem:$0x3FB1] =	sst s6  }
0xf: {  	[smem:$0x3FB2] =	sst s7  }
0x10: {  	[smem:$0x3FB3] =	sst s8  }
0x11: {  	[smem:$0x3FB4] =	sst s9;
	s0 =	simm.s32 @!p0 $0x0  }
0x12: {  	s1 =	sld [smem:$0x3F9A];
	s0 =	simm.s32 @p0 $0x1  }
0x13: {  	[smem:$0x3FB5] =	sst s0;
	s0 =	simm.s32 @!p1 $0x0  }
0x14: {  	s2 =	sld [smem:$0x3F99];
	s0 =	simm.s32 @p1 $0x1  }
0x15: {  	[smem:$0x3FB6] =	sst s0;
	s0 =	simm.s32 @!p2 $0x0  }
0x16: {  	s3 =	sld [smem:$0x3FDB];
	s0 =	simm.s32 @p2 $0x1  }
0x17: {  	s4 =	simm.s32 $0x1BF5;
	[smem:$0x3FB8] =	sst s0  }
0x18: {  	s0 =	sld [smem:$0x3F9B];
	_ =	swait.ge [sflag:s4], $0x0  }
0x19: {  	s7 =	sld [smem:$0x3F9C]  }
0x1a: {  	s8 =	sadd.s32 $0xFFFFE003, lr  }
0x1b: {  	s9 =	sadd.s32 $0xFFFFFEF7, lr;
	s5 =	simm.s32 $0xFFFFFFFF;
	p2 =	slt.u32 s8, $0xFFFFF086  }
0x1c: {  	p1 =	slt.u32 s9, $0xF7A;
	s5 =	simm.s32 @!p2 $0x0  }
0x1d: {  	s5 =	simm.s32 @p1 $0x1;
	p0 =	seq.s32 s7, s2  }
0x1e: {  	s7 =	smul.u32 @!p0 $0xF7A, s2;
	p2 =	seq.s32 @!p0 s5, $0x0  }
0x1f: {  	s9 =	smul.u32 $0xF7A, s1;
	s8 =	simm.s32 @!p0 $0x1BF5;
	p2 =	por !p2, p0  }
0x20: {  	[sflag:s8] =	ssyncset.s32 @!p0 $0xFFFFF086;
	s6 =	sadd.s32 @!p0 s3, s7;
	s7 =	simm.s32 @!p0 $0x108  }
0x21: {  	s3 =	sadd.s32 s3, s9;
	s6 =	sadd.s32 @!p0 $0x88, s6;
	s7 =	simm.s32 @p2 $0x1082  }
0x22: {  	[simem:s7], [sflag:s8] =	dma.local @!p0 [hbm:s6], $0xF7A  }
0x23: {  	s9 =	sor.u32 $0xD0000000, s2;
	s6 =	simm.s32 $0x108;
	_ =	swait.ge @!p0 [sflag:s8], $0x0  }
0x24: {  	s3 =	sadd.s32 $0x88, s3;
	s6 =	simm.s32 @!p1 $0x1082;
	[sflag:s4] =	ssyncset.s32 $0xFFFFF086  }
0x25: {  	[simem:s6], [sflag:s4] =	dma.local [hbm:s3], $0xF7A  }
0x26: {  	[smem:$0x3F9C] =	sst s1;
	(tag) =	ssettag s2;
	_ =	strace s9  }
0x27: {  	s1 =	sld [smem:$0x3FAC]  }
0x28: {  	s2 =	sld [smem:$0x3FAD]  }
0x29: {  	s4 =	sld [smem:$0x3FAF]  }
0x2a: {  	p0 =	seq.s32 s5, $0x0;
	s5 =	sld [smem:$0x3FB0]  }
0x2b: {  	s6 =	sld [smem:$0x3FB1]  }
0x2c: {  	s7 =	sld [smem:$0x3FB2]  }
0x2d: {  	s3 =	simm.s32 $0x108;
	s8 =	sld [smem:$0x3FB3]  }
0x2e: {  	s3 =	simm.s32 @!p0 $0x1082;
	s9 =	sld [smem:$0x3FB4]  }
0x2f: {  	lr =	sadd.s32 s0, s3;
	s0 =	sld [smem:$0x3FAB]  }
0x30: {  	s3 =	sld [smem:$0x3FAE]  }
0x31: {  	[smem:$0x3FB7] =	sst s10  }
0x32: {  	s10 =	sld [smem:$0x3FB5];
	_ =	sdelay $0x3  }
0x33: {  	p0 =	seq.s32 s10, $0x1;
	s10 =	sld [smem:$0x3FB7];
	_ =	sdelay $0x3  }
0x34: {  	[smem:$0x3FB7] =	sst s10  }
0x35: {  	s10 =	sld [smem:$0x3FB6];
	_ =	sdelay $0x3  }
0x36: {  	p1 =	seq.s32 s10, $0x1;
	s10 =	sld [smem:$0x3FB7];
	_ =	sdelay $0x3  }
0x37: {  	[smem:$0x3FB7] =	sst s10  }
0x38: {  	s10 =	sld [smem:$0x3FB8]  }
0x39: {  	_ = 	snop;
	(pc) =	sbr.ind lr, $3  }
0x3a: {  	_ = 	snop  }
0x3b: {  	_ = 	snop  }
0x3c: {  	p2 =	seq.s32 s10, $0x1;
	s10 =	sld [smem:$0x3FB7]  }
0x3d: {  	_ =	shalt  }
0x3e: {  	_ =	shalt  }
0x3f: {  	_ =	shalt  }
0x40: {  	_ =	shalt  }
0x41: {  	_ =	shalt  }
0x42: {  	_ =	shalt  }
0x43: {  	_ =	shalt  }
0x44: {  	_ =	shalt  }
0x45: {  	_ =	shalt  }
0x46: {  	_ =	shalt  }
0x47: {  	_ =	shalt  }
0x48: {  	_ =	shalt  }
0x49: {  	_ =	shalt  }
0x4a: {  	_ =	shalt  }
0x4b: {  	_ =	shalt  }
0x4c: {  	_ =	shalt  }
0x4d: {  	_ =	shalt  }
0x4e: {  	_ =	shalt  }
0x4f: {  	_ =	shalt  }
0x50: {  	_ =	shalt  }
0x51: {  	_ =	shalt  }
0x52: {  	_ =	shalt  }
0x53: {  	_ =	shalt  }
0x54: {  	_ =	shalt  }
0x55: {  	_ =	shalt  }
0x56: {  	_ =	shalt  }
0x57: {  	_ =	shalt  }
0x58: {  	_ =	shalt  }
0x59: {  	_ =	shalt  }
0x5a: {  	_ =	shalt  }
0x5b: {  	_ =	shalt  }
0x5c: {  	_ =	shalt  }
0x5d: {  	_ =	shalt  }
0x5e: {  	_ =	shalt  }
0x5f: {  	_ =	shalt  }
0x60: {  	_ =	shalt  }
0x61: {  	_ =	shalt  }
0x62: {  	_ =	shalt  }
0x63: {  	_ =	shalt  }
0x64: {  	_ =	shalt  }
0x65: {  	_ =	shalt  }
0x66: {  	_ =	shalt  }
0x67: {  	_ =	shalt  }
0x68: {  	_ =	shalt  }
0x69: {  	_ =	shalt  }
0x6a: {  	_ =	shalt  }
0x6b: {  	_ =	shalt  }
0x6c: {  	_ =	shalt  }
0x6d: {  	_ =	shalt  }
0x6e: {  	_ =	shalt  }
0x6f: {  	_ =	shalt  }
0x70: {  	_ =	shalt  }
0x71: {  	_ =	shalt  }
0x72: {  	_ =	shalt  }
0x73: {  	_ =	shalt  }
0x74: {  	_ =	shalt  }
0x75: {  	_ =	shalt  }
0x76: {  	_ =	shalt  }
0x77: {  	_ =	shalt  }
0x78: {  	_ =	shalt  }
0x79: {  	_ =	shalt  }
0x7a: {  	_ =	shalt  }
0x7b: {  	_ =	shalt  }
0x7c: {  	_ =	shalt  }
0x7d: {  	_ =	shalt  }
0x7e: {  	_ =	shalt  }
0x7f: {  	_ =	shalt  }
0x80: {  	_ =	shalt  }
0x81: {  	_ =	shalt  }
0x82: {  	_ =	shalt  }
0x83: {  	_ =	shalt  }
0x84: {  	_ =	shalt  }
0x85: {  	_ =	shalt  }
0x86: {  	_ =	shalt  }
0x87: {  	_ =	shalt  }
.Lfunc_end0:
.L_simem_size_0:
called_computation.1_lowered:
.L_overlay_start_0:
0x88: {  	s2 =	sld [smem:$0x3FD9]  }
0x89: {  	s3 =	sld [smem:$0x3FFE];
	_ =	sdelay $0x1  }
0x8a: {  	s1 =	srdreg.scid  }
0x8b: {  	s0 =	sand.u32 $0x1, s1  }
0x8c: {  	s17 =	sshll.u32 s0, $0xA;
	s2 =	sadd.s32 s3, s2  }
0x8d: {  	s2 =	sadd.s32 s2, s17  }
0x8e: {  	[smem:$0x3FC3] =	sst s2  }
0x8f: {  	_ = 	snop  }
0x90: {  	s2 =	sld [smem:$0x3FD0];
	(tm) =	ssettm $0x1  }
0x91: {  	s18 =	sld [smem:$0x3FFB];
	_ =	sdelay $0x3  }
0x92: {  	_ =	strace s18  }
0x93: {  	s3 =	sld [smem:$0x3FFC];
	_ =	sdelay $0x3  }
0x94: {  	_ =	strace s3  }
0x95: {  	s3 =	sld [smem:$0x3FFD];
	_ =	sdelay $0x3  }
0x96: {  	_ =	strace s3  }
0x97: {  	_ =	strace $0x8FFFFFFF  }
0x98: {  	s19 =	sld [smem:$0x3FDB];
	_ =	sdelay $0x1  }
0x99: {  	s4 =	simm.s32 $_scs_section_size  }
0x9a: {  	s5 =	simm.s32 $_size__tile_overlayer_lowered;
	s6 =	simm.s32 $_tile_overlayer_lowered  }
0x9b: {  	s22 =	simm.s32 $0x1BFF;
	s21 =	sshll.u32 s6, $0x1;
	s3 =	sadd.s32 s4, s19  }
0x9c: {  	s7 =	simm.s32 $0x0;
	s20 =	sshll.u32 s5, $0x1;
	s5 =	sadd.s32 s21, s3  }
0x9d: {  	[timem:s7], [sflag:s22] =	dma.local [hbm:s5], s20  }
0x9e: {  	_ =	swait.ge [sflag:s22], s20  }
0x9f: {  	s4 =	ssub.s32 $0x0, s20;
	[sflag:s22] =	ssyncset.done $0x0  }
0xa0: {  	[sflag:s22] =	ssyncadd.s32 s4;
	_ =	sdelay $0x1  }
0xa1: {  	s23 =	simm.s32 $0x1B8B  }
0xa2: {  	_ =	swait.ge [sflag:s23], $0x1  }
0xa3: {  	[sflag:s23] =	ssyncset.done $0x0  }
0xa4: {  	s25 =	simm.s32 $0x1B8E;
	s24 =	sld [smem:$0x3FFE];
	[sflag:s23] =	ssyncadd.s32 $0xFFFFFFFF  }
0xa5: {  	s26 =	simm.s32 $execute0_lowered;
	[smem:$0x3FD2] =	sst s25  }
0xa6: {  	s5 =	sshll.u32 s26, $0x1;
	_ =	strace $0x80000049;
	[dreg:$0x1] =	wrdreg $0xFFFFFFFF  }
0xa7: {  	s28 =	simm.s32 $_size_execute0_lowered;
	s3 =	sadd.s32 s3, s5;
	[dreg:$0x0] =	wrdreg $0x0  }
0xa8: {  	s5 =	sshll.u32 s28, $0x1;
	[dreg:$0x2] =	wrdreg s3  }
0xa9: {  	[dreg:$0x3] =	wrdreg s5  }
0xaa: {  	[dreg:$0x4] =	wrdreg $0xC0  }
0xab: {  	_ =	task [dreg:s7], $0x5FFFF  }
0xac: {  	[dreg:$0x1] =	wrdreg $0xFFFFFFFF  }
0xad: {  	[dreg:$0x0] =	wrdreg $0x60  }
0xae: {  	[dreg:$0x2] =	wrdreg s24  }
0xaf: {  	[dreg:$0x3] =	wrdreg s2  }
0xb0: {  	[dreg:$0x4] =	wrdreg $0x9  }
0xb1: {  	_ =	task.clear_ibuf [dreg:s7], $0x5FFFF;
	_ =	strace $0x90000049  }
0xb2: {  	s29 =	simm.s32 $0x9;
	_ =	strace $0x8000004B  }
0xb3: {  	_ =	swait.ge [sflag:s29], $0x1  }
0xb4: {  	[sflag:s29] =	ssyncadd.s32 $0xFFFFFFFF  }
0xb5: {  	_ =	strace $0x9000004B  }
0xb6: {  	_ =	sfence  }
0xb7: {  	s30 =	sld [smem:$0x0];
	_ =	sdelay $0x2  }
0xb8: {  	s31 =	sshll.u32 s1, $0xD;
	s1 =	sshrl.u32 s1, $0x2  }
0xb9: {  	s3 =	sand.u32 $0x4000, s31;
	s1 =	sadd.s32 s1, s30  }
0xba: {  	s0 =	sor.u32 s3, s0;
	s1 =	sshll.u32 s1, $0x11  }
0xbb: {  	s0 =	sor.u32 s1, s0  }
0xbc: {  	s0 =	sadd.s32 $0x8F2B, s0  }
0xbd: {  	[sflag:s0] =	ssyncadd.remote.s32 $0x1  }
0xbe: {  	_ =	sfence.sel $0xFFFF  }
0xbf: {  	[dreg:$0x0] =	wrdreg $0xFFFFFFFF;
	(pc) =	sbr.abs _section_cstart, $3  }
0xc0: {  	[dreg:$0x1] =	wrdreg $0xFFFFFFFF  }
0xc1: {  	_ =	task.clear_ibuf [dreg:s7], $0x2FFFF;
	_ =	strace $0x9FFFFFFF  }
0xc2: {  	(tm) =	ssettm $0x7FFFFFFF  }
0xc3: {  	_ =	shalt  }
tec
execute0_lowered:
.L_overlay_start_1:
0x0: {  	(tag) =	ssettag $0x1  }
0x1: {  	s0 =	rddreg [dreg:$0x0]  }
0x2: {  	s1 =	rddreg [dreg:$0x1]  }
0x3: {  	s3 =	srdreg.scid;
	s2 =	simm.s32 $0x0;
	s5 =	stileid.u32  }
0x4: {  	s12 =	simm.s32 $0x7;
	s28 =	simm.s32 $0x5900;
	s29 =	simm.s32 $0x8100  }
0x5: {  	s30 =	simm.s32 $0x8900;
	s31 =	simm.s32 $0x9100;
	s13 =	simm.s32 $0x2  }
0x6: {  	s14 =	simm.s32 $0xA100;
	s15 =	simm.s32 $0x3;
	s16 =	simm.s32 $0x4  }
0x7: {  	s17 =	simm.s32 $0xC100;
	s18 =	simm.s32 $0x5;
	s19 =	simm.s32 $0x6  }
0x8: {  	s20 =	simm.s32 $0x0;
	s4 =	sand.u32 $0x1, s3;
	[smem:$0x7FF] =	sst s2  }
0x9: {  	s5 =	sshll.u32 s5, $0x6;
	s3 =	sadd.s32 $0x9E00, s0;
	s6 =	sshll.u32 s4, $0x5  }
0xa: {  	s9 =	sadd.s32 $0x9F00, s0;
	s4 =	ssub.s32 $0x2, s4;
	s5 =	sor.u32 s6, s5  }
0xb: {  	_ =	strace $0x8000004A;
	s25 =	sshrl.u32 s4, $0x1;
	s6 =	sshrl.u32 s5, $0x3  }
0xc: {  	s7 =	sshll.u32 s5, $0x4;
	s11 =	ssub.s32 s4, s25;
	s26 =	sshll.u32 s5, $0x6  }
0xd: {  	s6 =	sadd.s32 s6, s0;
	s8 =	sadd.s32 s7, s0;
	s7 =	sadd.s32 s1, s26  }
0xe: {  	v2 =	vlaneseq.u32;
	s11 =	smax.u32 s11, $0x1;
	s26 =	simm.s32 $0x5100;
	s0 =	simm.s32 $0x9900  }
0xf: {  	vm0 =	vmmov $0xffff;
	v1 =	vshrl.u32 v2, $0x3;
	s1 =	simm.s32 $0x1;
	s4 =	sadd.s32 $0x1A00, s6;
	s5 =	sadd.s32 $0x1C00, s6  }
0x10: {  	v0 =	vand.u32 $0x7, v2;
	v2 =	vor.u32 $0x8, v2;
	v1 =	vmul.u32 $0x8, v1;
	s6 =	sadd.s32 $0x1E00, s8;
	s8 =	sadd.s32 $0x5E00, s8;
	s10 =	sadd.s32 $0x400, s7  }
.LBB2_1:
0x11: {  	[tilespmem:s2], [sflag:$0x7] =	stream.linear.gather [hbm4b:s4+s2], $0x20, $0x38;
	[tilespmem:$0xE100] =	vst v63  }
0x12: {  	_ =	swait.ge [sflag:s12], $0x20  }
0x13: {  	[sflag:s12] =	ssyncset.done $0x0  }
0x14: {  	s21 =	simm.s32 $0x80;
	[sflag:s12] =	ssyncadd.s32 $0xFFFFFFE0  }
0x15: {  	[tilespmem:s21], [sflag:$0x7] =	stream.linear.gather [hbm4b:s5+s2], $0x20, $0x38;
	[tilespmem:$0xE100] =	vst v63  }
0x16: {  	_ =	swait.ge [sflag:s12], $0x20  }
0x17: {  	[sflag:s12] =	ssyncset.done $0x0  }
0x18: {  	s25 =	simm.s32 $0x100;
	[sflag:s12] =	ssyncadd.s32 $0xFFFFFFE0  }
0x19: {  	[tilespmem:s25], [sflag:$0x7] =	stream.linear.gather [hbm4b:s6+s2], $0x1000, $0x38;
	[tilespmem:$0xE100] =	vst v63  }
0x1a: {  	_ =	swait.ge [sflag:s12], $0x1000  }
0x1b: {  	[sflag:s12] =	ssyncset.done $0x0  }
0x1c: {  	s22 =	simm.s32 $0x1100;
	[sflag:s12] =	ssyncadd.s32 $0xFFFFF000  }
0x1d: {  	[tilespmem:s22], [sflag:$0x7] =	stream.linear.gather [hbm4b:s8+s2], $0x1000, $0x38;
	[tilespmem:$0xE100] =	vst v63  }
0x1e: {  	_ =	swait.ge [sflag:s12], $0x1000  }
0x1f: {  	[sflag:s12] =	ssyncset.done $0x0  }
0x20: {  	[sflag:s12] =	ssyncadd.s32 $0xFFFFF000  }
0x21: {  	v3 =	vld [tilespmem:$0x0];
	_ =	sdelay $0x4  }
0x22: {  	v4 =	vshll.u32 v3, $0x2  }
0x23: {  	v3 =	vand.u32 $0x7, v3;
	v4 =	vand.u32 $0xFFFFFFE0, v4  }
0x24: {  	v3 =	vor.u32 v3, v4  }
0x25: {  	v4 =	vperm.xlane v3, v0;
	_ =	sdelay $0x1  }
0x26: {  	v4 =	vadd.s32 v1, v4;
	_ =	sdelay $0x1  }
0x27: {  	v3 =	vperm.xlane v3, v2;
	_ =	sdelay $0x1  }
0x28: {  	s23 =	simm.s32 $0x2100;
	v3 =	vadd.s32 v1, v3  }
0x29: {  	[tilespmem:s23], [sflag:$0x1] =	stream.indirect_vreg.gather [hbm4b:s3+s2], $0x80, v4, vm0, $0xb8;
	[tilespmem:$0xE100] =	vst v63  }
0x2a: {  	s24 =	simm.s32 $0x2900  }
0x2b: {  	[tilespmem:s24], [sflag:$0x1] =	stream.indirect_vreg.gather [hbm4b:s9+s2], $0x80, v4, vm0, $0xb8;
	[tilespmem:$0xE100] =	vst v63  }
0x2c: {  	s25 =	simm.s32 $0x3100  }
0x2d: {  	[tilespmem:s25], [sflag:$0x1] =	stream.indirect_vreg.gather [hbm4b:s3+s2], $0x80, v3, vm0, $0xb8;
	[tilespmem:$0xE100] =	vst v63  }
0x2e: {  	s22 =	simm.s32 $0x3900  }
0x2f: {  	[tilespmem:s22], [sflag:$0x1] =	stream.indirect_vreg.gather [hbm4b:s9+s2], $0x80, v3, vm0, $0xb8;
	[tilespmem:$0xE100] =	vst v63  }
0x30: {  	v3 =	vld [tilespmem:$0x80];
	_ =	sdelay $0x4  }
0x31: {  	v4 =	vshll.u32 v3, $0x2  }
0x32: {  	v3 =	vand.u32 $0x7, v3;
	v4 =	vand.u32 $0xFFFFFFE0, v4  }
0x33: {  	v3 =	vor.u32 v3, v4  }
0x34: {  	v4 =	vperm.xlane v3, v0;
	_ =	sdelay $0x1  }
0x35: {  	v4 =	vadd.s32 v1, v4;
	_ =	sdelay $0x1  }
0x36: {  	v3 =	vperm.xlane v3, v2;
	_ =	sdelay $0x1  }
0x37: {  	s23 =	simm.s32 $0x6100;
	v3 =	vadd.s32 v1, v3  }
0x38: {  	[tilespmem:s23], [sflag:$0x2] =	stream.indirect_vreg.gather [hbm4b:s3+s2], $0x80, v4, vm0, $0xb8;
	[tilespmem:$0xE100] =	vst v63  }
0x39: {  	s24 =	simm.s32 $0x6900  }
0x3a: {  	[tilespmem:s24], [sflag:$0x2] =	stream.indirect_vreg.gather [hbm4b:s9+s2], $0x80, v4, vm0, $0xb8;
	[tilespmem:$0xE100] =	vst v63  }
0x3b: {  	s25 =	simm.s32 $0x7100  }
0x3c: {  	[tilespmem:s25], [sflag:$0x2] =	stream.indirect_vreg.gather [hbm4b:s3+s2], $0x80, v3, vm0, $0xb8;
	[tilespmem:$0xE100] =	vst v63  }
0x3d: {  	s22 =	simm.s32 $0x7900  }
0x3e: {  	[tilespmem:s22], [sflag:$0x2] =	stream.indirect_vreg.gather [hbm4b:s9+s2], $0x80, v3, vm0, $0xb8;
	[tilespmem:$0xE100] =	vst v63  }
0x3f: {  	v3 =	vld [tilespmem:$0x10];
	_ =	sdelay $0x4  }
0x40: {  	v4 =	vshll.u32 v3, $0x2  }
0x41: {  	v3 =	vand.u32 $0x7, v3;
	v4 =	vand.u32 $0xFFFFFFE0, v4  }
0x42: {  	v3 =	vor.u32 v3, v4  }
0x43: {  	v4 =	vperm.xlane v3, v0;
	_ =	sdelay $0x1  }
0x44: {  	v4 =	vadd.s32 v1, v4;
	_ =	sdelay $0x1  }
0x45: {  	v3 =	vperm.xlane v3, v2;
	_ =	sdelay $0x1  }
0x46: {  	s23 =	simm.s32 $0x4100;
	v3 =	vadd.s32 v1, v3  }
0x47: {  	[tilespmem:s23], [sflag:$0x3] =	stream.indirect_vreg.gather [hbm4b:s3+s2], $0x80, v4, vm0, $0xb8;
	[tilespmem:$0xE100] =	vst v63  }
0x48: {  	s24 =	simm.s32 $0x4900  }
0x49: {  	[tilespmem:s24], [sflag:$0x3] =	stream.indirect_vreg.gather [hbm4b:s9+s2], $0x80, v4, vm0, $0xb8;
	[tilespmem:$0xE100] =	vst v63  }
0x4a: {  	_ = 	snop  }
0x4b: {  	[tilespmem:s26], [sflag:$0x3] =	stream.indirect_vreg.gather [hbm4b:s3+s2], $0x80, v3, vm0, $0xb8;
	[tilespmem:$0xE100] =	vst v63  }
0x4c: {  	_ = 	snop  }
0x4d: {  	[tilespmem:s28], [sflag:$0x3] =	stream.indirect_vreg.gather [hbm4b:s9+s2], $0x80, v3, vm0, $0xb8;
	[tilespmem:$0xE100] =	vst v63  }
0x4e: {  	v3 =	vld [tilespmem:$0x90];
	_ =	sdelay $0x4  }
0x4f: {  	v4 =	vshll.u32 v3, $0x2  }
0x50: {  	v3 =	vand.u32 $0x7, v3;
	v4 =	vand.u32 $0xFFFFFFE0, v4  }
0x51: {  	v3 =	vor.u32 v3, v4  }
0x52: {  	v4 =	vperm.xlane v3, v0;
	_ =	sdelay $0x1  }
0x53: {  	v4 =	vadd.s32 v1, v4;
	_ =	sdelay $0x1  }
0x54: {  	v3 =	vperm.xlane v3, v2;
	_ =	sdelay $0x1  }
0x55: {  	v3 =	vadd.s32 v1, v3  }
0x56: {  	[tilespmem:s29], [sflag:$0x4] =	stream.indirect_vreg.gather [hbm4b:s3+s2], $0x80, v4, vm0, $0xb8;
	[tilespmem:$0xE100] =	vst v63  }
0x57: {  	_ = 	snop  }
0x58: {  	[tilespmem:s30], [sflag:$0x4] =	stream.indirect_vreg.gather [hbm4b:s9+s2], $0x80, v4, vm0, $0xb8;
	[tilespmem:$0xE100] =	vst v63  }
0x59: {  	_ = 	snop  }
0x5a: {  	[tilespmem:s31], [sflag:$0x4] =	stream.indirect_vreg.gather [hbm4b:s3+s2], $0x80, v3, vm0, $0xb8;
	[tilespmem:$0xE100] =	vst v63  }
0x5b: {  	_ = 	snop  }
0x5c: {  	[tilespmem:s0], [sflag:$0x4] =	stream.indirect_vreg.gather [hbm4b:s9+s2], $0x80, v3, vm0, $0xb8;
	[tilespmem:$0xE100] =	vst v63  }
0x5d: {  	_ =	swait.ge [sflag:s1], $0x2000  }
0x5e: {  	[sflag:s1] =	ssyncset.done $0x0  }
0x5f: {  	[sflag:s1] =	ssyncadd.s32 $0xFFFFE000  }
0x60: {  	_ =	swait.ge [sflag:s13], $0x2000  }
0x61: {  	s25 =	sand.u32 $0x1000, s2;
	s22 =	sand.u32 $0x380, s2;
	[sflag:s13] =	ssyncset.done $0x0  }
0x62: {  	s21 =	sor.u32 s22, s25;
	[sflag:s13] =	ssyncadd.s32 $0xFFFFE000  }
0x63: {  	v3 =	vld [tilespmem:s21+$0x2100]  }
0x64: {  	v14 =	vld [tilespmem:s21+$0x2110]  }
0x65: {  	v15 =	vld [tilespmem:s21+$0x6110]  }
0x66: {  	v19 =	vld [tilespmem:s21+$0x2120]  }
0x67: {  	v18 =	vld [tilespmem:s21+$0x6120]  }
0x68: {  	v23 =	vld [tilespmem:s21+$0x2130]  }
0x69: {  	v22 =	vld [tilespmem:s21+$0x6130]  }
0x6a: {  	v25 =	vld [tilespmem:s21+$0x2140]  }
0x6b: {  	v24 =	vld [tilespmem:s21+$0x6140]  }
0x6c: {  	v27 =	vld [tilespmem:s21+$0x2150]  }
0x6d: {  	v26 =	vld [tilespmem:s21+$0x6150]  }
0x6e: {  	v29 =	vld [tilespmem:s21+$0x2160]  }
0x6f: {  	v28 =	vld [tilespmem:s21+$0x6160]  }
0x70: {  	v30 =	vld [tilespmem:s21+$0x2170]  }
0x71: {  	v31 =	vld [tilespmem:s21+$0x6170]  }
0x72: {  	v33 =	vld [tilespmem:s21+$0x2500]  }
0x73: {  	v32 =	vld [tilespmem:s21+$0x6500]  }
0x74: {  	v35 =	vld [tilespmem:s21+$0x2510]  }
0x75: {  	v34 =	vld [tilespmem:s21+$0x6510]  }
0x76: {  	v5 =	vld [tilespmem:s21+$0x2520]  }
0x77: {  	v4 =	vld [tilespmem:s21+$0x6520]  }
0x78: {  	v7 =	vld [tilespmem:s21+$0x2530]  }
0x79: {  	v6 =	vld [tilespmem:s21+$0x6530]  }
0x7a: {  	v9 =	vld [tilespmem:s21+$0x2540]  }
0x7b: {  	v8 =	vld [tilespmem:s21+$0x6540]  }
0x7c: {  	v11 =	vld [tilespmem:s21+$0x2550]  }
0x7d: {  	v10 =	vld [tilespmem:s21+$0x6550]  }
0x7e: {  	v13 =	vld [tilespmem:s21+$0x2560]  }
0x7f: {  	v12 =	vld [tilespmem:s21+$0x6560]  }
0x80: {  	v17 =	vld [tilespmem:s21+$0x2570]  }
0x81: {  	v16 =	vld [tilespmem:s21+$0x6570]  }
0x82: {  	v36 =	vld [tilespmem:s21+$0x2970]  }
0x83: {  	s22 =	simm.s32 $0x80;
	s23 =	simm.s32 $0x0;
	s24 =	simm.s32 $0x0;
	v37 =	vld [tilespmem:s21+$0x6970]  }
.LBB2_2:
0x84: {  	p0 =	sne.s32 s22, $0x780;
	v21 =	vld [tilespmem:s24+$0x100]  }
0x85: {  	v20 =	vld [tilespmem:s24+$0x1100]  }
0x86: {  	v38 =	vld [tilespmem:s21+$0x2900]  }
0x87: {  	v39 =	vld [tilespmem:s21+$0x6900]  }
0x88: {  	v40 =	vld [tilespmem:s21+$0x2910]  }
0x89: {  	v33 =	vmul.f32 v33, v21;
	v35 =	vmul.f32 v35, v21;
	v41 =	vld [tilespmem:s21+$0x2920]  }
0x8a: {  	v36 =	vmul.f32 v36, v21;
	v42 =	vld [tilespmem:s21+$0x2930];
	v37 =	vmul.f32 v37, v20  }
0x8b: {  	v32 =	vmul.f32 v32, v20;
	v34 =	vmul.f32 v34, v20;
	v43 =	vld [tilespmem:s21+$0x2940]  }
0x8c: {  	v30 =	vmul.f32 v30, v21;
	v31 =	vmul.f32 v31, v20;
	v44 =	vld [tilespmem:s21+$0x2950];
	v36 =	vadd.f32 v37, v36  }
0x8d: {  	v29 =	vmul.f32 v29, v21;
	v32 =	vadd.f32 v32, v33;
	v33 =	vadd.f32 v34, v35;
	v34 =	vld [tilespmem:s21+$0x2960]  }
0x8e: {  	v27 =	vmul.f32 v27, v21;
	v28 =	vmul.f32 v28, v20;
	v30 =	vadd.f32 v31, v30;
	[tilespmem:s21+$0xA970] =	vst v36;
	v31 =	vld [tilespmem:s21+$0x2D00]  }
0x8f: {  	v25 =	vmul.f32 v25, v21;
	v26 =	vmul.f32 v26, v20;
	[tilespmem:s21+$0xA510] =	vst v33;
	v33 =	vld [tilespmem:s21+$0x6D00]  }
0x90: {  	v23 =	vmul.f32 v23, v21;
	v24 =	vmul.f32 v24, v20;
	v28 =	vadd.f32 v28, v29;
	[tilespmem:s21+$0xA500] =	vst v32;
	v29 =	vld [tilespmem:s21+$0x6960]  }
0x91: {  	v19 =	vmul.f32 v19, v21;
	v22 =	vmul.f32 v22, v20;
	v26 =	vadd.f32 v26, v27;
	[tilespmem:s21+$0xA170] =	vst v30;
	v27 =	vld [tilespmem:s21+$0x6950]  }
0x92: {  	v14 =	vmul.f32 v14, v21;
	v18 =	vmul.f32 v18, v20;
	v24 =	vadd.f32 v24, v25;
	[tilespmem:s21+$0xA160] =	vst v28;
	v25 =	vld [tilespmem:s21+$0x6940]  }
0x93: {  	v15 =	vmul.f32 v15, v20;
	v22 =	vadd.f32 v22, v23;
	[tilespmem:s21+$0xA150] =	vst v26;
	v23 =	vld [tilespmem:s21+$0x6930];
	v26 =	vmul.f32 v31, v21  }
0x94: {  	v18 =	vadd.f32 v18, v19;
	[tilespmem:s21+$0xA140] =	vst v24;
	v19 =	vld [tilespmem:s21+$0x6920];
	v24 =	vmul.f32 v34, v21;
	v28 =	vmul.f32 v33, v20  }
0x95: {  	v14 =	vadd.f32 v15, v14;
	[tilespmem:s21+$0xA130] =	vst v22;
	v15 =	vld [tilespmem:s21+$0x6910];
	v22 =	vmul.f32 v44, v21;
	v29 =	vmul.f32 v29, v20  }
0x96: {  	[tilespmem:s21+$0xA120] =	vst v18;
	v18 =	vmul.f32 v43, v21;
	v27 =	vmul.f32 v27, v20;
	v26 =	vadd.f32 v28, v26;
	v28 =	vld [tilespmem:s21+$0x2D10]  }
0x97: {  	[tilespmem:s21+$0xA110] =	vst v14;
	v14 =	vmul.f32 v42, v21;
	v25 =	vmul.f32 v25, v20;
	v24 =	vadd.f32 v29, v24;
	v29 =	vld [tilespmem:s21+$0x6D10]  }
0x98: {  	v30 =	vmul.f32 v41, v21;
	v23 =	vmul.f32 v23, v20;
	v22 =	vadd.f32 v27, v22;
	[tilespmem:s21+$0xAD00] =	vst v26;
	v26 =	vld [tilespmem:s21+$0x2D20]  }
0x99: {  	v27 =	vmul.f32 v40, v21;
	v19 =	vmul.f32 v19, v20;
	v18 =	vadd.f32 v25, v18;
	[tilespmem:s21+$0xA960] =	vst v24;
	v24 =	vld [tilespmem:s21+$0x6D20]  }
0x9a: {  	v25 =	vmul.f32 v38, v21;
	v15 =	vmul.f32 v15, v20;
	v14 =	vadd.f32 v23, v14;
	[tilespmem:s21+$0xA950] =	vst v22;
	v22 =	vld [tilespmem:s21+$0x2D30]  }
0x9b: {  	v17 =	vmul.f32 v17, v21;
	v23 =	vmul.f32 v39, v20;
	v19 =	vadd.f32 v19, v30;
	[tilespmem:s21+$0xA940] =	vst v18;
	v18 =	vld [tilespmem:s21+$0x6D30]  }
0x9c: {  	v13 =	vmul.f32 v13, v21;
	v16 =	vmul.f32 v16, v20;
	v15 =	vadd.f32 v15, v27;
	[tilespmem:s21+$0xA930] =	vst v14;
	v14 =	vld [tilespmem:s21+$0x2D40]  }
0x9d: {  	v11 =	vmul.f32 v11, v21;
	v12 =	vmul.f32 v12, v20;
	v23 =	vadd.f32 v23, v25;
	[tilespmem:s21+$0xA920] =	vst v19;
	v19 =	vld [tilespmem:s21+$0x6D40]  }
0x9e: {  	v9 =	vmul.f32 v9, v21;
	v10 =	vmul.f32 v10, v20;
	v16 =	vadd.f32 v16, v17;
	[tilespmem:s21+$0xA910] =	vst v15;
	v15 =	vld [tilespmem:s21+$0x2D50]  }
0x9f: {  	v7 =	vmul.f32 v7, v21;
	v8 =	vmul.f32 v8, v20;
	v12 =	vadd.f32 v12, v13;
	[tilespmem:s21+$0xA900] =	vst v23;
	v13 =	vld [tilespmem:s21+$0x6D50]  }
0xa0: {  	v5 =	vmul.f32 v5, v21;
	v6 =	vmul.f32 v6, v20;
	v10 =	vadd.f32 v10, v11;
	[tilespmem:s21+$0xA570] =	vst v16;
	v11 =	vld [tilespmem:s21+$0x2D60]  }
0xa1: {  	v4 =	vmul.f32 v4, v20;
	v8 =	vadd.f32 v8, v9;
	v9 =	vmul.f32 v28, v21;
	[tilespmem:s21+$0xA560] =	vst v12;
	v12 =	vld [tilespmem:s21+$0x6D60]  }
0xa2: {  	s23 =	sadd.s32 $0x200, s23;
	v6 =	vadd.f32 v6, v7;
	v7 =	vmul.f32 v29, v20;
	[tilespmem:s21+$0xA550] =	vst v10;
	v10 =	vmul.f32 v26, v21;
	v16 =	vld [tilespmem:s21+$0x2D70]  }
0xa3: {  	s25 =	sand.u32 $0x380, s22;
	s24 =	sand.u32 $0x1000, s23;
	v4 =	vadd.f32 v4, v5;
	v5 =	vmul.f32 v24, v20;
	[tilespmem:s21+$0xA540] =	vst v8;
	v8 =	vmul.f32 v22, v21;
	v17 =	vld [tilespmem:s21+$0x6D70]  }
0xa4: {  	s24 =	sor.u32 s25, s24;
	v22 =	vld [tilespmem:s21+$0x6100];
	[tilespmem:s21+$0xA530] =	vst v6;
	v6 =	vadd.f32 v7, v9;
	v7 =	vmul.f32 v18, v20;
	v9 =	vmul.f32 v14, v21  }
0xa5: {  	v24 =	vld [tilespmem:s24+$0x2100];
	[tilespmem:s21+$0xA520] =	vst v4;
	v4 =	vadd.f32 v5, v10;
	v5 =	vmul.f32 v19, v20;
	v10 =	vmul.f32 v15, v21  }
0xa6: {  	v14 =	vld [tilespmem:s24+$0x2110];
	[tilespmem:s21+$0xAD10] =	vst v6;
	v6 =	vadd.f32 v7, v8;
	v7 =	vmul.f32 v13, v20;
	v8 =	vmul.f32 v11, v21  }
0xa7: {  	v15 =	vld [tilespmem:s24+$0x6110];
	[tilespmem:s21+$0xAD20] =	vst v4;
	v4 =	vadd.f32 v5, v9;
	v5 =	vmul.f32 v12, v20;
	v9 =	vmul.f32 v16, v21  }
0xa8: {  	v11 =	vmul.f32 v3, v21;
	v19 =	vld [tilespmem:s24+$0x2120];
	[tilespmem:s21+$0xAD30] =	vst v6;
	v10 =	vadd.f32 v7, v10;
	v6 =	vmul.f32 v17, v20  }
0xa9: {  	v18 =	vld [tilespmem:s24+$0x6120];
	v7 =	vmul.f32 v22, v20;
	[tilespmem:s21+$0xAD40] =	vst v4;
	v4 =	vadd.f32 v5, v8  }
0xaa: {  	v23 =	vld [tilespmem:s24+$0x2130];
	[tilespmem:s21+$0xAD50] =	vst v10;
	v5 =	vadd.f32 v6, v9;
	v3 =	vmov v24  }
0xab: {  	v22 =	vld [tilespmem:s24+$0x6130];
	v6 =	vadd.f32 v7, v11;
	[tilespmem:s21+$0xAD60] =	vst v4  }
0xac: {  	v25 =	vld [tilespmem:s24+$0x2140];
	[tilespmem:s21+$0xAD70] =	vst v5  }
0xad: {  	v24 =	vld [tilespmem:s24+$0x6140];
	[tilespmem:s21+$0xA100] =	vst v6;
	s21 =	smov.u32 s24  }
0xae: {  	v27 =	vld [tilespmem:s21+$0x2150]  }
0xaf: {  	v26 =	vld [tilespmem:s21+$0x6150]  }
0xb0: {  	v29 =	vld [tilespmem:s21+$0x2160]  }
0xb1: {  	v28 =	vld [tilespmem:s21+$0x6160]  }
0xb2: {  	v30 =	vld [tilespmem:s21+$0x2170]  }
0xb3: {  	v31 =	vld [tilespmem:s21+$0x6170]  }
0xb4: {  	v33 =	vld [tilespmem:s21+$0x2500]  }
0xb5: {  	v32 =	vld [tilespmem:s21+$0x6500]  }
0xb6: {  	v35 =	vld [tilespmem:s21+$0x2510]  }
0xb7: {  	v34 =	vld [tilespmem:s21+$0x6510]  }
0xb8: {  	v5 =	vld [tilespmem:s21+$0x2520]  }
0xb9: {  	v4 =	vld [tilespmem:s21+$0x6520]  }
0xba: {  	v7 =	vld [tilespmem:s21+$0x2530]  }
0xbb: {  	v6 =	vld [tilespmem:s21+$0x6530]  }
0xbc: {  	v9 =	vld [tilespmem:s21+$0x2540]  }
0xbd: {  	v8 =	vld [tilespmem:s21+$0x6540]  }
0xbe: {  	v11 =	vld [tilespmem:s21+$0x2550]  }
0xbf: {  	v10 =	vld [tilespmem:s21+$0x6550]  }
0xc0: {  	v13 =	vld [tilespmem:s21+$0x2560]  }
.Ltmp0:
0xc1: {  	v12 =	vld [tilespmem:s21+$0x6560];
	(pc) =	sbr.rel @p0 .LBB2_2-.Ltmp0, $4  }
0xc2: {  	v17 =	vld [tilespmem:s21+$0x2570]  }
0xc3: {  	v16 =	vld [tilespmem:s21+$0x6570]  }
0xc4: {  	v36 =	vld [tilespmem:s21+$0x2970]  }
0xc5: {  	s22 =	sadd.s32 $0x80, s22;
	s24 =	sshra.s32 s23, $0x2;
	v37 =	vld [tilespmem:s21+$0x6970]  }
0xc6: {  	v20 =	vld [tilespmem:s24+$0x100]  }
0xc7: {  	v21 =	vld [tilespmem:s24+$0x1100];
	_ =	sdelay $0x1  }
0xc8: {  	v38 =	vld [tilespmem:s21+$0x2900]  }
0xc9: {  	v39 =	vld [tilespmem:s21+$0x6900]  }
0xca: {  	v40 =	vld [tilespmem:s21+$0x2910];
	v36 =	vmul.f32 v36, v20  }
0xcb: {  	v41 =	vld [tilespmem:s21+$0x2920];
	v37 =	vmul.f32 v37, v21;
	v35 =	vmul.f32 v35, v20  }
0xcc: {  	v42 =	vld [tilespmem:s21+$0x2930];
	v34 =	vmul.f32 v34, v21;
	v33 =	vmul.f32 v33, v20  }
0xcd: {  	v43 =	vld [tilespmem:s21+$0x2940];
	v32 =	vmul.f32 v32, v21;
	v30 =	vmul.f32 v30, v20  }
0xce: {  	v44 =	vld [tilespmem:s21+$0x2950];
	v31 =	vmul.f32 v31, v21;
	v29 =	vmul.f32 v29, v20;
	v36 =	vadd.f32 v37, v36  }
0xcf: {  	v61 =	vld [tilespmem:s21+$0x2960];
	v28 =	vmul.f32 v28, v21;
	v27 =	vmul.f32 v27, v20;
	v34 =	vadd.f32 v34, v35  }
0xd0: {  	v62 =	vld [tilespmem:s21+$0x2D00];
	v26 =	vmul.f32 v26, v21;
	v25 =	vmul.f32 v25, v20;
	v32 =	vadd.f32 v32, v33;
	[tilespmem:s21+$0xA970] =	vst v36  }
0xd1: {  	v63 =	vld [tilespmem:s21+$0x6D00];
	v24 =	vmul.f32 v24, v21;
	v23 =	vmul.f32 v23, v20;
	v30 =	vadd.f32 v31, v30;
	[tilespmem:s21+$0xA510] =	vst v34  }
0xd2: {  	v22 =	vmul.f32 v22, v21;
	v19 =	vmul.f32 v19, v20;
	v31 =	vld [tilespmem:s21+$0x6960];
	v28 =	vadd.f32 v28, v29;
	[tilespmem:s21+$0xA500] =	vst v32  }
0xd3: {  	v18 =	vmul.f32 v18, v21;
	v14 =	vmul.f32 v14, v20;
	v29 =	vld [tilespmem:s21+$0x6950];
	v26 =	vadd.f32 v26, v27;
	[tilespmem:s21+$0xA170] =	vst v30  }
0xd4: {  	v15 =	vmul.f32 v15, v21;
	v17 =	vmul.f32 v17, v20;
	v27 =	vld [tilespmem:s21+$0x6940];
	v24 =	vadd.f32 v24, v25;
	[tilespmem:s21+$0xA160] =	vst v28  }
0xd5: {  	v16 =	vmul.f32 v16, v21;
	v13 =	vmul.f32 v13, v20;
	v25 =	vld [tilespmem:s21+$0x6930];
	v22 =	vadd.f32 v22, v23;
	[tilespmem:s21+$0xA150] =	vst v26  }
0xd6: {  	v12 =	vmul.f32 v12, v21;
	v11 =	vmul.f32 v11, v20;
	v23 =	vld [tilespmem:s21+$0x6920];
	v18 =	vadd.f32 v18, v19;
	[tilespmem:s21+$0xA140] =	vst v24  }
0xd7: {  	v10 =	vmul.f32 v10, v21;
	v9 =	vmul.f32 v9, v20;
	v19 =	vld [tilespmem:s21+$0x6910];
	v14 =	vadd.f32 v15, v14;
	[tilespmem:s21+$0xA130] =	vst v22  }
0xd8: {  	v8 =	vmul.f32 v8, v21;
	v15 =	vld [tilespmem:s21+$0x2D10];
	v16 =	vadd.f32 v16, v17;
	v12 =	vadd.f32 v12, v13;
	[tilespmem:s21+$0xA120] =	vst v18  }
0xd9: {  	v17 =	vld [tilespmem:s21+$0x6D50];
	v10 =	vadd.f32 v10, v11;
	v22 =	vmul.f32 v62, v20;
	v24 =	vmul.f32 v63, v21;
	[tilespmem:s21+$0xA110] =	vst v14  }
0xda: {  	v13 =	vld [tilespmem:s21+$0x2D60];
	v8 =	vadd.f32 v8, v9;
	v18 =	vmul.f32 v61, v20;
	[tilespmem:s21+$0xA570] =	vst v16;
	v26 =	vmul.f32 v31, v21  }
0xdb: {  	v11 =	vld [tilespmem:s21+$0x6D60];
	[tilespmem:s21+$0xA560] =	vst v12;
	v22 =	vadd.f32 v24, v22;
	v24 =	vmul.f32 v44, v20;
	v28 =	vmul.f32 v29, v21  }
0xdc: {  	v14 =	vld [tilespmem:s21+$0x6D10];
	[tilespmem:s21+$0xA540] =	vst v8;
	v27 =	vmul.f32 v27, v21;
	v18 =	vadd.f32 v26, v18;
	v26 =	vmul.f32 v43, v20  }
0xdd: {  	v25 =	vmul.f32 v25, v21;
	[tilespmem:s21+$0xAD00] =	vst v22;
	v22 =	vld [tilespmem:s21+$0x2D20];
	v24 =	vadd.f32 v28, v24;
	v28 =	vmul.f32 v42, v20  }
0xde: {  	v23 =	vmul.f32 v23, v21;
	[tilespmem:s21+$0xA960] =	vst v18;
	v18 =	vld [tilespmem:s21+$0x6D20];
	v26 =	vadd.f32 v27, v26;
	v27 =	vmul.f32 v41, v20  }
0xdf: {  	v19 =	vmul.f32 v19, v21;
	[tilespmem:s21+$0xA950] =	vst v24;
	v24 =	vld [tilespmem:s21+$0x2D30];
	v25 =	vadd.f32 v25, v28;
	v28 =	vmul.f32 v40, v20  }
0xe0: {  	[tilespmem:s21+$0xA940] =	vst v26;
	v26 =	vld [tilespmem:s21+$0x6D30];
	v23 =	vadd.f32 v23, v27  }
0xe1: {  	v7 =	vmul.f32 v7, v20;
	v6 =	vmul.f32 v6, v21;
	[tilespmem:s21+$0xA930] =	vst v25;
	v25 =	vld [tilespmem:s21+$0x2D40];
	v19 =	vadd.f32 v19, v28  }
0xe2: {  	v5 =	vmul.f32 v5, v20;
	v4 =	vmul.f32 v4, v21;
	[tilespmem:s21+$0xA920] =	vst v23;
	v23 =	vld [tilespmem:s21+$0x6D40]  }
0xe3: {  	v6 =	vadd.f32 v6, v7;
	v8 =	vmul.f32 v15, v20;
	v7 =	vmul.f32 v14, v21;
	[tilespmem:s21+$0xA910] =	vst v19;
	v19 =	vld [tilespmem:s21+$0x2D50]  }
0xe4: {  	v9 =	vld [tilespmem:s21+$0x2D70];
	v4 =	vadd.f32 v4, v5;
	[tilespmem:s21+$0xA550] =	vst v10;
	v29 =	vmul.f32 v39, v21;
	v27 =	vmul.f32 v38, v20  }
0xe5: {  	v10 =	vld [tilespmem:s21+$0x6D70];
	[tilespmem:s21+$0xA530] =	vst v6;
	v6 =	vadd.f32 v7, v8;
	v12 =	vmul.f32 v22, v20;
	v5 =	vmul.f32 v18, v21  }
0xe6: {  	[tilespmem:s21+$0xA520] =	vst v4;
	v14 =	vld [tilespmem:s21+$0x6100];
	v27 =	vadd.f32 v29, v27;
	v15 =	vmul.f32 v24, v20;
	v7 =	vmul.f32 v26, v21  }
0xe7: {  	[tilespmem:s21+$0xAD10] =	vst v6;
	v8 =	vmul.f32 v25, v20;
	v4 =	vadd.f32 v5, v12;
	v5 =	vmul.f32 v23, v21  }
0xe8: {  	[tilespmem:s21+$0xA900] =	vst v27;
	v12 =	vmul.f32 v19, v20;
	v6 =	vadd.f32 v7, v15;
	v7 =	vmul.f32 v17, v21  }
0xe9: {  	v13 =	vmul.f32 v13, v20;
	[tilespmem:s21+$0xAD20] =	vst v4;
	v4 =	vadd.f32 v5, v8;
	v5 =	vmul.f32 v11, v21  }
0xea: {  	v8 =	vmul.f32 v9, v20;
	[tilespmem:s21+$0xAD30] =	vst v6;
	v6 =	vadd.f32 v7, v12;
	v7 =	vmul.f32 v10, v21  }
0xeb: {  	v3 =	vmul.f32 v3, v20;
	v9 =	vmul.f32 v14, v21;
	[tilespmem:s21+$0xAD40] =	vst v4;
	v4 =	vadd.f32 v5, v13  }
0xec: {  	[tilespmem:s21+$0xAD50] =	vst v6;
	v5 =	vadd.f32 v7, v8  }
0xed: {  	v3 =	vadd.f32 v9, v3;
	[tilespmem:s21+$0xAD60] =	vst v4  }
0xee: {  	[tilespmem:s21+$0xAD70] =	vst v5  }
0xef: {  	[tilespmem:s21+$0xA100] =	vst v3  }
0xf0: {  	[hbm4b:s7+s2] =	stream.linear.scatter [tilespmem:s14], [sflag:$0x5], $0x2000, $0x38;
	[tilespmem:$0xE100] =	vst v63  }
0xf1: {  	_ =	swait.ge [sflag:s15], $0x2000  }
0xf2: {  	[sflag:s15] =	ssyncset.done $0x0  }
0xf3: {  	[sflag:s15] =	ssyncadd.s32 $0xFFFFE000  }
0xf4: {  	s25 =	simm.s32 $0x800;
	s22 =	simm.s32 $0x2000;
	_ =	swait.ge [sflag:s16], $0x2000  }
0xf5: {  	s23 =	sand.u32 $0x3000, s22;
	s21 =	sand.u32 $0x380, s25;
	[sflag:s16] =	ssyncset.done $0x0  }
0xf6: {  	s21 =	sor.u32 s21, s23;
	[sflag:s16] =	ssyncadd.s32 $0xFFFFE000  }
0xf7: {  	v3 =	vld [tilespmem:s21+$0x2100]  }
0xf8: {  	v14 =	vld [tilespmem:s21+$0x2110]  }
0xf9: {  	v15 =	vld [tilespmem:s21+$0x6110]  }
0xfa: {  	v19 =	vld [tilespmem:s21+$0x2120]  }
0xfb: {  	v18 =	vld [tilespmem:s21+$0x6120]  }
0xfc: {  	v23 =	vld [tilespmem:s21+$0x2130]  }
0xfd: {  	v22 =	vld [tilespmem:s21+$0x6130]  }
0xfe: {  	v25 =	vld [tilespmem:s21+$0x2140]  }
0xff: {  	v24 =	vld [tilespmem:s21+$0x6140]  }
0x100: {  	v27 =	vld [tilespmem:s21+$0x2150]  }
0x101: {  	v26 =	vld [tilespmem:s21+$0x6150]  }
0x102: {  	v29 =	vld [tilespmem:s21+$0x2160]  }
0x103: {  	v28 =	vld [tilespmem:s21+$0x6160]  }
0x104: {  	v30 =	vld [tilespmem:s21+$0x2170]  }
0x105: {  	v31 =	vld [tilespmem:s21+$0x6170]  }
0x106: {  	v33 =	vld [tilespmem:s21+$0x2500]  }
0x107: {  	v32 =	vld [tilespmem:s21+$0x6500]  }
0x108: {  	v35 =	vld [tilespmem:s21+$0x2510]  }
0x109: {  	v34 =	vld [tilespmem:s21+$0x6510]  }
0x10a: {  	v5 =	vld [tilespmem:s21+$0x2520]  }
0x10b: {  	v4 =	vld [tilespmem:s21+$0x6520]  }
0x10c: {  	v7 =	vld [tilespmem:s21+$0x2530]  }
0x10d: {  	v6 =	vld [tilespmem:s21+$0x6530]  }
0x10e: {  	v9 =	vld [tilespmem:s21+$0x2540]  }
0x10f: {  	v8 =	vld [tilespmem:s21+$0x6540]  }
0x110: {  	v11 =	vld [tilespmem:s21+$0x2550]  }
0x111: {  	v10 =	vld [tilespmem:s21+$0x6550]  }
0x112: {  	v13 =	vld [tilespmem:s21+$0x2560]  }
0x113: {  	v12 =	vld [tilespmem:s21+$0x6560]  }
0x114: {  	v17 =	vld [tilespmem:s21+$0x2570]  }
0x115: {  	v16 =	vld [tilespmem:s21+$0x6570]  }
0x116: {  	v36 =	vld [tilespmem:s21+$0x2970]  }
0x117: {  	s24 =	simm.s32 $0x800;
	s23 =	simm.s32 $0x880;
	v37 =	vld [tilespmem:s21+$0x6970]  }
.LBB2_4:
0x118: {  	p0 =	sne.s32 s23, $0xF80;
	v21 =	vld [tilespmem:s24+$0x100]  }
0x119: {  	v20 =	vld [tilespmem:s24+$0x1100]  }
0x11a: {  	v38 =	vld [tilespmem:s21+$0x2900]  }
0x11b: {  	v39 =	vld [tilespmem:s21+$0x6900]  }
0x11c: {  	v40 =	vld [tilespmem:s21+$0x2910]  }
0x11d: {  	v33 =	vmul.f32 v33, v21;
	v35 =	vmul.f32 v35, v21;
	v41 =	vld [tilespmem:s21+$0x2920]  }
0x11e: {  	v36 =	vmul.f32 v36, v21;
	v42 =	vld [tilespmem:s21+$0x2930];
	v37 =	vmul.f32 v37, v20  }
0x11f: {  	v32 =	vmul.f32 v32, v20;
	v34 =	vmul.f32 v34, v20;
	v43 =	vld [tilespmem:s21+$0x2940]  }
0x120: {  	v30 =	vmul.f32 v30, v21;
	v31 =	vmul.f32 v31, v20;
	v44 =	vld [tilespmem:s21+$0x2950];
	v36 =	vadd.f32 v37, v36  }
0x121: {  	v29 =	vmul.f32 v29, v21;
	v32 =	vadd.f32 v32, v33;
	v33 =	vadd.f32 v34, v35;
	v34 =	vld [tilespmem:s21+$0x2960]  }
0x122: {  	v27 =	vmul.f32 v27, v21;
	v28 =	vmul.f32 v28, v20;
	v30 =	vadd.f32 v31, v30;
	[tilespmem:s21+$0xA970] =	vst v36;
	v31 =	vld [tilespmem:s21+$0x2D00]  }
0x123: {  	v25 =	vmul.f32 v25, v21;
	v26 =	vmul.f32 v26, v20;
	[tilespmem:s21+$0xA510] =	vst v33;
	v33 =	vld [tilespmem:s21+$0x6D00]  }
0x124: {  	v23 =	vmul.f32 v23, v21;
	v24 =	vmul.f32 v24, v20;
	v28 =	vadd.f32 v28, v29;
	[tilespmem:s21+$0xA500] =	vst v32;
	v29 =	vld [tilespmem:s21+$0x6960]  }
0x125: {  	v19 =	vmul.f32 v19, v21;
	v22 =	vmul.f32 v22, v20;
	v26 =	vadd.f32 v26, v27;
	[tilespmem:s21+$0xA170] =	vst v30;
	v27 =	vld [tilespmem:s21+$0x6950]  }
0x126: {  	v14 =	vmul.f32 v14, v21;
	v18 =	vmul.f32 v18, v20;
	v24 =	vadd.f32 v24, v25;
	[tilespmem:s21+$0xA160] =	vst v28;
	v25 =	vld [tilespmem:s21+$0x6940]  }
0x127: {  	v15 =	vmul.f32 v15, v20;
	v22 =	vadd.f32 v22, v23;
	[tilespmem:s21+$0xA150] =	vst v26;
	v23 =	vld [tilespmem:s21+$0x6930];
	v26 =	vmul.f32 v31, v21  }
0x128: {  	v18 =	vadd.f32 v18, v19;
	[tilespmem:s21+$0xA140] =	vst v24;
	v19 =	vld [tilespmem:s21+$0x6920];
	v24 =	vmul.f32 v34, v21;
	v28 =	vmul.f32 v33, v20  }
0x129: {  	v14 =	vadd.f32 v15, v14;
	[tilespmem:s21+$0xA130] =	vst v22;
	v15 =	vld [tilespmem:s21+$0x6910];
	v22 =	vmul.f32 v44, v21;
	v29 =	vmul.f32 v29, v20  }
0x12a: {  	[tilespmem:s21+$0xA120] =	vst v18;
	v18 =	vmul.f32 v43, v21;
	v27 =	vmul.f32 v27, v20;
	v26 =	vadd.f32 v28, v26;
	v28 =	vld [tilespmem:s21+$0x2D10]  }
0x12b: {  	[tilespmem:s21+$0xA110] =	vst v14;
	v14 =	vmul.f32 v42, v21;
	v25 =	vmul.f32 v25, v20;
	v24 =	vadd.f32 v29, v24;
	v29 =	vld [tilespmem:s21+$0x6D10]  }
0x12c: {  	v30 =	vmul.f32 v41, v21;
	v23 =	vmul.f32 v23, v20;
	v22 =	vadd.f32 v27, v22;
	[tilespmem:s21+$0xAD00] =	vst v26;
	v26 =	vld [tilespmem:s21+$0x2D20]  }
0x12d: {  	v27 =	vmul.f32 v40, v21;
	v19 =	vmul.f32 v19, v20;
	v18 =	vadd.f32 v25, v18;
	[tilespmem:s21+$0xA960] =	vst v24;
	v24 =	vld [tilespmem:s21+$0x6D20]  }
0x12e: {  	v25 =	vmul.f32 v38, v21;
	v15 =	vmul.f32 v15, v20;
	v14 =	vadd.f32 v23, v14;
	[tilespmem:s21+$0xA950] =	vst v22;
	v22 =	vld [tilespmem:s21+$0x2D30]  }
0x12f: {  	v17 =	vmul.f32 v17, v21;
	v23 =	vmul.f32 v39, v20;
	v19 =	vadd.f32 v19, v30;
	[tilespmem:s21+$0xA940] =	vst v18;
	v18 =	vld [tilespmem:s21+$0x6D30]  }
0x130: {  	v13 =	vmul.f32 v13, v21;
	v16 =	vmul.f32 v16, v20;
	v15 =	vadd.f32 v15, v27;
	[tilespmem:s21+$0xA930] =	vst v14;
	v14 =	vld [tilespmem:s21+$0x2D40]  }
0x131: {  	v11 =	vmul.f32 v11, v21;
	v12 =	vmul.f32 v12, v20;
	v23 =	vadd.f32 v23, v25;
	[tilespmem:s21+$0xA920] =	vst v19;
	v19 =	vld [tilespmem:s21+$0x6D40]  }
0x132: {  	v9 =	vmul.f32 v9, v21;
	v10 =	vmul.f32 v10, v20;
	v16 =	vadd.f32 v16, v17;
	[tilespmem:s21+$0xA910] =	vst v15;
	v15 =	vld [tilespmem:s21+$0x2D50]  }
0x133: {  	v7 =	vmul.f32 v7, v21;
	v8 =	vmul.f32 v8, v20;
	v12 =	vadd.f32 v12, v13;
	[tilespmem:s21+$0xA900] =	vst v23;
	v13 =	vld [tilespmem:s21+$0x6D50]  }
0x134: {  	v5 =	vmul.f32 v5, v21;
	v6 =	vmul.f32 v6, v20;
	v10 =	vadd.f32 v10, v11;
	[tilespmem:s21+$0xA570] =	vst v16;
	v11 =	vld [tilespmem:s21+$0x2D60]  }
0x135: {  	v4 =	vmul.f32 v4, v20;
	v8 =	vadd.f32 v8, v9;
	v9 =	vmul.f32 v28, v21;
	[tilespmem:s21+$0xA560] =	vst v12;
	v12 =	vld [tilespmem:s21+$0x6D60]  }
0x136: {  	s22 =	sadd.s32 $0x200, s22;
	v6 =	vadd.f32 v6, v7;
	v7 =	vmul.f32 v29, v20;
	[tilespmem:s21+$0xA550] =	vst v10;
	v10 =	vmul.f32 v26, v21;
	v16 =	vld [tilespmem:s21+$0x2D70]  }
0x137: {  	s25 =	sand.u32 $0x380, s23;
	s24 =	sand.u32 $0x3000, s22;
	v4 =	vadd.f32 v4, v5;
	v5 =	vmul.f32 v24, v20;
	[tilespmem:s21+$0xA540] =	vst v8;
	v8 =	vmul.f32 v22, v21;
	v17 =	vld [tilespmem:s21+$0x6D70]  }
0x138: {  	s24 =	sor.u32 s25, s24;
	v22 =	vld [tilespmem:s21+$0x6100];
	[tilespmem:s21+$0xA530] =	vst v6;
	v6 =	vadd.f32 v7, v9;
	v7 =	vmul.f32 v18, v20;
	v9 =	vmul.f32 v14, v21  }
0x139: {  	v24 =	vld [tilespmem:s24+$0x2100];
	[tilespmem:s21+$0xA520] =	vst v4;
	v4 =	vadd.f32 v5, v10;
	v5 =	vmul.f32 v19, v20;
	v10 =	vmul.f32 v15, v21  }
0x13a: {  	v14 =	vld [tilespmem:s24+$0x2110];
	[tilespmem:s21+$0xAD10] =	vst v6;
	v6 =	vadd.f32 v7, v8;
	v7 =	vmul.f32 v13, v20;
	v8 =	vmul.f32 v11, v21  }
0x13b: {  	v15 =	vld [tilespmem:s24+$0x6110];
	[tilespmem:s21+$0xAD20] =	vst v4;
	v4 =	vadd.f32 v5, v9;
	v5 =	vmul.f32 v12, v20;
	v9 =	vmul.f32 v16, v21  }
0x13c: {  	v11 =	vmul.f32 v3, v21;
	v19 =	vld [tilespmem:s24+$0x2120];
	[tilespmem:s21+$0xAD30] =	vst v6;
	v10 =	vadd.f32 v7, v10;
	v6 =	vmul.f32 v17, v20  }
0x13d: {  	v18 =	vld [tilespmem:s24+$0x6120];
	v7 =	vmul.f32 v22, v20;
	[tilespmem:s21+$0xAD40] =	vst v4;
	v4 =	vadd.f32 v5, v8  }
0x13e: {  	v23 =	vld [tilespmem:s24+$0x2130];
	[tilespmem:s21+$0xAD50] =	vst v10;
	v5 =	vadd.f32 v6, v9;
	v3 =	vmov v24  }
0x13f: {  	v22 =	vld [tilespmem:s24+$0x6130];
	v6 =	vadd.f32 v7, v11;
	[tilespmem:s21+$0xAD60] =	vst v4  }
0x140: {  	v25 =	vld [tilespmem:s24+$0x2140];
	[tilespmem:s21+$0xAD70] =	vst v5  }
0x141: {  	v24 =	vld [tilespmem:s24+$0x6140];
	[tilespmem:s21+$0xA100] =	vst v6;
	s21 =	smov.u32 s24  }
0x142: {  	v27 =	vld [tilespmem:s21+$0x2150]  }
0x143: {  	v26 =	vld [tilespmem:s21+$0x6150]  }
0x144: {  	v29 =	vld [tilespmem:s21+$0x2160]  }
0x145: {  	v28 =	vld [tilespmem:s21+$0x6160]  }
0x146: {  	v30 =	vld [tilespmem:s21+$0x2170]  }
0x147: {  	v31 =	vld [tilespmem:s21+$0x6170]  }
0x148: {  	v33 =	vld [tilespmem:s21+$0x2500]  }
0x149: {  	v32 =	vld [tilespmem:s21+$0x6500]  }
0x14a: {  	v35 =	vld [tilespmem:s21+$0x2510]  }
0x14b: {  	v34 =	vld [tilespmem:s21+$0x6510]  }
0x14c: {  	v5 =	vld [tilespmem:s21+$0x2520]  }
0x14d: {  	v4 =	vld [tilespmem:s21+$0x6520]  }
0x14e: {  	v7 =	vld [tilespmem:s21+$0x2530]  }
0x14f: {  	v6 =	vld [tilespmem:s21+$0x6530]  }
0x150: {  	v9 =	vld [tilespmem:s21+$0x2540]  }
0x151: {  	v8 =	vld [tilespmem:s21+$0x6540]  }
0x152: {  	v11 =	vld [tilespmem:s21+$0x2550]  }
0x153: {  	v10 =	vld [tilespmem:s21+$0x6550]  }
0x154: {  	v13 =	vld [tilespmem:s21+$0x2560]  }
.Ltmp1:
0x155: {  	v12 =	vld [tilespmem:s21+$0x6560];
	(pc) =	sbr.rel @p0 .LBB2_4-.Ltmp1, $4  }
0x156: {  	v17 =	vld [tilespmem:s21+$0x2570]  }
0x157: {  	v16 =	vld [tilespmem:s21+$0x6570]  }
0x158: {  	v36 =	vld [tilespmem:s21+$0x2970]  }
0x159: {  	s23 =	sadd.s32 $0x80, s23;
	s24 =	sshra.s32 s22, $0x2;
	v37 =	vld [tilespmem:s21+$0x6970]  }
0x15a: {  	v20 =	vld [tilespmem:s24+$0x100]  }
0x15b: {  	v21 =	vld [tilespmem:s24+$0x1100];
	_ =	sdelay $0x2  }
0x15c: {  	v38 =	vld [tilespmem:s21+$0x2900]  }
0x15d: {  	v39 =	vld [tilespmem:s21+$0x6900]  }
0x15e: {  	v40 =	vld [tilespmem:s21+$0x2910];
	v36 =	vmul.f32 v36, v20;
	v37 =	vmul.f32 v37, v21  }
0x15f: {  	v41 =	vld [tilespmem:s21+$0x2920];
	v35 =	vmul.f32 v35, v20;
	v34 =	vmul.f32 v34, v21  }
0x160: {  	v42 =	vld [tilespmem:s21+$0x2930];
	v33 =	vmul.f32 v33, v20;
	v32 =	vmul.f32 v32, v21  }
0x161: {  	v60 =	vld [tilespmem:s21+$0x2960];
	v30 =	vmul.f32 v30, v20;
	v31 =	vmul.f32 v31, v21  }
0x162: {  	v61 =	vld [tilespmem:s21+$0x2D00];
	v29 =	vmul.f32 v29, v20;
	v28 =	vmul.f32 v28, v21;
	v36 =	vadd.f32 v37, v36  }
0x163: {  	v62 =	vld [tilespmem:s21+$0x6D00];
	v27 =	vmul.f32 v27, v20;
	v26 =	vmul.f32 v26, v21;
	v34 =	vadd.f32 v34, v35  }
0x164: {  	v63 =	vld [tilespmem:s21+$0x6960];
	v25 =	vmul.f32 v25, v20;
	v24 =	vmul.f32 v24, v21;
	v32 =	vadd.f32 v32, v33;
	[tilespmem:s21+$0xA970] =	vst v36  }
0x165: {  	v43 =	vld [tilespmem:s21+$0x2940];
	v23 =	vmul.f32 v23, v20;
	v22 =	vmul.f32 v22, v21;
	v30 =	vadd.f32 v31, v30;
	[tilespmem:s21+$0xA510] =	vst v34  }
0x166: {  	v44 =	vld [tilespmem:s21+$0x2950];
	v19 =	vmul.f32 v19, v20;
	v18 =	vmul.f32 v18, v21;
	v28 =	vadd.f32 v28, v29;
	[tilespmem:s21+$0xA500] =	vst v32  }
0x167: {  	v45 =	vld [tilespmem:s21+$0x6930];
	v14 =	vmul.f32 v14, v20;
	v15 =	vmul.f32 v15, v21;
	v26 =	vadd.f32 v26, v27;
	[tilespmem:s21+$0xA170] =	vst v30  }
0x168: {  	v46 =	vld [tilespmem:s21+$0x6920];
	v48 =	vmul.f32 v61, v20;
	v49 =	vmul.f32 v62, v21;
	v24 =	vadd.f32 v24, v25;
	[tilespmem:s21+$0xA160] =	vst v28  }
0x169: {  	v47 =	vld [tilespmem:s21+$0x6910];
	v51 =	vmul.f32 v60, v20;
	v52 =	vmul.f32 v63, v21;
	v22 =	vadd.f32 v22, v23;
	[tilespmem:s21+$0xA150] =	vst v26  }
0x16a: {  	v50 =	vld [tilespmem:s21+$0x2D10];
	v17 =	vmul.f32 v17, v20;
	v16 =	vmul.f32 v16, v21;
	v18 =	vadd.f32 v18, v19;
	[tilespmem:s21+$0xA140] =	vst v24  }
0x16b: {  	v53 =	vld [tilespmem:s21+$0x6D10];
	v13 =	vmul.f32 v13, v20;
	v12 =	vmul.f32 v12, v21;
	v14 =	vadd.f32 v15, v14;
	[tilespmem:s21+$0xA130] =	vst v22  }
0x16c: {  	v56 =	vld [tilespmem:s21+$0x2D20];
	v11 =	vmul.f32 v11, v20;
	v10 =	vmul.f32 v10, v21;
	v16 =	vadd.f32 v16, v17;
	[tilespmem:s21+$0xA120] =	vst v18  }
0x16d: {  	v58 =	vld [tilespmem:s21+$0x6D20];
	v9 =	vmul.f32 v9, v20;
	v8 =	vmul.f32 v8, v21;
	v12 =	vadd.f32 v12, v13;
	[tilespmem:s21+$0xA110] =	vst v14  }
0x16e: {  	v60 =	vld [tilespmem:s21+$0x2D30];
	v7 =	vmul.f32 v7, v20;
	v6 =	vmul.f32 v6, v21;
	v10 =	vadd.f32 v10, v11;
	[tilespmem:s21+$0xA570] =	vst v16  }
0x16f: {  	v62 =	vld [tilespmem:s21+$0x6D30];
	v5 =	vmul.f32 v5, v20;
	v4 =	vmul.f32 v4, v21;
	v8 =	vadd.f32 v8, v9;
	[tilespmem:s21+$0xA560] =	vst v12  }
0x170: {  	v54 =	vmul.f32 v44, v20;
	v63 =	vmul.f32 v40, v20;
	v40 =	vld [tilespmem:s21+$0x2D70];
	v6 =	vadd.f32 v6, v7;
	[tilespmem:s21+$0xA550] =	vst v10  }
0x171: {  	v57 =	vmul.f32 v43, v20;
	v59 =	vmul.f32 v42, v20;
	v43 =	vld [tilespmem:s21+$0x6D70];
	v4 =	vadd.f32 v4, v5;
	[tilespmem:s21+$0xA540] =	vst v8  }
0x172: {  	v25 =	vmul.f32 v45, v21;
	v23 =	vmul.f32 v46, v21;
	v46 =	vld [tilespmem:s21+$0x6100];
	v22 =	vadd.f32 v49, v48;
	[tilespmem:s21+$0xA530] =	vst v6  }
0x173: {  	v61 =	vmul.f32 v41, v20;
	v41 =	vmul.f32 v50, v20;
	v34 =	vld [tilespmem:s21+$0x6950];
	v18 =	vadd.f32 v52, v51;
	[tilespmem:s21+$0xA520] =	vst v4  }
0x174: {  	v42 =	vmul.f32 v53, v21;
	v19 =	vmul.f32 v47, v21;
	v36 =	vld [tilespmem:s21+$0x6940];
	v25 =	vadd.f32 v25, v59;
	[tilespmem:s21+$0xAD00] =	vst v22  }
0x175: {  	v44 =	vmul.f32 v56, v20;
	v33 =	vmul.f32 v38, v20;
	v35 =	vld [tilespmem:s21+$0x6D40];
	v23 =	vadd.f32 v23, v61;
	[tilespmem:s21+$0xA960] =	vst v18  }
0x176: {  	v37 =	vld [tilespmem:s21+$0x6D50];
	v45 =	vmul.f32 v58, v21;
	v19 =	vadd.f32 v19, v63;
	v47 =	vmul.f32 v60, v20;
	[tilespmem:s21+$0xA930] =	vst v25  }
0x177: {  	v38 =	vld [tilespmem:s21+$0x2D60];
	v48 =	vadd.f32 v42, v41;
	v58 =	vmul.f32 v40, v20;
	v60 =	vmul.f32 v43, v21;
	[tilespmem:s21+$0xA920] =	vst v23  }
0x178: {  	v3 =	vmul.f32 v3, v20;
	v32 =	vld [tilespmem:s21+$0x2D40];
	v51 =	vadd.f32 v45, v44;
	[tilespmem:s21+$0xA910] =	vst v19;
	v61 =	vmul.f32 v46, v21  }
0x179: {  	[tilespmem:s21+$0xAD10] =	vst v48;
	v63 =	vadd.f32 v60, v58;
	v55 =	vmul.f32 v34, v21;
	v27 =	vmul.f32 v36, v21;
	v36 =	vld [tilespmem:s21+$0x2D50]  }
0x17a: {  	[tilespmem:s21+$0xAD20] =	vst v51;
	v34 =	vmul.f32 v39, v21;
	v39 =	vld [tilespmem:s21+$0x6D60];
	v3 =	vadd.f32 v61, v3  }
0x17b: {  	[tilespmem:s21+$0xAD70] =	vst v63;
	v24 =	vadd.f32 v55, v54  }
0x17c: {  	v49 =	vmul.f32 v62, v21;
	v26 =	vadd.f32 v27, v57;
	[tilespmem:s21+$0xA100] =	vst v3  }
0x17d: {  	v52 =	vmul.f32 v35, v21;
	v50 =	vmul.f32 v32, v20;
	v27 =	vadd.f32 v34, v33;
	[tilespmem:s21+$0xA950] =	vst v24  }
0x17e: {  	v54 =	vadd.f32 v49, v47;
	v55 =	vmul.f32 v37, v21;
	[tilespmem:s21+$0xA940] =	vst v26;
	v53 =	vmul.f32 v36, v20  }
0x17f: {  	v13 =	vmul.f32 v38, v20;
	v56 =	vadd.f32 v52, v50;
	[tilespmem:s21+$0xA900] =	vst v27;
	v57 =	vmul.f32 v39, v21  }
0x180: {  	[tilespmem:s21+$0xAD30] =	vst v54;
	v59 =	vadd.f32 v55, v53  }
0x181: {  	[tilespmem:s21+$0xAD40] =	vst v56;
	v62 =	vadd.f32 v57, v13  }
0x182: {  	[tilespmem:s21+$0xAD50] =	vst v59  }
0x183: {  	s20 =	sadd.s32 $0x1, s20;
	[tilespmem:s21+$0xAD60] =	vst v62  }
0x184: {  	[hbm4b:s10+s2] =	stream.linear.scatter [tilespmem:s17], [sflag:$0x6], $0x2000, $0x38;
	[tilespmem:$0xE100] =	vst v63  }
0x185: {  	p0 =	sne.s32 s20, s11;
	_ =	swait.ge [sflag:s18], $0x2000  }
.Ltmp2:
0x186: {  	[sflag:s18] =	ssyncset.done $0x0;
	(pc) =	sbr.rel @p0 .LBB2_1-.Ltmp2, $4  }
0x187: {  	[sflag:s18] =	ssyncadd.s32 $0xFFFFE000  }
0x188: {  	_ =	swait.ge [sflag:s19], $0x2000  }
0x189: {  	[sflag:s19] =	ssyncset.done $0x0  }
0x18a: {  	[sflag:s19] =	ssyncadd.s32 $0xFFFFE000  }
0x18b: {  	_ =	sfence.sel $0x180000  }
0x18c: {  	[bflag:$0x0] =	sbarrier.arrive $0xFFFF  }
0x18d: {  	_ =	strace $0x9000004A  }
0x18e: {  	s0 =	stileid.u32;
	[bflag:$0x2] =	sbarrier.arrive $0xFFFF  }
0x18f: {  	p0 =	sne.s32 s0, $0x0;
	s0 =	rddreg [dreg:$0x2]  }
0x190: {  	s0 =	sadd.s32 @!p0 $0x100000, s0  }
0x191: {  	[sflag:s0] =	ssyncadd.tile.s32 @!p0 $0x1;
	_ =	shalt  }
.Lfunc_end2:
_tile_overlayer_lowered:
.L_overlay_start_2:
0x192: {  	(tag) =	ssettag $0x2  }
0x193: {  	s0 =	rddreg [dreg:$0x0];
	s2 =	stileid.u32  }
0x194: {  	s1 =	rddreg [dreg:$0x1];
	p0 =	sne.s32 s2, $0x0  }
0x195: {  	s3 =	rddreg [dreg:$0x2];
	[bflag:$0x3] =	sbarrier.arrive $0xFFFF;
	s2 =	simm.s32 @!p0 $0x1C07  }
0x196: {  	[timem:s3], [sflag:s2] =	dma.local @!p0 [hbm:s0], s1  }
0x197: {  	s0 =	simm.s32 @!p0 $0x7  }
0x198: {  	_ =	swait.ge @!p0 [sflag:s0], s1  }
0x199: {  	s1 =	ssub.s32 @!p0 $0x0, s1;
	[sflag:s0] =	ssyncset.done @!p0 $0x0  }
0x19a: {  	[sflag:s0] =	ssyncadd.s32 @!p0 s1  }
0x19b: {  	[bflag:$0x3] =	sbarrier.arrive $0xFFFF  }
0x19c: {  	_ =	shalt  }

</sc_bundles>
